<compile_context>
chip_gen: v7x
topology: tpu7x:2x2x1
jax: 0.10.2.dev20260603
libtpu: 0.0.44.dev20260713+nightly
codegen_flags: <defaults>
</compile_context>

<pallas_src>
import functools
import math

import jax
import jax.numpy as jnp
from jax import lax
from jax.experimental import pallas as pl
from jax.experimental.pallas import tpu as pltpu
from jax.experimental.pallas import tpu_sc as plsc

N_EMB = 64
SCALE = math.sqrt(N_EMB)

NC = 2
NS = 16
NW = NC * NS

NBUF = 8
LOOKAHEAD = 4


def _embed_call(xf, lut, R, C):
    D = N_EMB
    r_per_w = R // NW
    b_per_w = r_per_w * C
    mesh = plsc.VectorSubcoreMesh(core_axis_name="c", subcore_axis_name="s")

    @functools.partial(
        pl.kernel,
        out_type=jax.ShapeDtypeStruct((R, C, 128), jnp.float32),
        mesh=mesh,
        scratch_types=[
            pltpu.VMEM((b_per_w,), jnp.int32),
            [pltpu.VMEM((C, D), jnp.float32) for _ in range(NBUF)],
            [pltpu.SemaphoreType.DMA for _ in range(NBUF)],
            [pltpu.SemaphoreType.DMA for _ in range(NBUF)],
        ],
        compiler_params=pltpu.CompilerParams(use_tc_tiling_on_sc=False),
    )
    def k(x_hbm, lut_hbm, out_hbm, idx_v, rows, gsem, ssem):
        wid = lax.axis_index("s") * NC + lax.axis_index("c")
        base = wid * b_per_w
        row0 = wid * r_per_w

        pltpu.sync_copy(x_hbm.at[pl.ds(base, b_per_w)], idx_v)

        def start_gather(c, b):
            pltpu.async_copy(
                lut_hbm.at[idx_v.at[pl.ds(c * C, C)]], rows[b], gsem[b])

        def wait_gather(c, b):
            pltpu.make_async_copy(
                lut_hbm.at[idx_v.at[pl.ds(c * C, C)]], rows[b], gsem[b]).wait()

        def start_scatter(c, b):
            pltpu.async_copy(
                rows[b], out_hbm.at[row0 + c, :, pl.ds(0, D)], ssem[b])

        def wait_scatter(c, b):
            pltpu.make_async_copy(
                rows[b], out_hbm.at[row0 + c, :, pl.ds(0, D)], ssem[b]).wait()

        for j in range(LOOKAHEAD):
            start_gather(j, j)

        def outer(io, carry):
            for b in range(NBUF):
                i = io * NBUF + b
                nb = (b + LOOKAHEAD) % NBUF

                @pl.when(i + LOOKAHEAD < r_per_w)
                def _():
                    @pl.when(i + LOOKAHEAD >= NBUF)
                    def _():
                        wait_scatter(i + LOOKAHEAD - NBUF, nb)
                    start_gather(i + LOOKAHEAD, nb)

                wait_gather(i, b)

                @plsc.parallel_loop(0, C, step=1, unroll=8)
                def _(r):
                    for j in range(D // 16):
                        sl = pl.ds(j * 16, 16)
                        rows[b][r, sl] = rows[b][r, sl] * SCALE

                start_scatter(i, b)
            return carry

        lax.fori_loop(0, r_per_w // NBUF, outer, 0)

        for b in range(NBUF):
            wait_scatter(r_per_w - NBUF + b, b)

    return k(xf, lut)


def kernel(x, lut):
    R, C = x.shape
    xf = x.reshape(R * C).astype(jnp.int32)
    return _embed_call(xf, lut, R, C)[:, :, :N_EMB]

# --- scband reference (transcript-rebuilt; emitter-appended) ---
"""Pipeline reference for scband-tgt-embeddings-29935922053607 (READ-ONLY COPY).

The authoritative reference and input builder live on the scoring server;
editing this copy changes nothing except your own understanding.
"""

import jax, jax.numpy as jnp
import numpy as np
import math

N_EMB = 64
VOCAB_SIZE = 1000000

def setup_inputs(seed: int = 0) -> dict:
    key = jax.random.key(seed)
    k1, k2 = jax.random.split(key)
    x = jax.random.randint(k1, (4096, 200), 0, VOCAB_SIZE, dtype=jnp.int64 if jax.config.jax_enable_x64 else jnp.int32)
    lut = jax.random.normal(k2, (VOCAB_SIZE, N_EMB), dtype=jnp.float32)
    return {"x": x, "lut": lut}

def reference(x, lut):
    # tgt_embeddings.forward: self.lut(x) * sqrt(n_emb)
    emb = jnp.take(lut, x, axis=0)
    return emb * math.sqrt(N_EMB)

if __name__ == "__main__":
    import jax
    _d = setup_inputs()
    print(jax.jit(kernel)(*tuple(_d.values())))

</pallas_src>

<mosaic_0001>
#map = affine_map<(d0, d1) -> (0)>
#map1 = affine_map<(d0, d1) -> (0, 0)>
#map2 = affine_map<(d0, d1) -> (0, 0, 0)>
module attributes {stable_mosaic.version = 14 : i64} {
  func.func @k(%arg0: i32, %arg1: i32, %arg2: memref<819200xi32, #tpu.memory_space<hbm>>, %arg3: memref<1000000x64xf32, #tpu.memory_space<hbm>>, %arg4: memref<4096x200x128xf32, #tpu.memory_space<hbm>>, %arg5: memref<25600xi32, #tpu.memory_space<vmem>>, %arg6: memref<200x64xf32, #tpu.memory_space<vmem>>, %arg7: memref<200x64xf32, #tpu.memory_space<vmem>>, %arg8: memref<200x64xf32, #tpu.memory_space<vmem>>, %arg9: memref<200x64xf32, #tpu.memory_space<vmem>>, %arg10: memref<200x64xf32, #tpu.memory_space<vmem>>, %arg11: memref<200x64xf32, #tpu.memory_space<vmem>>, %arg12: memref<200x64xf32, #tpu.memory_space<vmem>>, %arg13: memref<200x64xf32, #tpu.memory_space<vmem>>, %arg14: memref<!tpu.dma_semaphore, #tpu.memory_space<semaphore_mem>>, %arg15: memref<!tpu.dma_semaphore, #tpu.memory_space<semaphore_mem>>, %arg16: memref<!tpu.dma_semaphore, #tpu.memory_space<semaphore_mem>>, %arg17: memref<!tpu.dma_semaphore, #tpu.memory_space<semaphore_mem>>, %arg18: memref<!tpu.dma_semaphore, #tpu.memory_space<semaphore_mem>>, %arg19: memref<!tpu.dma_semaphore, #tpu.memory_space<semaphore_mem>>, %arg20: memref<!tpu.dma_semaphore, #tpu.memory_space<semaphore_mem>>, %arg21: memref<!tpu.dma_semaphore, #tpu.memory_space<semaphore_mem>>, %arg22: memref<!tpu.dma_semaphore, #tpu.memory_space<semaphore_mem>>, %arg23: memref<!tpu.dma_semaphore, #tpu.memory_space<semaphore_mem>>, %arg24: memref<!tpu.dma_semaphore, #tpu.memory_space<semaphore_mem>>, %arg25: memref<!tpu.dma_semaphore, #tpu.memory_space<semaphore_mem>>, %arg26: memref<!tpu.dma_semaphore, #tpu.memory_space<semaphore_mem>>, %arg27: memref<!tpu.dma_semaphore, #tpu.memory_space<semaphore_mem>>, %arg28: memref<!tpu.dma_semaphore, #tpu.memory_space<semaphore_mem>>, %arg29: memref<!tpu.dma_semaphore, #tpu.memory_space<semaphore_mem>>) attributes {dimension_semantics = [#tpu.dimension_semantics<core_parallel>, #tpu.dimension_semantics<subcore_parallel>], iteration_bounds = array<i64: 2, 16>, scalar_prefetch = 0 : i64, scratch_operands = 25 : i64, tpu.core_type = #tpu.core_type<sc_vector_subcore>, window_params = [{transform_indices = #map}, {transform_indices = #map1}, {transform_indices = #map2}]} {
    %mul3A = arith.constant 2 : i32
    %mul3A_0 = arith.muli %arg1, %mul3A : i32
    %add3A = arith.addi %mul3A_0, %arg0 : i32
    %mul3A_1 = arith.constant 25600 : i32
    %mul3A_2 = arith.muli %add3A, %mul3A_1 : i32
    %mul3A_3 = arith.constant 128 : i32
    %mul3A_4 = arith.muli %add3A, %mul3A_3 : i32
    "tpu.region"() ({
      %run_scoped3A = tpu.sem_alloc : memref<!tpu.dma_semaphore, #tpu.memory_space<semaphore_mem>>
      %dma_start3A_108 = tpu.memref_slice %arg2[%mul3A_2] : memref<819200xi32, #tpu.memory_space<hbm>> -> memref<25600xi32, #tpu.memory_space<hbm>>
      %dma_start3A_109 = tpu.memref_slice %arg2[%mul3A_2] : memref<819200xi32, #tpu.memory_space<hbm>> -> memref<25600xi32, #tpu.memory_space<hbm>>
      tpu.enqueue_dma source(%dma_start3A_109 : memref<25600xi32, #tpu.memory_space<hbm>>) target(%arg5 : memref<25600xi32, #tpu.memory_space<vmem>>) target_semaphore(%run_scoped3A : memref<!tpu.dma_semaphore, #tpu.memory_space<semaphore_mem>>)
      %dma_wait3A_110 = tpu.memref_slice %arg2[%mul3A_2] : memref<819200xi32, #tpu.memory_space<hbm>> -> memref<25600xi32, #tpu.memory_space<hbm>>
      %dma_wait3A_111 = tpu.memref_slice %arg2[%mul3A_2] : memref<819200xi32, #tpu.memory_space<hbm>> -> memref<25600xi32, #tpu.memory_space<hbm>>
      tpu.wait_dma2 semaphore(%run_scoped3A : memref<!tpu.dma_semaphore, #tpu.memory_space<semaphore_mem>>) src(%dma_wait3A_111 : memref<25600xi32, #tpu.memory_space<hbm>>) dst(%arg5 : memref<25600xi32, #tpu.memory_space<vmem>>)
      tpu.yield
    }) : () -> ()
    %dma_start3A = arith.constant 0 : i32
    %dma_start3A_5 = tpu.memref_slice %arg5[%dma_start3A] : memref<25600xi32, #tpu.memory_space<vmem>> -> memref<200xi32, #tpu.memory_space<vmem>>
    %dma_start3A_6 = arith.constant 0 : i32
    %dma_start3A_7 = arith.constant 0 : i32
    %dma_start3A_8 = tpu.memref_slice %arg3[%dma_start3A_6, %dma_start3A_7] : memref<1000000x64xf32, #tpu.memory_space<hbm>> -> memref<1000000x64xf32, #tpu.memory_space<hbm>>
    tpu.enqueue_indirect_dma source(%dma_start3A_8 : memref<1000000x64xf32, #tpu.memory_space<hbm>>) target(%arg6 : memref<200x64xf32, #tpu.memory_space<vmem>>) offsets(%dma_start3A_5 : memref<200xi32, #tpu.memory_space<vmem>>) semaphore(%arg14 : memref<!tpu.dma_semaphore, #tpu.memory_space<semaphore_mem>>)
    %dma_start3A_9 = arith.constant 200 : i32
    %dma_start3A_10 = tpu.memref_slice %arg5[%dma_start3A_9] : memref<25600xi32, #tpu.memory_space<vmem>> -> memref<200xi32, #tpu.memory_space<vmem>>
    %dma_start3A_11 = arith.constant 0 : i32
    %dma_start3A_12 = arith.constant 0 : i32
    %dma_start3A_13 = tpu.memref_slice %arg3[%dma_start3A_11, %dma_start3A_12] : memref<1000000x64xf32, #tpu.memory_space<hbm>> -> memref<1000000x64xf32, #tpu.memory_space<hbm>>
    tpu.enqueue_indirect_dma source(%dma_start3A_13 : memref<1000000x64xf32, #tpu.memory_space<hbm>>) target(%arg7 : memref<200x64xf32, #tpu.memory_space<vmem>>) offsets(%dma_start3A_10 : memref<200xi32, #tpu.memory_space<vmem>>) semaphore(%arg15 : memref<!tpu.dma_semaphore, #tpu.memory_space<semaphore_mem>>)
    %dma_start3A_14 = arith.constant 400 : i32
    %dma_start3A_15 = tpu.memref_slice %arg5[%dma_start3A_14] : memref<25600xi32, #tpu.memory_space<vmem>> -> memref<200xi32, #tpu.memory_space<vmem>>
    %dma_start3A_16 = arith.constant 0 : i32
    %dma_start3A_17 = arith.constant 0 : i32
    %dma_start3A_18 = tpu.memref_slice %arg3[%dma_start3A_16, %dma_start3A_17] : memref<1000000x64xf32, #tpu.memory_space<hbm>> -> memref<1000000x64xf32, #tpu.memory_space<hbm>>
    tpu.enqueue_indirect_dma source(%dma_start3A_18 : memref<1000000x64xf32, #tpu.memory_space<hbm>>) target(%arg8 : memref<200x64xf32, #tpu.memory_space<vmem>>) offsets(%dma_start3A_15 : memref<200xi32, #tpu.memory_space<vmem>>) semaphore(%arg16 : memref<!tpu.dma_semaphore, #tpu.memory_space<semaphore_mem>>)
    %dma_start3A_19 = arith.constant 600 : i32
    %dma_start3A_20 = tpu.memref_slice %arg5[%dma_start3A_19] : memref<25600xi32, #tpu.memory_space<vmem>> -> memref<200xi32, #tpu.memory_space<vmem>>
    %dma_start3A_21 = arith.constant 0 : i32
    %dma_start3A_22 = arith.constant 0 : i32
    %dma_start3A_23 = tpu.memref_slice %arg3[%dma_start3A_21, %dma_start3A_22] : memref<1000000x64xf32, #tpu.memory_space<hbm>> -> memref<1000000x64xf32, #tpu.memory_space<hbm>>
    tpu.enqueue_indirect_dma source(%dma_start3A_23 : memref<1000000x64xf32, #tpu.memory_space<hbm>>) target(%arg9 : memref<200x64xf32, #tpu.memory_space<vmem>>) offsets(%dma_start3A_20 : memref<200xi32, #tpu.memory_space<vmem>>) semaphore(%arg17 : memref<!tpu.dma_semaphore, #tpu.memory_space<semaphore_mem>>)
    %scan3A = arith.constant 0 : i32
    %scan3A_24 = arith.constant 0 : i32
    %scan3A_25 = arith.constant 16 : i32
    %scan3A_26 = arith.addi %scan3A_24, %scan3A_25 : i32
    %scan3A_27 = arith.constant 1 : i32
    scf.for %scan3A_108 = %scan3A_24 to %scan3A_26 step %scan3A_27  : i32 {
      %mul3A_109 = arith.constant 8 : i32
      %mul3A_110 = arith.muli %scan3A_108, %mul3A_109 : i32
      %add3A_111 = arith.constant 0 : i32
      %add3A_112 = arith.addi %mul3A_110, %add3A_111 : i32
      %add3A_113 = arith.constant 4 : i32
      %add3A_114 = arith.addi %add3A_112, %add3A_113 : i32
      %lt3A = arith.constant 128 : i32
      %lt3A_115 = arith.cmpi slt, %add3A_114, %lt3A : i32
      %convert_element_type3A = arith.extui %lt3A_115 : i1 to i32
      %cond3A = arith.constant 0 : i32
      %cond3A_116 = arith.cmpi ne, %convert_element_type3A, %cond3A : i32
      scf.if %cond3A_116 {
        %add3A_337 = arith.constant 4 : i32
        %add3A_338 = arith.addi %add3A_112, %add3A_337 : i32
        %ge3A = arith.constant 8 : i32
        %ge3A_339 = arith.cmpi sge, %add3A_338, %ge3A : i32
        %convert_element_type3A_340 = arith.extui %ge3A_339 : i1 to i32
        %cond3A_341 = arith.constant 0 : i32
        %cond3A_342 = arith.cmpi ne, %convert_element_type3A_340, %cond3A_341 : i32
        scf.if %cond3A_342 {
          %add3A_351 = arith.constant 4 : i32
          %add3A_352 = arith.addi %add3A_112, %add3A_351 : i32
          %sub3A = arith.constant 8 : i32
          %sub3A_353 = arith.subi %add3A_352, %sub3A : i32
          %add3A_354 = arith.addi %mul3A_4, %sub3A_353 : i32
          %dma_wait3A_355 = arith.constant 0 : i32
          %dma_wait3A_356 = arith.constant 0 : i32
          %dma_wait3A_357 = tpu.memref_slice %arg4[%add3A_354, %dma_wait3A_355, %dma_wait3A_356] : memref<4096x200x128xf32, #tpu.memory_space<hbm>> -> memref<1x200x64xf32, #tpu.memory_space<hbm>>
          %dma_wait3A_358 = tpu.memref_squeeze %dma_wait3A_357 : memref<1x200x64xf32, #tpu.memory_space<hbm>> -> memref<200x64xf32, #tpu.memory_space<hbm>>
          %dma_wait3A_359 = arith.constant 0 : i32
          %dma_wait3A_360 = arith.constant 0 : i32
          %dma_wait3A_361 = tpu.memref_slice %arg4[%add3A_354, %dma_wait3A_359, %dma_wait3A_360] : memref<4096x200x128xf32, #tpu.memory_space<hbm>> -> memref<1x200x64xf32, #tpu.memory_space<hbm>>
          %dma_wait3A_362 = tpu.memref_squeeze %dma_wait3A_361 : memref<1x200x64xf32, #tpu.memory_space<hbm>> -> memref<200x64xf32, #tpu.memory_space<hbm>>
          tpu.wait_dma2 semaphore(%arg26 : memref<!tpu.dma_semaphore, #tpu.memory_space<semaphore_mem>>) src(%arg10 : memref<200x64xf32, #tpu.memory_space<vmem>>) dst(%dma_wait3A_362 : memref<200x64xf32, #tpu.memory_space<hbm>>)
        } else {
        }
        %add3A_343 = arith.constant 4 : i32
        %add3A_344 = arith.addi %add3A_112, %add3A_343 : i32
        %mul3A_345 = arith.constant 200 : i32
        %mul3A_346 = arith.muli %add3A_344, %mul3A_345 : i32
        %dma_start3A_347 = tpu.memref_slice %arg5[%mul3A_346] : memref<25600xi32, #tpu.memory_space<vmem>> -> memref<200xi32, #tpu.memory_space<vmem>>
        %dma_start3A_348 = arith.constant 0 : i32
        %dma_start3A_349 = arith.constant 0 : i32
        %dma_start3A_350 = tpu.memref_slice %arg3[%dma_start3A_348, %dma_start3A_349] : memref<1000000x64xf32, #tpu.memory_space<hbm>> -> memref<1000000x64xf32, #tpu.memory_space<hbm>>
        tpu.enqueue_indirect_dma source(%dma_start3A_350 : memref<1000000x64xf32, #tpu.memory_space<hbm>>) target(%arg10 : memref<200x64xf32, #tpu.memory_space<vmem>>) offsets(%dma_start3A_347 : memref<200xi32, #tpu.memory_space<vmem>>) semaphore(%arg18 : memref<!tpu.dma_semaphore, #tpu.memory_space<semaphore_mem>>)
      } else {
      }
      %mul3A_117 = arith.constant 200 : i32
      %mul3A_118 = arith.muli %add3A_112, %mul3A_117 : i32
      %dma_wait3A_119 = tpu.memref_slice %arg5[%mul3A_118] : memref<25600xi32, #tpu.memory_space<vmem>> -> memref<200xi32, #tpu.memory_space<vmem>>
      %dma_wait3A_120 = arith.constant 0 : i32
      %dma_wait3A_121 = arith.constant 0 : i32
      %dma_wait3A_122 = tpu.memref_slice %arg3[%dma_wait3A_120, %dma_wait3A_121] : memref<1000000x64xf32, #tpu.memory_space<hbm>> -> memref<1000000x64xf32, #tpu.memory_space<hbm>>
      tpu.wait_indirect_dma semaphore(%arg14 : memref<!tpu.dma_semaphore, #tpu.memory_space<semaphore_mem>>) src(%dma_wait3A_122 : memref<1000000x64xf32, #tpu.memory_space<hbm>>) dst(%arg6 : memref<200x64xf32, #tpu.memory_space<vmem>>)
      %parallel_loop3A = arith.constant 0 : i32
      %parallel_loop3A_123 = arith.constant 200 : i32
      %parallel_loop3A_124 = arith.constant 1 : i32
      scf.for %parallel_loop3A_337 = %parallel_loop3A to %parallel_loop3A_123 step %parallel_loop3A_124  : i32 {
        %parallel_loop3A_338 = arith.index_cast %parallel_loop3A_337 : i32 to index
        %parallel_loop3A_339 = arith.constant 0 : index
        %parallel_loop3A_340 = tpu.vector_load %arg6[%parallel_loop3A_338, %parallel_loop3A_339] {strides = array<i32>} : memref<200x64xf32, #tpu.memory_space<vmem>>, vector<1x16xf32>,
        %parallel_loop3A_341 = vector.shape_cast %parallel_loop3A_340 : vector<1x16xf32> to vector<16xf32>
        %parallel_loop3A_342 = arith.constant 8.000000e+00 : f32
        %parallel_loop3A_343 = vector.broadcast %parallel_loop3A_342 : f32 to vector<16xf32>
        %parallel_loop3A_344 = arith.mulf %parallel_loop3A_341, %parallel_loop3A_343 : vector<16xf32>
        %parallel_loop3A_345 = arith.index_cast %parallel_loop3A_337 : i32 to index
        %parallel_loop3A_346 = arith.constant 0 : index
        %parallel_loop3A_347 = tpu.vector_load %arg6[%parallel_loop3A_345, %parallel_loop3A_346] {strides = array<i32>} : memref<200x64xf32, #tpu.memory_space<vmem>>, vector<1x16xf32>,
        %parallel_loop3A_348 = vector.shape_cast %parallel_loop3A_347 : vector<1x16xf32> to vector<16xf32>
        %parallel_loop3A_349 = vector.shape_cast %parallel_loop3A_344 : vector<16xf32> to vector<1x16xf32>
        tpu.vector_store %arg6[%parallel_loop3A_345, %parallel_loop3A_346], %parallel_loop3A_349 {strides = array<i32>} : memref<200x64xf32, #tpu.memory_space<vmem>>, vector<1x16xf32>,
        %parallel_loop3A_350 = arith.index_cast %parallel_loop3A_337 : i32 to index
        %parallel_loop3A_351 = arith.constant 16 : index
        %parallel_loop3A_352 = tpu.vector_load %arg6[%parallel_loop3A_350, %parallel_loop3A_351] {strides = array<i32>} : memref<200x64xf32, #tpu.memory_space<vmem>>, vector<1x16xf32>,
        %parallel_loop3A_353 = vector.shape_cast %parallel_loop3A_352 : vector<1x16xf32> to vector<16xf32>
        %parallel_loop3A_354 = arith.constant 8.000000e+00 : f32
        %parallel_loop3A_355 = vector.broadcast %parallel_loop3A_354 : f32 to vector<16xf32>
        %parallel_loop3A_356 = arith.mulf %parallel_loop3A_353, %parallel_loop3A_355 : vector<16xf32>
        %parallel_loop3A_357 = arith.index_cast %parallel_loop3A_337 : i32 to index
        %parallel_loop3A_358 = arith.constant 16 : index
        %parallel_loop3A_359 = tpu.vector_load %arg6[%parallel_loop3A_357, %parallel_loop3A_358] {strides = array<i32>} : memref<200x64xf32, #tpu.memory_space<vmem>>, vector<1x16xf32>,
        %parallel_loop3A_360 = vector.shape_cast %parallel_loop3A_359 : vector<1x16xf32> to vector<16xf32>
        %parallel_loop3A_361 = vector.shape_cast %parallel_loop3A_356 : vector<16xf32> to vector<1x16xf32>
        tpu.vector_store %arg6[%parallel_loop3A_357, %parallel_loop3A_358], %parallel_loop3A_361 {strides = array<i32>} : memref<200x64xf32, #tpu.memory_space<vmem>>, vector<1x16xf32>,
        %parallel_loop3A_362 = arith.index_cast %parallel_loop3A_337 : i32 to index
        %parallel_loop3A_363 = arith.constant 32 : index
        %parallel_loop3A_364 = tpu.vector_load %arg6[%parallel_loop3A_362, %parallel_loop3A_363] {strides = array<i32>} : memref<200x64xf32, #tpu.memory_space<vmem>>, vector<1x16xf32>,
        %parallel_loop3A_365 = vector.shape_cast %parallel_loop3A_364 : vector<1x16xf32> to vector<16xf32>
        %parallel_loop3A_366 = arith.constant 8.000000e+00 : f32
        %parallel_loop3A_367 = vector.broadcast %parallel_loop3A_366 : f32 to vector<16xf32>
        %parallel_loop3A_368 = arith.mulf %parallel_loop3A_365, %parallel_loop3A_367 : vector<16xf32>
        %parallel_loop3A_369 = arith.index_cast %parallel_loop3A_337 : i32 to index
        %parallel_loop3A_370 = arith.constant 32 : index
        %parallel_loop3A_371 = tpu.vector_load %arg6[%parallel_loop3A_369, %parallel_loop3A_370] {strides = array<i32>} : memref<200x64xf32, #tpu.memory_space<vmem>>, vector<1x16xf32>,
        %parallel_loop3A_372 = vector.shape_cast %parallel_loop3A_371 : vector<1x16xf32> to vector<16xf32>
        %parallel_loop3A_373 = vector.shape_cast %parallel_loop3A_368 : vector<16xf32> to vector<1x16xf32>
        tpu.vector_store %arg6[%parallel_loop3A_369, %parallel_loop3A_370], %parallel_loop3A_373 {strides = array<i32>} : memref<200x64xf32, #tpu.memory_space<vmem>>, vector<1x16xf32>,
        %parallel_loop3A_374 = arith.index_cast %parallel_loop3A_337 : i32 to index
        %parallel_loop3A_375 = arith.constant 48 : index
        %parallel_loop3A_376 = tpu.vector_load %arg6[%parallel_loop3A_374, %parallel_loop3A_375] {strides = array<i32>} : memref<200x64xf32, #tpu.memory_space<vmem>>, vector<1x16xf32>,
        %parallel_loop3A_377 = vector.shape_cast %parallel_loop3A_376 : vector<1x16xf32> to vector<16xf32>
        %parallel_loop3A_378 = arith.constant 8.000000e+00 : f32
        %parallel_loop3A_379 = vector.broadcast %parallel_loop3A_378 : f32 to vector<16xf32>
        %parallel_loop3A_380 = arith.mulf %parallel_loop3A_377, %parallel_loop3A_379 : vector<16xf32>
        %parallel_loop3A_381 = arith.index_cast %parallel_loop3A_337 : i32 to index
        %parallel_loop3A_382 = arith.constant 48 : index
        %parallel_loop3A_383 = tpu.vector_load %arg6[%parallel_loop3A_381, %parallel_loop3A_382] {strides = array<i32>} : memref<200x64xf32, #tpu.memory_space<vmem>>, vector<1x16xf32>,
        %parallel_loop3A_384 = vector.shape_cast %parallel_loop3A_383 : vector<1x16xf32> to vector<16xf32>
        %parallel_loop3A_385 = vector.shape_cast %parallel_loop3A_380 : vector<16xf32> to vector<1x16xf32>
        tpu.vector_store %arg6[%parallel_loop3A_381, %parallel_loop3A_382], %parallel_loop3A_385 {strides = array<i32>} : memref<200x64xf32, #tpu.memory_space<vmem>>, vector<1x16xf32>,
      } {sc.loop_unroll_factor = 8 : i64, sc.parallel_access}
      %add3A_125 = arith.addi %mul3A_4, %add3A_112 : i32
      %dma_start3A_126 = arith.constant 0 : i32
      %dma_start3A_127 = arith.constant 0 : i32
      %dma_start3A_128 = tpu.memref_slice %arg4[%add3A_125, %dma_start3A_126, %dma_start3A_127] : memref<4096x200x128xf32, #tpu.memory_space<hbm>> -> memref<1x200x64xf32, #tpu.memory_space<hbm>>
      %dma_start3A_129 = tpu.memref_squeeze %dma_start3A_128 : memref<1x200x64xf32, #tpu.memory_space<hbm>> -> memref<200x64xf32, #tpu.memory_space<hbm>>
      %dma_start3A_130 = arith.constant 0 : i32
      %dma_start3A_131 = arith.constant 0 : i32
      %dma_start3A_132 = tpu.memref_slice %arg4[%add3A_125, %dma_start3A_130, %dma_start3A_131] : memref<4096x200x128xf32, #tpu.memory_space<hbm>> -> memref<1x200x64xf32, #tpu.memory_space<hbm>>
      %dma_start3A_133 = tpu.memref_squeeze %dma_start3A_132 : memref<1x200x64xf32, #tpu.memory_space<hbm>> -> memref<200x64xf32, #tpu.memory_space<hbm>>
      tpu.enqueue_dma source(%arg6 : memref<200x64xf32, #tpu.memory_space<vmem>>) target(%dma_start3A_133 : memref<200x64xf32, #tpu.memory_space<hbm>>) target_semaphore(%arg22 : memref<!tpu.dma_semaphore, #tpu.memory_space<semaphore_mem>>)
      %mul3A_134 = arith.constant 8 : i32
      %mul3A_135 = arith.muli %scan3A_108, %mul3A_134 : i32
      %add3A_136 = arith.constant 1 : i32
      %add3A_137 = arith.addi %mul3A_135, %add3A_136 : i32
      %add3A_138 = arith.constant 4 : i32
      %add3A_139 = arith.addi %add3A_137, %add3A_138 : i32
      %lt3A_140 = arith.constant 128 : i32
      %lt3A_141 = arith.cmpi slt, %add3A_139, %lt3A_140 : i32
      %convert_element_type3A_142 = arith.extui %lt3A_141 : i1 to i32
      %cond3A_143 = arith.constant 0 : i32
      %cond3A_144 = arith.cmpi ne, %convert_element_type3A_142, %cond3A_143 : i32
      scf.if %cond3A_144 {
        %add3A_337 = arith.constant 4 : i32
        %add3A_338 = arith.addi %add3A_137, %add3A_337 : i32
        %ge3A = arith.constant 8 : i32
        %ge3A_339 = arith.cmpi sge, %add3A_338, %ge3A : i32
        %convert_element_type3A_340 = arith.extui %ge3A_339 : i1 to i32
        %cond3A_341 = arith.constant 0 : i32
        %cond3A_342 = arith.cmpi ne, %convert_element_type3A_340, %cond3A_341 : i32
        scf.if %cond3A_342 {
          %add3A_351 = arith.constant 4 : i32
          %add3A_352 = arith.addi %add3A_137, %add3A_351 : i32
          %sub3A = arith.constant 8 : i32
          %sub3A_353 = arith.subi %add3A_352, %sub3A : i32
          %add3A_354 = arith.addi %mul3A_4, %sub3A_353 : i32
          %dma_wait3A_355 = arith.constant 0 : i32
          %dma_wait3A_356 = arith.constant 0 : i32
          %dma_wait3A_357 = tpu.memref_slice %arg4[%add3A_354, %dma_wait3A_355, %dma_wait3A_356] : memref<4096x200x128xf32, #tpu.memory_space<hbm>> -> memref<1x200x64xf32, #tpu.memory_space<hbm>>
          %dma_wait3A_358 = tpu.memref_squeeze %dma_wait3A_357 : memref<1x200x64xf32, #tpu.memory_space<hbm>> -> memref<200x64xf32, #tpu.memory_space<hbm>>
          %dma_wait3A_359 = arith.constant 0 : i32
          %dma_wait3A_360 = arith.constant 0 : i32
          %dma_wait3A_361 = tpu.memref_slice %arg4[%add3A_354, %dma_wait3A_359, %dma_wait3A_360] : memref<4096x200x128xf32, #tpu.memory_space<hbm>> -> memref<1x200x64xf32, #tpu.memory_space<hbm>>
          %dma_wait3A_362 = tpu.memref_squeeze %dma_wait3A_361 : memref<1x200x64xf32, #tpu.memory_space<hbm>> -> memref<200x64xf32, #tpu.memory_space<hbm>>
          tpu.wait_dma2 semaphore(%arg27 : memref<!tpu.dma_semaphore, #tpu.memory_space<semaphore_mem>>) src(%arg11 : memref<200x64xf32, #tpu.memory_space<vmem>>) dst(%dma_wait3A_362 : memref<200x64xf32, #tpu.memory_space<hbm>>)
        } else {
        }
        %add3A_343 = arith.constant 4 : i32
        %add3A_344 = arith.addi %add3A_137, %add3A_343 : i32
        %mul3A_345 = arith.constant 200 : i32
        %mul3A_346 = arith.muli %add3A_344, %mul3A_345 : i32
        %dma_start3A_347 = tpu.memref_slice %arg5[%mul3A_346] : memref<25600xi32, #tpu.memory_space<vmem>> -> memref<200xi32, #tpu.memory_space<vmem>>
        %dma_start3A_348 = arith.constant 0 : i32
        %dma_start3A_349 = arith.constant 0 : i32
        %dma_start3A_350 = tpu.memref_slice %arg3[%dma_start3A_348, %dma_start3A_349] : memref<1000000x64xf32, #tpu.memory_space<hbm>> -> memref<1000000x64xf32, #tpu.memory_space<hbm>>
        tpu.enqueue_indirect_dma source(%dma_start3A_350 : memref<1000000x64xf32, #tpu.memory_space<hbm>>) target(%arg11 : memref<200x64xf32, #tpu.memory_space<vmem>>) offsets(%dma_start3A_347 : memref<200xi32, #tpu.memory_space<vmem>>) semaphore(%arg19 : memref<!tpu.dma_semaphore, #tpu.memory_space<semaphore_mem>>)
      } else {
      }
      %mul3A_145 = arith.constant 200 : i32
      %mul3A_146 = arith.muli %add3A_137, %mul3A_145 : i32
      %dma_wait3A_147 = tpu.memref_slice %arg5[%mul3A_146] : memref<25600xi32, #tpu.memory_space<vmem>> -> memref<200xi32, #tpu.memory_space<vmem>>
      %dma_wait3A_148 = arith.constant 0 : i32
      %dma_wait3A_149 = arith.constant 0 : i32
      %dma_wait3A_150 = tpu.memref_slice %arg3[%dma_wait3A_148, %dma_wait3A_149] : memref<1000000x64xf32, #tpu.memory_space<hbm>> -> memref<1000000x64xf32, #tpu.memory_space<hbm>>
      tpu.wait_indirect_dma semaphore(%arg15 : memref<!tpu.dma_semaphore, #tpu.memory_space<semaphore_mem>>) src(%dma_wait3A_150 : memref<1000000x64xf32, #tpu.memory_space<hbm>>) dst(%arg7 : memref<200x64xf32, #tpu.memory_space<vmem>>)
      %parallel_loop3A_151 = arith.constant 0 : i32
      %parallel_loop3A_152 = arith.constant 200 : i32
      %parallel_loop3A_153 = arith.constant 1 : i32
      scf.for %parallel_loop3A_337 = %parallel_loop3A_151 to %parallel_loop3A_152 step %parallel_loop3A_153  : i32 {
        %parallel_loop3A_338 = arith.index_cast %parallel_loop3A_337 : i32 to index
        %parallel_loop3A_339 = arith.constant 0 : index
        %parallel_loop3A_340 = tpu.vector_load %arg7[%parallel_loop3A_338, %parallel_loop3A_339] {strides = array<i32>} : memref<200x64xf32, #tpu.memory_space<vmem>>, vector<1x16xf32>,
        %parallel_loop3A_341 = vector.shape_cast %parallel_loop3A_340 : vector<1x16xf32> to vector<16xf32>
        %parallel_loop3A_342 = arith.constant 8.000000e+00 : f32
        %parallel_loop3A_343 = vector.broadcast %parallel_loop3A_342 : f32 to vector<16xf32>
        %parallel_loop3A_344 = arith.mulf %parallel_loop3A_341, %parallel_loop3A_343 : vector<16xf32>
        %parallel_loop3A_345 = arith.index_cast %parallel_loop3A_337 : i32 to index
        %parallel_loop3A_346 = arith.constant 0 : index
        %parallel_loop3A_347 = tpu.vector_load %arg7[%parallel_loop3A_345, %parallel_loop3A_346] {strides = array<i32>} : memref<200x64xf32, #tpu.memory_space<vmem>>, vector<1x16xf32>,
        %parallel_loop3A_348 = vector.shape_cast %parallel_loop3A_347 : vector<1x16xf32> to vector<16xf32>
        %parallel_loop3A_349 = vector.shape_cast %parallel_loop3A_344 : vector<16xf32> to vector<1x16xf32>
        tpu.vector_store %arg7[%parallel_loop3A_345, %parallel_loop3A_346], %parallel_loop3A_349 {strides = array<i32>} : memref<200x64xf32, #tpu.memory_space<vmem>>, vector<1x16xf32>,
        %parallel_loop3A_350 = arith.index_cast %parallel_loop3A_337 : i32 to index
        %parallel_loop3A_351 = arith.constant 16 : index
        %parallel_loop3A_352 = tpu.vector_load %arg7[%parallel_loop3A_350, %parallel_loop3A_351] {strides = array<i32>} : memref<200x64xf32, #tpu.memory_space<vmem>>, vector<1x16xf32>,
        %parallel_loop3A_353 = vector.shape_cast %parallel_loop3A_352 : vector<1x16xf32> to vector<16xf32>
        %parallel_loop3A_354 = arith.constant 8.000000e+00 : f32
        %parallel_loop3A_355 = vector.broadcast %parallel_loop3A_354 : f32 to vector<16xf32>
        %parallel_loop3A_356 = arith.mulf %parallel_loop3A_353, %parallel_loop3A_355 : vector<16xf32>
        %parallel_loop3A_357 = arith.index_cast %parallel_loop3A_337 : i32 to index
        %parallel_loop3A_358 = arith.constant 16 : index
        %parallel_loop3A_359 = tpu.vector_load %arg7[%parallel_loop3A_357, %parallel_loop3A_358] {strides = array<i32>} : memref<200x64xf32, #tpu.memory_space<vmem>>, vector<1x16xf32>,
        %parallel_loop3A_360 = vector.shape_cast %parallel_loop3A_359 : vector<1x16xf32> to vector<16xf32>
        %parallel_loop3A_361 = vector.shape_cast %parallel_loop3A_356 : vector<16xf32> to vector<1x16xf32>
        tpu.vector_store %arg7[%parallel_loop3A_357, %parallel_loop3A_358], %parallel_loop3A_361 {strides = array<i32>} : memref<200x64xf32, #tpu.memory_space<vmem>>, vector<1x16xf32>,
        %parallel_loop3A_362 = arith.index_cast %parallel_loop3A_337 : i32 to index
        %parallel_loop3A_363 = arith.constant 32 : index
        %parallel_loop3A_364 = tpu.vector_load %arg7[%parallel_loop3A_362, %parallel_loop3A_363] {strides = array<i32>} : memref<200x64xf32, #tpu.memory_space<vmem>>, vector<1x16xf32>,
        %parallel_loop3A_365 = vector.shape_cast %parallel_loop3A_364 : vector<1x16xf32> to vector<16xf32>
        %parallel_loop3A_366 = arith.constant 8.000000e+00 : f32
        %parallel_loop3A_367 = vector.broadcast %parallel_loop3A_366 : f32 to vector<16xf32>
        %parallel_loop3A_368 = arith.mulf %parallel_loop3A_365, %parallel_loop3A_367 : vector<16xf32>
        %parallel_loop3A_369 = arith.index_cast %parallel_loop3A_337 : i32 to index
        %parallel_loop3A_370 = arith.constant 32 : index
        %parallel_loop3A_371 = tpu.vector_load %arg7[%parallel_loop3A_369, %parallel_loop3A_370] {strides = array<i32>} : memref<200x64xf32, #tpu.memory_space<vmem>>, vector<1x16xf32>,
        %parallel_loop3A_372 = vector.shape_cast %parallel_loop3A_371 : vector<1x16xf32> to vector<16xf32>
        %parallel_loop3A_373 = vector.shape_cast %parallel_loop3A_368 : vector<16xf32> to vector<1x16xf32>
        tpu.vector_store %arg7[%parallel_loop3A_369, %parallel_loop3A_370], %parallel_loop3A_373 {strides = array<i32>} : memref<200x64xf32, #tpu.memory_space<vmem>>, vector<1x16xf32>,
        %parallel_loop3A_374 = arith.index_cast %parallel_loop3A_337 : i32 to index
        %parallel_loop3A_375 = arith.constant 48 : index
        %parallel_loop3A_376 = tpu.vector_load %arg7[%parallel_loop3A_374, %parallel_loop3A_375] {strides = array<i32>} : memref<200x64xf32, #tpu.memory_space<vmem>>, vector<1x16xf32>,
        %parallel_loop3A_377 = vector.shape_cast %parallel_loop3A_376 : vector<1x16xf32> to vector<16xf32>
        %parallel_loop3A_378 = arith.constant 8.000000e+00 : f32
        %parallel_loop3A_379 = vector.broadcast %parallel_loop3A_378 : f32 to vector<16xf32>
        %parallel_loop3A_380 = arith.mulf %parallel_loop3A_377, %parallel_loop3A_379 : vector<16xf32>
        %parallel_loop3A_381 = arith.index_cast %parallel_loop3A_337 : i32 to index
        %parallel_loop3A_382 = arith.constant 48 : index
        %parallel_loop3A_383 = tpu.vector_load %arg7[%parallel_loop3A_381, %parallel_loop3A_382] {strides = array<i32>} : memref<200x64xf32, #tpu.memory_space<vmem>>, vector<1x16xf32>,
        %parallel_loop3A_384 = vector.shape_cast %parallel_loop3A_383 : vector<1x16xf32> to vector<16xf32>
        %parallel_loop3A_385 = vector.shape_cast %parallel_loop3A_380 : vector<16xf32> to vector<1x16xf32>
        tpu.vector_store %arg7[%parallel_loop3A_381, %parallel_loop3A_382], %parallel_loop3A_385 {strides = array<i32>} : memref<200x64xf32, #tpu.memory_space<vmem>>, vector<1x16xf32>,
      } {sc.loop_unroll_factor = 8 : i64, sc.parallel_access}
      %add3A_154 = arith.addi %mul3A_4, %add3A_137 : i32
      %dma_start3A_155 = arith.constant 0 : i32
      %dma_start3A_156 = arith.constant 0 : i32
      %dma_start3A_157 = tpu.memref_slice %arg4[%add3A_154, %dma_start3A_155, %dma_start3A_156] : memref<4096x200x128xf32, #tpu.memory_space<hbm>> -> memref<1x200x64xf32, #tpu.memory_space<hbm>>
      %dma_start3A_158 = tpu.memref_squeeze %dma_start3A_157 : memref<1x200x64xf32, #tpu.memory_space<hbm>> -> memref<200x64xf32, #tpu.memory_space<hbm>>
      %dma_start3A_159 = arith.constant 0 : i32
      %dma_start3A_160 = arith.constant 0 : i32
      %dma_start3A_161 = tpu.memref_slice %arg4[%add3A_154, %dma_start3A_159, %dma_start3A_160] : memref<4096x200x128xf32, #tpu.memory_space<hbm>> -> memref<1x200x64xf32, #tpu.memory_space<hbm>>
      %dma_start3A_162 = tpu.memref_squeeze %dma_start3A_161 : memref<1x200x64xf32, #tpu.memory_space<hbm>> -> memref<200x64xf32, #tpu.memory_space<hbm>>
      tpu.enqueue_dma source(%arg7 : memref<200x64xf32, #tpu.memory_space<vmem>>) target(%dma_start3A_162 : memref<200x64xf32, #tpu.memory_space<hbm>>) target_semaphore(%arg23 : memref<!tpu.dma_semaphore, #tpu.memory_space<semaphore_mem>>)
      %mul3A_163 = arith.constant 8 : i32
      %mul3A_164 = arith.muli %scan3A_108, %mul3A_163 : i32
      %add3A_165 = arith.constant 2 : i32
      %add3A_166 = arith.addi %mul3A_164, %add3A_165 : i32
      %add3A_167 = arith.constant 4 : i32
      %add3A_168 = arith.addi %add3A_166, %add3A_167 : i32
      %lt3A_169 = arith.constant 128 : i32
      %lt3A_170 = arith.cmpi slt, %add3A_168, %lt3A_169 : i32
      %convert_element_type3A_171 = arith.extui %lt3A_170 : i1 to i32
      %cond3A_172 = arith.constant 0 : i32
      %cond3A_173 = arith.cmpi ne, %convert_element_type3A_171, %cond3A_172 : i32
      scf.if %cond3A_173 {
        %add3A_337 = arith.constant 4 : i32
        %add3A_338 = arith.addi %add3A_166, %add3A_337 : i32
        %ge3A = arith.constant 8 : i32
        %ge3A_339 = arith.cmpi sge, %add3A_338, %ge3A : i32
        %convert_element_type3A_340 = arith.extui %ge3A_339 : i1 to i32
        %cond3A_341 = arith.constant 0 : i32
        %cond3A_342 = arith.cmpi ne, %convert_element_type3A_340, %cond3A_341 : i32
        scf.if %cond3A_342 {
          %add3A_351 = arith.constant 4 : i32
          %add3A_352 = arith.addi %add3A_166, %add3A_351 : i32
          %sub3A = arith.constant 8 : i32
          %sub3A_353 = arith.subi %add3A_352, %sub3A : i32
          %add3A_354 = arith.addi %mul3A_4, %sub3A_353 : i32
          %dma_wait3A_355 = arith.constant 0 : i32
          %dma_wait3A_356 = arith.constant 0 : i32
          %dma_wait3A_357 = tpu.memref_slice %arg4[%add3A_354, %dma_wait3A_355, %dma_wait3A_356] : memref<4096x200x128xf32, #tpu.memory_space<hbm>> -> memref<1x200x64xf32, #tpu.memory_space<hbm>>
          %dma_wait3A_358 = tpu.memref_squeeze %dma_wait3A_357 : memref<1x200x64xf32, #tpu.memory_space<hbm>> -> memref<200x64xf32, #tpu.memory_space<hbm>>
          %dma_wait3A_359 = arith.constant 0 : i32
          %dma_wait3A_360 = arith.constant 0 : i32
          %dma_wait3A_361 = tpu.memref_slice %arg4[%add3A_354, %dma_wait3A_359, %dma_wait3A_360] : memref<4096x200x128xf32, #tpu.memory_space<hbm>> -> memref<1x200x64xf32, #tpu.memory_space<hbm>>
          %dma_wait3A_362 = tpu.memref_squeeze %dma_wait3A_361 : memref<1x200x64xf32, #tpu.memory_space<hbm>> -> memref<200x64xf32, #tpu.memory_space<hbm>>
          tpu.wait_dma2 semaphore(%arg28 : memref<!tpu.dma_semaphore, #tpu.memory_space<semaphore_mem>>) src(%arg12 : memref<200x64xf32, #tpu.memory_space<vmem>>) dst(%dma_wait3A_362 : memref<200x64xf32, #tpu.memory_space<hbm>>)
        } else {
        }
        %add3A_343 = arith.constant 4 : i32
        %add3A_344 = arith.addi %add3A_166, %add3A_343 : i32
        %mul3A_345 = arith.constant 200 : i32
        %mul3A_346 = arith.muli %add3A_344, %mul3A_345 : i32
        %dma_start3A_347 = tpu.memref_slice %arg5[%mul3A_346] : memref<25600xi32, #tpu.memory_space<vmem>> -> memref<200xi32, #tpu.memory_space<vmem>>
        %dma_start3A_348 = arith.constant 0 : i32
        %dma_start3A_349 = arith.constant 0 : i32
        %dma_start3A_350 = tpu.memref_slice %arg3[%dma_start3A_348, %dma_start3A_349] : memref<1000000x64xf32, #tpu.memory_space<hbm>> -> memref<1000000x64xf32, #tpu.memory_space<hbm>>
        tpu.enqueue_indirect_dma source(%dma_start3A_350 : memref<1000000x64xf32, #tpu.memory_space<hbm>>) target(%arg12 : memref<200x64xf32, #tpu.memory_space<vmem>>) offsets(%dma_start3A_347 : memref<200xi32, #tpu.memory_space<vmem>>) semaphore(%arg20 : memref<!tpu.dma_semaphore, #tpu.memory_space<semaphore_mem>>)
      } else {
      }
      %mul3A_174 = arith.constant 200 : i32
      %mul3A_175 = arith.muli %add3A_166, %mul3A_174 : i32
      %dma_wait3A_176 = tpu.memref_slice %arg5[%mul3A_175] : memref<25600xi32, #tpu.memory_space<vmem>> -> memref<200xi32, #tpu.memory_space<vmem>>
      %dma_wait3A_177 = arith.constant 0 : i32
      %dma_wait3A_178 = arith.constant 0 : i32
      %dma_wait3A_179 = tpu.memref_slice %arg3[%dma_wait3A_177, %dma_wait3A_178] : memref<1000000x64xf32, #tpu.memory_space<hbm>> -> memref<1000000x64xf32, #tpu.memory_space<hbm>>
      tpu.wait_indirect_dma semaphore(%arg16 : memref<!tpu.dma_semaphore, #tpu.memory_space<semaphore_mem>>) src(%dma_wait3A_179 : memref<1000000x64xf32, #tpu.memory_space<hbm>>) dst(%arg8 : memref<200x64xf32, #tpu.memory_space<vmem>>)
      %parallel_loop3A_180 = arith.constant 0 : i32
      %parallel_loop3A_181 = arith.constant 200 : i32
      %parallel_loop3A_182 = arith.constant 1 : i32
      scf.for %parallel_loop3A_337 = %parallel_loop3A_180 to %parallel_loop3A_181 step %parallel_loop3A_182  : i32 {
        %parallel_loop3A_338 = arith.index_cast %parallel_loop3A_337 : i32 to index
        %parallel_loop3A_339 = arith.constant 0 : index
        %parallel_loop3A_340 = tpu.vector_load %arg8[%parallel_loop3A_338, %parallel_loop3A_339] {strides = array<i32>} : memref<200x64xf32, #tpu.memory_space<vmem>>, vector<1x16xf32>,
        %parallel_loop3A_341 = vector.shape_cast %parallel_loop3A_340 : vector<1x16xf32> to vector<16xf32>
        %parallel_loop3A_342 = arith.constant 8.000000e+00 : f32
        %parallel_loop3A_343 = vector.broadcast %parallel_loop3A_342 : f32 to vector<16xf32>
        %parallel_loop3A_344 = arith.mulf %parallel_loop3A_341, %parallel_loop3A_343 : vector<16xf32>
        %parallel_loop3A_345 = arith.index_cast %parallel_loop3A_337 : i32 to index
        %parallel_loop3A_346 = arith.constant 0 : index
        %parallel_loop3A_347 = tpu.vector_load %arg8[%parallel_loop3A_345, %parallel_loop3A_346] {strides = array<i32>} : memref<200x64xf32, #tpu.memory_space<vmem>>, vector<1x16xf32>,
        %parallel_loop3A_348 = vector.shape_cast %parallel_loop3A_347 : vector<1x16xf32> to vector<16xf32>
        %parallel_loop3A_349 = vector.shape_cast %parallel_loop3A_344 : vector<16xf32> to vector<1x16xf32>
        tpu.vector_store %arg8[%parallel_loop3A_345, %parallel_loop3A_346], %parallel_loop3A_349 {strides = array<i32>} : memref<200x64xf32, #tpu.memory_space<vmem>>, vector<1x16xf32>,
        %parallel_loop3A_350 = arith.index_cast %parallel_loop3A_337 : i32 to index
        %parallel_loop3A_351 = arith.constant 16 : index
        %parallel_loop3A_352 = tpu.vector_load %arg8[%parallel_loop3A_350, %parallel_loop3A_351] {strides = array<i32>} : memref<200x64xf32, #tpu.memory_space<vmem>>, vector<1x16xf32>,
        %parallel_loop3A_353 = vector.shape_cast %parallel_loop3A_352 : vector<1x16xf32> to vector<16xf32>
        %parallel_loop3A_354 = arith.constant 8.000000e+00 : f32
        %parallel_loop3A_355 = vector.broadcast %parallel_loop3A_354 : f32 to vector<16xf32>
        %parallel_loop3A_356 = arith.mulf %parallel_loop3A_353, %parallel_loop3A_355 : vector<16xf32>
        %parallel_loop3A_357 = arith.index_cast %parallel_loop3A_337 : i32 to index
        %parallel_loop3A_358 = arith.constant 16 : index
        %parallel_loop3A_359 = tpu.vector_load %arg8[%parallel_loop3A_357, %parallel_loop3A_358] {strides = array<i32>} : memref<200x64xf32, #tpu.memory_space<vmem>>, vector<1x16xf32>,
        %parallel_loop3A_360 = vector.shape_cast %parallel_loop3A_359 : vector<1x16xf32> to vector<16xf32>
        %parallel_loop3A_361 = vector.shape_cast %parallel_loop3A_356 : vector<16xf32> to vector<1x16xf32>
        tpu.vector_store %arg8[%parallel_loop3A_357, %parallel_loop3A_358], %parallel_loop3A_361 {strides = array<i32>} : memref<200x64xf32, #tpu.memory_space<vmem>>, vector<1x16xf32>,
        %parallel_loop3A_362 = arith.index_cast %parallel_loop3A_337 : i32 to index
        %parallel_loop3A_363 = arith.constant 32 : index
        %parallel_loop3A_364 = tpu.vector_load %arg8[%parallel_loop3A_362, %parallel_loop3A_363] {strides = array<i32>} : memref<200x64xf32, #tpu.memory_space<vmem>>, vector<1x16xf32>,
        %parallel_loop3A_365 = vector.shape_cast %parallel_loop3A_364 : vector<1x16xf32> to vector<16xf32>
        %parallel_loop3A_366 = arith.constant 8.000000e+00 : f32
        %parallel_loop3A_367 = vector.broadcast %parallel_loop3A_366 : f32 to vector<16xf32>
        %parallel_loop3A_368 = arith.mulf %parallel_loop3A_365, %parallel_loop3A_367 : vector<16xf32>
        %parallel_loop3A_369 = arith.index_cast %parallel_loop3A_337 : i32 to index
        %parallel_loop3A_370 = arith.constant 32 : index
        %parallel_loop3A_371 = tpu.vector_load %arg8[%parallel_loop3A_369, %parallel_loop3A_370] {strides = array<i32>} : memref<200x64xf32, #tpu.memory_space<vmem>>, vector<1x16xf32>,
        %parallel_loop3A_372 = vector.shape_cast %parallel_loop3A_371 : vector<1x16xf32> to vector<16xf32>
        %parallel_loop3A_373 = vector.shape_cast %parallel_loop3A_368 : vector<16xf32> to vector<1x16xf32>
        tpu.vector_store %arg8[%parallel_loop3A_369, %parallel_loop3A_370], %parallel_loop3A_373 {strides = array<i32>} : memref<200x64xf32, #tpu.memory_space<vmem>>, vector<1x16xf32>,
        %parallel_loop3A_374 = arith.index_cast %parallel_loop3A_337 : i32 to index
        %parallel_loop3A_375 = arith.constant 48 : index
        %parallel_loop3A_376 = tpu.vector_load %arg8[%parallel_loop3A_374, %parallel_loop3A_375] {strides = array<i32>} : memref<200x64xf32, #tpu.memory_space<vmem>>, vector<1x16xf32>,
        %parallel_loop3A_377 = vector.shape_cast %parallel_loop3A_376 : vector<1x16xf32> to vector<16xf32>
        %parallel_loop3A_378 = arith.constant 8.000000e+00 : f32
        %parallel_loop3A_379 = vector.broadcast %parallel_loop3A_378 : f32 to vector<16xf32>
        %parallel_loop3A_380 = arith.mulf %parallel_loop3A_377, %parallel_loop3A_379 : vector<16xf32>
        %parallel_loop3A_381 = arith.index_cast %parallel_loop3A_337 : i32 to index
        %parallel_loop3A_382 = arith.constant 48 : index
        %parallel_loop3A_383 = tpu.vector_load %arg8[%parallel_loop3A_381, %parallel_loop3A_382] {strides = array<i32>} : memref<200x64xf32, #tpu.memory_space<vmem>>, vector<1x16xf32>,
        %parallel_loop3A_384 = vector.shape_cast %parallel_loop3A_383 : vector<1x16xf32> to vector<16xf32>
        %parallel_loop3A_385 = vector.shape_cast %parallel_loop3A_380 : vector<16xf32> to vector<1x16xf32>
        tpu.vector_store %arg8[%parallel_loop3A_381, %parallel_loop3A_382], %parallel_loop3A_385 {strides = array<i32>} : memref<200x64xf32, #tpu.memory_space<vmem>>, vector<1x16xf32>,
      } {sc.loop_unroll_factor = 8 : i64, sc.parallel_access}
      %add3A_183 = arith.addi %mul3A_4, %add3A_166 : i32
      %dma_start3A_184 = arith.constant 0 : i32
      %dma_start3A_185 = arith.constant 0 : i32
      %dma_start3A_186 = tpu.memref_slice %arg4[%add3A_183, %dma_start3A_184, %dma_start3A_185] : memref<4096x200x128xf32, #tpu.memory_space<hbm>> -> memref<1x200x64xf32, #tpu.memory_space<hbm>>
      %dma_start3A_187 = tpu.memref_squeeze %dma_start3A_186 : memref<1x200x64xf32, #tpu.memory_space<hbm>> -> memref<200x64xf32, #tpu.memory_space<hbm>>
      %dma_start3A_188 = arith.constant 0 : i32
      %dma_start3A_189 = arith.constant 0 : i32
      %dma_start3A_190 = tpu.memref_slice %arg4[%add3A_183, %dma_start3A_188, %dma_start3A_189] : memref<4096x200x128xf32, #tpu.memory_space<hbm>> -> memref<1x200x64xf32, #tpu.memory_space<hbm>>
      %dma_start3A_191 = tpu.memref_squeeze %dma_start3A_190 : memref<1x200x64xf32, #tpu.memory_space<hbm>> -> memref<200x64xf32, #tpu.memory_space<hbm>>
      tpu.enqueue_dma source(%arg8 : memref<200x64xf32, #tpu.memory_space<vmem>>) target(%dma_start3A_191 : memref<200x64xf32, #tpu.memory_space<hbm>>) target_semaphore(%arg24 : memref<!tpu.dma_semaphore, #tpu.memory_space<semaphore_mem>>)
      %mul3A_192 = arith.constant 8 : i32
      %mul3A_193 = arith.muli %scan3A_108, %mul3A_192 : i32
      %add3A_194 = arith.constant 3 : i32
      %add3A_195 = arith.addi %mul3A_193, %add3A_194 : i32
      %add3A_196 = arith.constant 4 : i32
      %add3A_197 = arith.addi %add3A_195, %add3A_196 : i32
      %lt3A_198 = arith.constant 128 : i32
      %lt3A_199 = arith.cmpi slt, %add3A_197, %lt3A_198 : i32
      %convert_element_type3A_200 = arith.extui %lt3A_199 : i1 to i32
      %cond3A_201 = arith.constant 0 : i32
      %cond3A_202 = arith.cmpi ne, %convert_element_type3A_200, %cond3A_201 : i32
      scf.if %cond3A_202 {
        %add3A_337 = arith.constant 4 : i32
        %add3A_338 = arith.addi %add3A_195, %add3A_337 : i32
        %ge3A = arith.constant 8 : i32
        %ge3A_339 = arith.cmpi sge, %add3A_338, %ge3A : i32
        %convert_element_type3A_340 = arith.extui %ge3A_339 : i1 to i32
        %cond3A_341 = arith.constant 0 : i32
        %cond3A_342 = arith.cmpi ne, %convert_element_type3A_340, %cond3A_341 : i32
        scf.if %cond3A_342 {
          %add3A_351 = arith.constant 4 : i32
          %add3A_352 = arith.addi %add3A_195, %add3A_351 : i32
          %sub3A = arith.constant 8 : i32
          %sub3A_353 = arith.subi %add3A_352, %sub3A : i32
          %add3A_354 = arith.addi %mul3A_4, %sub3A_353 : i32
          %dma_wait3A_355 = arith.constant 0 : i32
          %dma_wait3A_356 = arith.constant 0 : i32
          %dma_wait3A_357 = tpu.memref_slice %arg4[%add3A_354, %dma_wait3A_355, %dma_wait3A_356] : memref<4096x200x128xf32, #tpu.memory_space<hbm>> -> memref<1x200x64xf32, #tpu.memory_space<hbm>>
          %dma_wait3A_358 = tpu.memref_squeeze %dma_wait3A_357 : memref<1x200x64xf32, #tpu.memory_space<hbm>> -> memref<200x64xf32, #tpu.memory_space<hbm>>
          %dma_wait3A_359 = arith.constant 0 : i32
          %dma_wait3A_360 = arith.constant 0 : i32
          %dma_wait3A_361 = tpu.memref_slice %arg4[%add3A_354, %dma_wait3A_359, %dma_wait3A_360] : memref<4096x200x128xf32, #tpu.memory_space<hbm>> -> memref<1x200x64xf32, #tpu.memory_space<hbm>>
          %dma_wait3A_362 = tpu.memref_squeeze %dma_wait3A_361 : memref<1x200x64xf32, #tpu.memory_space<hbm>> -> memref<200x64xf32, #tpu.memory_space<hbm>>
          tpu.wait_dma2 semaphore(%arg29 : memref<!tpu.dma_semaphore, #tpu.memory_space<semaphore_mem>>) src(%arg13 : memref<200x64xf32, #tpu.memory_space<vmem>>) dst(%dma_wait3A_362 : memref<200x64xf32, #tpu.memory_space<hbm>>)
        } else {
        }
        %add3A_343 = arith.constant 4 : i32
        %add3A_344 = arith.addi %add3A_195, %add3A_343 : i32
        %mul3A_345 = arith.constant 200 : i32
        %mul3A_346 = arith.muli %add3A_344, %mul3A_345 : i32
        %dma_start3A_347 = tpu.memref_slice %arg5[%mul3A_346] : memref<25600xi32, #tpu.memory_space<vmem>> -> memref<200xi32, #tpu.memory_space<vmem>>
        %dma_start3A_348 = arith.constant 0 : i32
        %dma_start3A_349 = arith.constant 0 : i32
        %dma_start3A_350 = tpu.memref_slice %arg3[%dma_start3A_348, %dma_start3A_349] : memref<1000000x64xf32, #tpu.memory_space<hbm>> -> memref<1000000x64xf32, #tpu.memory_space<hbm>>
        tpu.enqueue_indirect_dma source(%dma_start3A_350 : memref<1000000x64xf32, #tpu.memory_space<hbm>>) target(%arg13 : memref<200x64xf32, #tpu.memory_space<vmem>>) offsets(%dma_start3A_347 : memref<200xi32, #tpu.memory_space<vmem>>) semaphore(%arg21 : memref<!tpu.dma_semaphore, #tpu.memory_space<semaphore_mem>>)
      } else {
      }
      %mul3A_203 = arith.constant 200 : i32
      %mul3A_204 = arith.muli %add3A_195, %mul3A_203 : i32
      %dma_wait3A_205 = tpu.memref_slice %arg5[%mul3A_204] : memref<25600xi32, #tpu.memory_space<vmem>> -> memref<200xi32, #tpu.memory_space<vmem>>
      %dma_wait3A_206 = arith.constant 0 : i32
      %dma_wait3A_207 = arith.constant 0 : i32
      %dma_wait3A_208 = tpu.memref_slice %arg3[%dma_wait3A_206, %dma_wait3A_207] : memref<1000000x64xf32, #tpu.memory_space<hbm>> -> memref<1000000x64xf32, #tpu.memory_space<hbm>>
      tpu.wait_indirect_dma semaphore(%arg17 : memref<!tpu.dma_semaphore, #tpu.memory_space<semaphore_mem>>) src(%dma_wait3A_208 : memref<1000000x64xf32, #tpu.memory_space<hbm>>) dst(%arg9 : memref<200x64xf32, #tpu.memory_space<vmem>>)
      %parallel_loop3A_209 = arith.constant 0 : i32
      %parallel_loop3A_210 = arith.constant 200 : i32
      %parallel_loop3A_211 = arith.constant 1 : i32
      scf.for %parallel_loop3A_337 = %parallel_loop3A_209 to %parallel_loop3A_210 step %parallel_loop3A_211  : i32 {
        %parallel_loop3A_338 = arith.index_cast %parallel_loop3A_337 : i32 to index
        %parallel_loop3A_339 = arith.constant 0 : index
        %parallel_loop3A_340 = tpu.vector_load %arg9[%parallel_loop3A_338, %parallel_loop3A_339] {strides = array<i32>} : memref<200x64xf32, #tpu.memory_space<vmem>>, vector<1x16xf32>,
        %parallel_loop3A_341 = vector.shape_cast %parallel_loop3A_340 : vector<1x16xf32> to vector<16xf32>
        %parallel_loop3A_342 = arith.constant 8.000000e+00 : f32
        %parallel_loop3A_343 = vector.broadcast %parallel_loop3A_342 : f32 to vector<16xf32>
        %parallel_loop3A_344 = arith.mulf %parallel_loop3A_341, %parallel_loop3A_343 : vector<16xf32>
        %parallel_loop3A_345 = arith.index_cast %parallel_loop3A_337 : i32 to index
        %parallel_loop3A_346 = arith.constant 0 : index
        %parallel_loop3A_347 = tpu.vector_load %arg9[%parallel_loop3A_345, %parallel_loop3A_346] {strides = array<i32>} : memref<200x64xf32, #tpu.memory_space<vmem>>, vector<1x16xf32>,
        %parallel_loop3A_348 = vector.shape_cast %parallel_loop3A_347 : vector<1x16xf32> to vector<16xf32>
        %parallel_loop3A_349 = vector.shape_cast %parallel_loop3A_344 : vector<16xf32> to vector<1x16xf32>
        tpu.vector_store %arg9[%parallel_loop3A_345, %parallel_loop3A_346], %parallel_loop3A_349 {strides = array<i32>} : memref<200x64xf32, #tpu.memory_space<vmem>>, vector<1x16xf32>,
        %parallel_loop3A_350 = arith.index_cast %parallel_loop3A_337 : i32 to index
        %parallel_loop3A_351 = arith.constant 16 : index
        %parallel_loop3A_352 = tpu.vector_load %arg9[%parallel_loop3A_350, %parallel_loop3A_351] {strides = array<i32>} : memref<200x64xf32, #tpu.memory_space<vmem>>, vector<1x16xf32>,
        %parallel_loop3A_353 = vector.shape_cast %parallel_loop3A_352 : vector<1x16xf32> to vector<16xf32>
        %parallel_loop3A_354 = arith.constant 8.000000e+00 : f32
        %parallel_loop3A_355 = vector.broadcast %parallel_loop3A_354 : f32 to vector<16xf32>
        %parallel_loop3A_356 = arith.mulf %parallel_loop3A_353, %parallel_loop3A_355 : vector<16xf32>
        %parallel_loop3A_357 = arith.index_cast %parallel_loop3A_337 : i32 to index
        %parallel_loop3A_358 = arith.constant 16 : index
        %parallel_loop3A_359 = tpu.vector_load %arg9[%parallel_loop3A_357, %parallel_loop3A_358] {strides = array<i32>} : memref<200x64xf32, #tpu.memory_space<vmem>>, vector<1x16xf32>,
        %parallel_loop3A_360 = vector.shape_cast %parallel_loop3A_359 : vector<1x16xf32> to vector<16xf32>
        %parallel_loop3A_361 = vector.shape_cast %parallel_loop3A_356 : vector<16xf32> to vector<1x16xf32>
        tpu.vector_store %arg9[%parallel_loop3A_357, %parallel_loop3A_358], %parallel_loop3A_361 {strides = array<i32>} : memref<200x64xf32, #tpu.memory_space<vmem>>, vector<1x16xf32>,
        %parallel_loop3A_362 = arith.index_cast %parallel_loop3A_337 : i32 to index
        %parallel_loop3A_363 = arith.constant 32 : index
        %parallel_loop3A_364 = tpu.vector_load %arg9[%parallel_loop3A_362, %parallel_loop3A_363] {strides = array<i32>} : memref<200x64xf32, #tpu.memory_space<vmem>>, vector<1x16xf32>,
        %parallel_loop3A_365 = vector.shape_cast %parallel_loop3A_364 : vector<1x16xf32> to vector<16xf32>
        %parallel_loop3A_366 = arith.constant 8.000000e+00 : f32
        %parallel_loop3A_367 = vector.broadcast %parallel_loop3A_366 : f32 to vector<16xf32>
        %parallel_loop3A_368 = arith.mulf %parallel_loop3A_365, %parallel_loop3A_367 : vector<16xf32>
        %parallel_loop3A_369 = arith.index_cast %parallel_loop3A_337 : i32 to index
        %parallel_loop3A_370 = arith.constant 32 : index
        %parallel_loop3A_371 = tpu.vector_load %arg9[%parallel_loop3A_369, %parallel_loop3A_370] {strides = array<i32>} : memref<200x64xf32, #tpu.memory_space<vmem>>, vector<1x16xf32>,
        %parallel_loop3A_372 = vector.shape_cast %parallel_loop3A_371 : vector<1x16xf32> to vector<16xf32>
        %parallel_loop3A_373 = vector.shape_cast %parallel_loop3A_368 : vector<16xf32> to vector<1x16xf32>
        tpu.vector_store %arg9[%parallel_loop3A_369, %parallel_loop3A_370], %parallel_loop3A_373 {strides = array<i32>} : memref<200x64xf32, #tpu.memory_space<vmem>>, vector<1x16xf32>,
        %parallel_loop3A_374 = arith.index_cast %parallel_loop3A_337 : i32 to index
        %parallel_loop3A_375 = arith.constant 48 : index
        %parallel_loop3A_376 = tpu.vector_load %arg9[%parallel_loop3A_374, %parallel_loop3A_375] {strides = array<i32>} : memref<200x64xf32, #tpu.memory_space<vmem>>, vector<1x16xf32>,
        %parallel_loop3A_377 = vector.shape_cast %parallel_loop3A_376 : vector<1x16xf32> to vector<16xf32>
        %parallel_loop3A_378 = arith.constant 8.000000e+00 : f32
        %parallel_loop3A_379 = vector.broadcast %parallel_loop3A_378 : f32 to vector<16xf32>
        %parallel_loop3A_380 = arith.mulf %parallel_loop3A_377, %parallel_loop3A_379 : vector<16xf32>
        %parallel_loop3A_381 = arith.index_cast %parallel_loop3A_337 : i32 to index
        %parallel_loop3A_382 = arith.constant 48 : index
        %parallel_loop3A_383 = tpu.vector_load %arg9[%parallel_loop3A_381, %parallel_loop3A_382] {strides = array<i32>} : memref<200x64xf32, #tpu.memory_space<vmem>>, vector<1x16xf32>,
        %parallel_loop3A_384 = vector.shape_cast %parallel_loop3A_383 : vector<1x16xf32> to vector<16xf32>
        %parallel_loop3A_385 = vector.shape_cast %parallel_loop3A_380 : vector<16xf32> to vector<1x16xf32>
        tpu.vector_store %arg9[%parallel_loop3A_381, %parallel_loop3A_382], %parallel_loop3A_385 {strides = array<i32>} : memref<200x64xf32, #tpu.memory_space<vmem>>, vector<1x16xf32>,
      } {sc.loop_unroll_factor = 8 : i64, sc.parallel_access}
      %add3A_212 = arith.addi %mul3A_4, %add3A_195 : i32
      %dma_start3A_213 = arith.constant 0 : i32
      %dma_start3A_214 = arith.constant 0 : i32
      %dma_start3A_215 = tpu.memref_slice %arg4[%add3A_212, %dma_start3A_213, %dma_start3A_214] : memref<4096x200x128xf32, #tpu.memory_space<hbm>> -> memref<1x200x64xf32, #tpu.memory_space<hbm>>
      %dma_start3A_216 = tpu.memref_squeeze %dma_start3A_215 : memref<1x200x64xf32, #tpu.memory_space<hbm>> -> memref<200x64xf32, #tpu.memory_space<hbm>>
      %dma_start3A_217 = arith.constant 0 : i32
      %dma_start3A_218 = arith.constant 0 : i32
      %dma_start3A_219 = tpu.memref_slice %arg4[%add3A_212, %dma_start3A_217, %dma_start3A_218] : memref<4096x200x128xf32, #tpu.memory_space<hbm>> -> memref<1x200x64xf32, #tpu.memory_space<hbm>>
      %dma_start3A_220 = tpu.memref_squeeze %dma_start3A_219 : memref<1x200x64xf32, #tpu.memory_space<hbm>> -> memref<200x64xf32, #tpu.memory_space<hbm>>
      tpu.enqueue_dma source(%arg9 : memref<200x64xf32, #tpu.memory_space<vmem>>) target(%dma_start3A_220 : memref<200x64xf32, #tpu.memory_space<hbm>>) target_semaphore(%arg25 : memref<!tpu.dma_semaphore, #tpu.memory_space<semaphore_mem>>)
      %mul3A_221 = arith.constant 8 : i32
      %mul3A_222 = arith.muli %scan3A_108, %mul3A_221 : i32
      %add3A_223 = arith.constant 4 : i32
      %add3A_224 = arith.addi %mul3A_222, %add3A_223 : i32
      %add3A_225 = arith.constant 4 : i32
      %add3A_226 = arith.addi %add3A_224, %add3A_225 : i32
      %lt3A_227 = arith.constant 128 : i32
      %lt3A_228 = arith.cmpi slt, %add3A_226, %lt3A_227 : i32
      %convert_element_type3A_229 = arith.extui %lt3A_228 : i1 to i32
      %cond3A_230 = arith.constant 0 : i32
      %cond3A_231 = arith.cmpi ne, %convert_element_type3A_229, %cond3A_230 : i32
      scf.if %cond3A_231 {
        %add3A_337 = arith.constant 4 : i32
        %add3A_338 = arith.addi %add3A_224, %add3A_337 : i32
        %ge3A = arith.constant 8 : i32
        %ge3A_339 = arith.cmpi sge, %add3A_338, %ge3A : i32
        %convert_element_type3A_340 = arith.extui %ge3A_339 : i1 to i32
        %cond3A_341 = arith.constant 0 : i32
        %cond3A_342 = arith.cmpi ne, %convert_element_type3A_340, %cond3A_341 : i32
        scf.if %cond3A_342 {
          %add3A_351 = arith.constant 4 : i32
          %add3A_352 = arith.addi %add3A_224, %add3A_351 : i32
          %sub3A = arith.constant 8 : i32
          %sub3A_353 = arith.subi %add3A_352, %sub3A : i32
          %add3A_354 = arith.addi %mul3A_4, %sub3A_353 : i32
          %dma_wait3A_355 = arith.constant 0 : i32
          %dma_wait3A_356 = arith.constant 0 : i32
          %dma_wait3A_357 = tpu.memref_slice %arg4[%add3A_354, %dma_wait3A_355, %dma_wait3A_356] : memref<4096x200x128xf32, #tpu.memory_space<hbm>> -> memref<1x200x64xf32, #tpu.memory_space<hbm>>
          %dma_wait3A_358 = tpu.memref_squeeze %dma_wait3A_357 : memref<1x200x64xf32, #tpu.memory_space<hbm>> -> memref<200x64xf32, #tpu.memory_space<hbm>>
          %dma_wait3A_359 = arith.constant 0 : i32
          %dma_wait3A_360 = arith.constant 0 : i32
          %dma_wait3A_361 = tpu.memref_slice %arg4[%add3A_354, %dma_wait3A_359, %dma_wait3A_360] : memref<4096x200x128xf32, #tpu.memory_space<hbm>> -> memref<1x200x64xf32, #tpu.memory_space<hbm>>
          %dma_wait3A_362 = tpu.memref_squeeze %dma_wait3A_361 : memref<1x200x64xf32, #tpu.memory_space<hbm>> -> memref<200x64xf32, #tpu.memory_space<hbm>>
          tpu.wait_dma2 semaphore(%arg22 : memref<!tpu.dma_semaphore, #tpu.memory_space<semaphore_mem>>) src(%arg6 : memref<200x64xf32, #tpu.memory_space<vmem>>) dst(%dma_wait3A_362 : memref<200x64xf32, #tpu.memory_space<hbm>>)
        } else {
        }
        %add3A_343 = arith.constant 4 : i32
        %add3A_344 = arith.addi %add3A_224, %add3A_343 : i32
        %mul3A_345 = arith.constant 200 : i32
        %mul3A_346 = arith.muli %add3A_344, %mul3A_345 : i32
        %dma_start3A_347 = tpu.memref_slice %arg5[%mul3A_346] : memref<25600xi32, #tpu.memory_space<vmem>> -> memref<200xi32, #tpu.memory_space<vmem>>
        %dma_start3A_348 = arith.constant 0 : i32
        %dma_start3A_349 = arith.constant 0 : i32
        %dma_start3A_350 = tpu.memref_slice %arg3[%dma_start3A_348, %dma_start3A_349] : memref<1000000x64xf32, #tpu.memory_space<hbm>> -> memref<1000000x64xf32, #tpu.memory_space<hbm>>
        tpu.enqueue_indirect_dma source(%dma_start3A_350 : memref<1000000x64xf32, #tpu.memory_space<hbm>>) target(%arg6 : memref<200x64xf32, #tpu.memory_space<vmem>>) offsets(%dma_start3A_347 : memref<200xi32, #tpu.memory_space<vmem>>) semaphore(%arg14 : memref<!tpu.dma_semaphore, #tpu.memory_space<semaphore_mem>>)
      } else {
      }
      %mul3A_232 = arith.constant 200 : i32
      %mul3A_233 = arith.muli %add3A_224, %mul3A_232 : i32
      %dma_wait3A_234 = tpu.memref_slice %arg5[%mul3A_233] : memref<25600xi32, #tpu.memory_space<vmem>> -> memref<200xi32, #tpu.memory_space<vmem>>
      %dma_wait3A_235 = arith.constant 0 : i32
      %dma_wait3A_236 = arith.constant 0 : i32
      %dma_wait3A_237 = tpu.memref_slice %arg3[%dma_wait3A_235, %dma_wait3A_236] : memref<1000000x64xf32, #tpu.memory_space<hbm>> -> memref<1000000x64xf32, #tpu.memory_space<hbm>>
      tpu.wait_indirect_dma semaphore(%arg18 : memref<!tpu.dma_semaphore, #tpu.memory_space<semaphore_mem>>) src(%dma_wait3A_237 : memref<1000000x64xf32, #tpu.memory_space<hbm>>) dst(%arg10 : memref<200x64xf32, #tpu.memory_space<vmem>>)
      %parallel_loop3A_238 = arith.constant 0 : i32
      %parallel_loop3A_239 = arith.constant 200 : i32
      %parallel_loop3A_240 = arith.constant 1 : i32
      scf.for %parallel_loop3A_337 = %parallel_loop3A_238 to %parallel_loop3A_239 step %parallel_loop3A_240  : i32 {
        %parallel_loop3A_338 = arith.index_cast %parallel_loop3A_337 : i32 to index
        %parallel_loop3A_339 = arith.constant 0 : index
        %parallel_loop3A_340 = tpu.vector_load %arg10[%parallel_loop3A_338, %parallel_loop3A_339] {strides = array<i32>} : memref<200x64xf32, #tpu.memory_space<vmem>>, vector<1x16xf32>,
        %parallel_loop3A_341 = vector.shape_cast %parallel_loop3A_340 : vector<1x16xf32> to vector<16xf32>
        %parallel_loop3A_342 = arith.constant 8.000000e+00 : f32
        %parallel_loop3A_343 = vector.broadcast %parallel_loop3A_342 : f32 to vector<16xf32>
        %parallel_loop3A_344 = arith.mulf %parallel_loop3A_341, %parallel_loop3A_343 : vector<16xf32>
        %parallel_loop3A_345 = arith.index_cast %parallel_loop3A_337 : i32 to index
        %parallel_loop3A_346 = arith.constant 0 : index
        %parallel_loop3A_347 = tpu.vector_load %arg10[%parallel_loop3A_345, %parallel_loop3A_346] {strides = array<i32>} : memref<200x64xf32, #tpu.memory_space<vmem>>, vector<1x16xf32>,
        %parallel_loop3A_348 = vector.shape_cast %parallel_loop3A_347 : vector<1x16xf32> to vector<16xf32>
        %parallel_loop3A_349 = vector.shape_cast %parallel_loop3A_344 : vector<16xf32> to vector<1x16xf32>
        tpu.vector_store %arg10[%parallel_loop3A_345, %parallel_loop3A_346], %parallel_loop3A_349 {strides = array<i32>} : memref<200x64xf32, #tpu.memory_space<vmem>>, vector<1x16xf32>,
        %parallel_loop3A_350 = arith.index_cast %parallel_loop3A_337 : i32 to index
        %parallel_loop3A_351 = arith.constant 16 : index
        %parallel_loop3A_352 = tpu.vector_load %arg10[%parallel_loop3A_350, %parallel_loop3A_351] {strides = array<i32>} : memref<200x64xf32, #tpu.memory_space<vmem>>, vector<1x16xf32>,
        %parallel_loop3A_353 = vector.shape_cast %parallel_loop3A_352 : vector<1x16xf32> to vector<16xf32>
        %parallel_loop3A_354 = arith.constant 8.000000e+00 : f32
        %parallel_loop3A_355 = vector.broadcast %parallel_loop3A_354 : f32 to vector<16xf32>
        %parallel_loop3A_356 = arith.mulf %parallel_loop3A_353, %parallel_loop3A_355 : vector<16xf32>
        %parallel_loop3A_357 = arith.index_cast %parallel_loop3A_337 : i32 to index
        %parallel_loop3A_358 = arith.constant 16 : index
        %parallel_loop3A_359 = tpu.vector_load %arg10[%parallel_loop3A_357, %parallel_loop3A_358] {strides = array<i32>} : memref<200x64xf32, #tpu.memory_space<vmem>>, vector<1x16xf32>,
        %parallel_loop3A_360 = vector.shape_cast %parallel_loop3A_359 : vector<1x16xf32> to vector<16xf32>
        %parallel_loop3A_361 = vector.shape_cast %parallel_loop3A_356 : vector<16xf32> to vector<1x16xf32>
        tpu.vector_store %arg10[%parallel_loop3A_357, %parallel_loop3A_358], %parallel_loop3A_361 {strides = array<i32>} : memref<200x64xf32, #tpu.memory_space<vmem>>, vector<1x16xf32>,
        %parallel_loop3A_362 = arith.index_cast %parallel_loop3A_337 : i32 to index
        %parallel_loop3A_363 = arith.constant 32 : index
        %parallel_loop3A_364 = tpu.vector_load %arg10[%parallel_loop3A_362, %parallel_loop3A_363] {strides = array<i32>} : memref<200x64xf32, #tpu.memory_space<vmem>>, vector<1x16xf32>,
        %parallel_loop3A_365 = vector.shape_cast %parallel_loop3A_364 : vector<1x16xf32> to vector<16xf32>
        %parallel_loop3A_366 = arith.constant 8.000000e+00 : f32
        %parallel_loop3A_367 = vector.broadcast %parallel_loop3A_366 : f32 to vector<16xf32>
        %parallel_loop3A_368 = arith.mulf %parallel_loop3A_365, %parallel_loop3A_367 : vector<16xf32>
        %parallel_loop3A_369 = arith.index_cast %parallel_loop3A_337 : i32 to index
        %parallel_loop3A_370 = arith.constant 32 : index
        %parallel_loop3A_371 = tpu.vector_load %arg10[%parallel_loop3A_369, %parallel_loop3A_370] {strides = array<i32>} : memref<200x64xf32, #tpu.memory_space<vmem>>, vector<1x16xf32>,
        %parallel_loop3A_372 = vector.shape_cast %parallel_loop3A_371 : vector<1x16xf32> to vector<16xf32>
        %parallel_loop3A_373 = vector.shape_cast %parallel_loop3A_368 : vector<16xf32> to vector<1x16xf32>
        tpu.vector_store %arg10[%parallel_loop3A_369, %parallel_loop3A_370], %parallel_loop3A_373 {strides = array<i32>} : memref<200x64xf32, #tpu.memory_space<vmem>>, vector<1x16xf32>,
        %parallel_loop3A_374 = arith.index_cast %parallel_loop3A_337 : i32 to index
        %parallel_loop3A_375 = arith.constant 48 : index
        %parallel_loop3A_376 = tpu.vector_load %arg10[%parallel_loop3A_374, %parallel_loop3A_375] {strides = array<i32>} : memref<200x64xf32, #tpu.memory_space<vmem>>, vector<1x16xf32>,
        %parallel_loop3A_377 = vector.shape_cast %parallel_loop3A_376 : vector<1x16xf32> to vector<16xf32>
        %parallel_loop3A_378 = arith.constant 8.000000e+00 : f32
        %parallel_loop3A_379 = vector.broadcast %parallel_loop3A_378 : f32 to vector<16xf32>
        %parallel_loop3A_380 = arith.mulf %parallel_loop3A_377, %parallel_loop3A_379 : vector<16xf32>
        %parallel_loop3A_381 = arith.index_cast %parallel_loop3A_337 : i32 to index
        %parallel_loop3A_382 = arith.constant 48 : index
        %parallel_loop3A_383 = tpu.vector_load %arg10[%parallel_loop3A_381, %parallel_loop3A_382] {strides = array<i32>} : memref<200x64xf32, #tpu.memory_space<vmem>>, vector<1x16xf32>,
        %parallel_loop3A_384 = vector.shape_cast %parallel_loop3A_383 : vector<1x16xf32> to vector<16xf32>
        %parallel_loop3A_385 = vector.shape_cast %parallel_loop3A_380 : vector<16xf32> to vector<1x16xf32>
        tpu.vector_store %arg10[%parallel_loop3A_381, %parallel_loop3A_382], %parallel_loop3A_385 {strides = array<i32>} : memref<200x64xf32, #tpu.memory_space<vmem>>, vector<1x16xf32>,
      } {sc.loop_unroll_factor = 8 : i64, sc.parallel_access}
      %add3A_241 = arith.addi %mul3A_4, %add3A_224 : i32
      %dma_start3A_242 = arith.constant 0 : i32
      %dma_start3A_243 = arith.constant 0 : i32
      %dma_start3A_244 = tpu.memref_slice %arg4[%add3A_241, %dma_start3A_242, %dma_start3A_243] : memref<4096x200x128xf32, #tpu.memory_space<hbm>> -> memref<1x200x64xf32, #tpu.memory_space<hbm>>
      %dma_start3A_245 = tpu.memref_squeeze %dma_start3A_244 : memref<1x200x64xf32, #tpu.memory_space<hbm>> -> memref<200x64xf32, #tpu.memory_space<hbm>>
      %dma_start3A_246 = arith.constant 0 : i32
      %dma_start3A_247 = arith.constant 0 : i32
      %dma_start3A_248 = tpu.memref_slice %arg4[%add3A_241, %dma_start3A_246, %dma_start3A_247] : memref<4096x200x128xf32, #tpu.memory_space<hbm>> -> memref<1x200x64xf32, #tpu.memory_space<hbm>>
      %dma_start3A_249 = tpu.memref_squeeze %dma_start3A_248 : memref<1x200x64xf32, #tpu.memory_space<hbm>> -> memref<200x64xf32, #tpu.memory_space<hbm>>
      tpu.enqueue_dma source(%arg10 : memref<200x64xf32, #tpu.memory_space<vmem>>) target(%dma_start3A_249 : memref<200x64xf32, #tpu.memory_space<hbm>>) target_semaphore(%arg26 : memref<!tpu.dma_semaphore, #tpu.memory_space<semaphore_mem>>)
      %mul3A_250 = arith.constant 8 : i32
      %mul3A_251 = arith.muli %scan3A_108, %mul3A_250 : i32
      %add3A_252 = arith.constant 5 : i32
      %add3A_253 = arith.addi %mul3A_251, %add3A_252 : i32
      %add3A_254 = arith.constant 4 : i32
      %add3A_255 = arith.addi %add3A_253, %add3A_254 : i32
      %lt3A_256 = arith.constant 128 : i32
      %lt3A_257 = arith.cmpi slt, %add3A_255, %lt3A_256 : i32
      %convert_element_type3A_258 = arith.extui %lt3A_257 : i1 to i32
      %cond3A_259 = arith.constant 0 : i32
      %cond3A_260 = arith.cmpi ne, %convert_element_type3A_258, %cond3A_259 : i32
      scf.if %cond3A_260 {
        %add3A_337 = arith.constant 4 : i32
        %add3A_338 = arith.addi %add3A_253, %add3A_337 : i32
        %ge3A = arith.constant 8 : i32
        %ge3A_339 = arith.cmpi sge, %add3A_338, %ge3A : i32
        %convert_element_type3A_340 = arith.extui %ge3A_339 : i1 to i32
        %cond3A_341 = arith.constant 0 : i32
        %cond3A_342 = arith.cmpi ne, %convert_element_type3A_340, %cond3A_341 : i32
        scf.if %cond3A_342 {
          %add3A_351 = arith.constant 4 : i32
          %add3A_352 = arith.addi %add3A_253, %add3A_351 : i32
          %sub3A = arith.constant 8 : i32
          %sub3A_353 = arith.subi %add3A_352, %sub3A : i32
          %add3A_354 = arith.addi %mul3A_4, %sub3A_353 : i32
          %dma_wait3A_355 = arith.constant 0 : i32
          %dma_wait3A_356 = arith.constant 0 : i32
          %dma_wait3A_357 = tpu.memref_slice %arg4[%add3A_354, %dma_wait3A_355, %dma_wait3A_356] : memref<4096x200x128xf32, #tpu.memory_space<hbm>> -> memref<1x200x64xf32, #tpu.memory_space<hbm>>
          %dma_wait3A_358 = tpu.memref_squeeze %dma_wait3A_357 : memref<1x200x64xf32, #tpu.memory_space<hbm>> -> memref<200x64xf32, #tpu.memory_space<hbm>>
          %dma_wait3A_359 = arith.constant 0 : i32
          %dma_wait3A_360 = arith.constant 0 : i32
          %dma_wait3A_361 = tpu.memref_slice %arg4[%add3A_354, %dma_wait3A_359, %dma_wait3A_360] : memref<4096x200x128xf32, #tpu.memory_space<hbm>> -> memref<1x200x64xf32, #tpu.memory_space<hbm>>
          %dma_wait3A_362 = tpu.memref_squeeze %dma_wait3A_361 : memref<1x200x64xf32, #tpu.memory_space<hbm>> -> memref<200x64xf32, #tpu.memory_space<hbm>>
          tpu.wait_dma2 semaphore(%arg23 : memref<!tpu.dma_semaphore, #tpu.memory_space<semaphore_mem>>) src(%arg7 : memref<200x64xf32, #tpu.memory_space<vmem>>) dst(%dma_wait3A_362 : memref<200x64xf32, #tpu.memory_space<hbm>>)
        } else {
        }
        %add3A_343 = arith.constant 4 : i32
        %add3A_344 = arith.addi %add3A_253, %add3A_343 : i32
        %mul3A_345 = arith.constant 200 : i32
        %mul3A_346 = arith.muli %add3A_344, %mul3A_345 : i32
        %dma_start3A_347 = tpu.memref_slice %arg5[%mul3A_346] : memref<25600xi32, #tpu.memory_space<vmem>> -> memref<200xi32, #tpu.memory_space<vmem>>
        %dma_start3A_348 = arith.constant 0 : i32
        %dma_start3A_349 = arith.constant 0 : i32
        %dma_start3A_350 = tpu.memref_slice %arg3[%dma_start3A_348, %dma_start3A_349] : memref<1000000x64xf32, #tpu.memory_space<hbm>> -> memref<1000000x64xf32, #tpu.memory_space<hbm>>
        tpu.enqueue_indirect_dma source(%dma_start3A_350 : memref<1000000x64xf32, #tpu.memory_space<hbm>>) target(%arg7 : memref<200x64xf32, #tpu.memory_space<vmem>>) offsets(%dma_start3A_347 : memref<200xi32, #tpu.memory_space<vmem>>) semaphore(%arg15 : memref<!tpu.dma_semaphore, #tpu.memory_space<semaphore_mem>>)
      } else {
      }
      %mul3A_261 = arith.constant 200 : i32
      %mul3A_262 = arith.muli %add3A_253, %mul3A_261 : i32
      %dma_wait3A_263 = tpu.memref_slice %arg5[%mul3A_262] : memref<25600xi32, #tpu.memory_space<vmem>> -> memref<200xi32, #tpu.memory_space<vmem>>
      %dma_wait3A_264 = arith.constant 0 : i32
      %dma_wait3A_265 = arith.constant 0 : i32
      %dma_wait3A_266 = tpu.memref_slice %arg3[%dma_wait3A_264, %dma_wait3A_265] : memref<1000000x64xf32, #tpu.memory_space<hbm>> -> memref<1000000x64xf32, #tpu.memory_space<hbm>>
      tpu.wait_indirect_dma semaphore(%arg19 : memref<!tpu.dma_semaphore, #tpu.memory_space<semaphore_mem>>) src(%dma_wait3A_266 : memref<1000000x64xf32, #tpu.memory_space<hbm>>) dst(%arg11 : memref<200x64xf32, #tpu.memory_space<vmem>>)
      %parallel_loop3A_267 = arith.constant 0 : i32
      %parallel_loop3A_268 = arith.constant 200 : i32
      %parallel_loop3A_269 = arith.constant 1 : i32
      scf.for %parallel_loop3A_337 = %parallel_loop3A_267 to %parallel_loop3A_268 step %parallel_loop3A_269  : i32 {
        %parallel_loop3A_338 = arith.index_cast %parallel_loop3A_337 : i32 to index
        %parallel_loop3A_339 = arith.constant 0 : index
        %parallel_loop3A_340 = tpu.vector_load %arg11[%parallel_loop3A_338, %parallel_loop3A_339] {strides = array<i32>} : memref<200x64xf32, #tpu.memory_space<vmem>>, vector<1x16xf32>,
        %parallel_loop3A_341 = vector.shape_cast %parallel_loop3A_340 : vector<1x16xf32> to vector<16xf32>
        %parallel_loop3A_342 = arith.constant 8.000000e+00 : f32
        %parallel_loop3A_343 = vector.broadcast %parallel_loop3A_342 : f32 to vector<16xf32>
        %parallel_loop3A_344 = arith.mulf %parallel_loop3A_341, %parallel_loop3A_343 : vector<16xf32>
        %parallel_loop3A_345 = arith.index_cast %parallel_loop3A_337 : i32 to index
        %parallel_loop3A_346 = arith.constant 0 : index
        %parallel_loop3A_347 = tpu.vector_load %arg11[%parallel_loop3A_345, %parallel_loop3A_346] {strides = array<i32>} : memref<200x64xf32, #tpu.memory_space<vmem>>, vector<1x16xf32>,
        %parallel_loop3A_348 = vector.shape_cast %parallel_loop3A_347 : vector<1x16xf32> to vector<16xf32>
        %parallel_loop3A_349 = vector.shape_cast %parallel_loop3A_344 : vector<16xf32> to vector<1x16xf32>
        tpu.vector_store %arg11[%parallel_loop3A_345, %parallel_loop3A_346], %parallel_loop3A_349 {strides = array<i32>} : memref<200x64xf32, #tpu.memory_space<vmem>>, vector<1x16xf32>,
        %parallel_loop3A_350 = arith.index_cast %parallel_loop3A_337 : i32 to index
        %parallel_loop3A_351 = arith.constant 16 : index
        %parallel_loop3A_352 = tpu.vector_load %arg11[%parallel_loop3A_350, %parallel_loop3A_351] {strides = array<i32>} : memref<200x64xf32, #tpu.memory_space<vmem>>, vector<1x16xf32>,
        %parallel_loop3A_353 = vector.shape_cast %parallel_loop3A_352 : vector<1x16xf32> to vector<16xf32>
        %parallel_loop3A_354 = arith.constant 8.000000e+00 : f32
        %parallel_loop3A_355 = vector.broadcast %parallel_loop3A_354 : f32 to vector<16xf32>
        %parallel_loop3A_356 = arith.mulf %parallel_loop3A_353, %parallel_loop3A_355 : vector<16xf32>
        %parallel_loop3A_357 = arith.index_cast %parallel_loop3A_337 : i32 to index
        %parallel_loop3A_358 = arith.constant 16 : index
        %parallel_loop3A_359 = tpu.vector_load %arg11[%parallel_loop3A_357, %parallel_loop3A_358] {strides = array<i32>} : memref<200x64xf32, #tpu.memory_space<vmem>>, vector<1x16xf32>,
        %parallel_loop3A_360 = vector.shape_cast %parallel_loop3A_359 : vector<1x16xf32> to vector<16xf32>
        %parallel_loop3A_361 = vector.shape_cast %parallel_loop3A_356 : vector<16xf32> to vector<1x16xf32>
        tpu.vector_store %arg11[%parallel_loop3A_357, %parallel_loop3A_358], %parallel_loop3A_361 {strides = array<i32>} : memref<200x64xf32, #tpu.memory_space<vmem>>, vector<1x16xf32>,
        %parallel_loop3A_362 = arith.index_cast %parallel_loop3A_337 : i32 to index
        %parallel_loop3A_363 = arith.constant 32 : index
        %parallel_loop3A_364 = tpu.vector_load %arg11[%parallel_loop3A_362, %parallel_loop3A_363] {strides = array<i32>} : memref<200x64xf32, #tpu.memory_space<vmem>>, vector<1x16xf32>,
        %parallel_loop3A_365 = vector.shape_cast %parallel_loop3A_364 : vector<1x16xf32> to vector<16xf32>
        %parallel_loop3A_366 = arith.constant 8.000000e+00 : f32
        %parallel_loop3A_367 = vector.broadcast %parallel_loop3A_366 : f32 to vector<16xf32>
        %parallel_loop3A_368 = arith.mulf %parallel_loop3A_365, %parallel_loop3A_367 : vector<16xf32>
        %parallel_loop3A_369 = arith.index_cast %parallel_loop3A_337 : i32 to index
        %parallel_loop3A_370 = arith.constant 32 : index
        %parallel_loop3A_371 = tpu.vector_load %arg11[%parallel_loop3A_369, %parallel_loop3A_370] {strides = array<i32>} : memref<200x64xf32, #tpu.memory_space<vmem>>, vector<1x16xf32>,
        %parallel_loop3A_372 = vector.shape_cast %parallel_loop3A_371 : vector<1x16xf32> to vector<16xf32>
        %parallel_loop3A_373 = vector.shape_cast %parallel_loop3A_368 : vector<16xf32> to vector<1x16xf32>
        tpu.vector_store %arg11[%parallel_loop3A_369, %parallel_loop3A_370], %parallel_loop3A_373 {strides = array<i32>} : memref<200x64xf32, #tpu.memory_space<vmem>>, vector<1x16xf32>,
        %parallel_loop3A_374 = arith.index_cast %parallel_loop3A_337 : i32 to index
        %parallel_loop3A_375 = arith.constant 48 : index
        %parallel_loop3A_376 = tpu.vector_load %arg11[%parallel_loop3A_374, %parallel_loop3A_375] {strides = array<i32>} : memref<200x64xf32, #tpu.memory_space<vmem>>, vector<1x16xf32>,
        %parallel_loop3A_377 = vector.shape_cast %parallel_loop3A_376 : vector<1x16xf32> to vector<16xf32>
        %parallel_loop3A_378 = arith.constant 8.000000e+00 : f32
        %parallel_loop3A_379 = vector.broadcast %parallel_loop3A_378 : f32 to vector<16xf32>
        %parallel_loop3A_380 = arith.mulf %parallel_loop3A_377, %parallel_loop3A_379 : vector<16xf32>
        %parallel_loop3A_381 = arith.index_cast %parallel_loop3A_337 : i32 to index
        %parallel_loop3A_382 = arith.constant 48 : index
        %parallel_loop3A_383 = tpu.vector_load %arg11[%parallel_loop3A_381, %parallel_loop3A_382] {strides = array<i32>} : memref<200x64xf32, #tpu.memory_space<vmem>>, vector<1x16xf32>,
        %parallel_loop3A_384 = vector.shape_cast %parallel_loop3A_383 : vector<1x16xf32> to vector<16xf32>
        %parallel_loop3A_385 = vector.shape_cast %parallel_loop3A_380 : vector<16xf32> to vector<1x16xf32>
        tpu.vector_store %arg11[%parallel_loop3A_381, %parallel_loop3A_382], %parallel_loop3A_385 {strides = array<i32>} : memref<200x64xf32, #tpu.memory_space<vmem>>, vector<1x16xf32>,
      } {sc.loop_unroll_factor = 8 : i64, sc.parallel_access}
      %add3A_270 = arith.addi %mul3A_4, %add3A_253 : i32
      %dma_start3A_271 = arith.constant 0 : i32
      %dma_start3A_272 = arith.constant 0 : i32
      %dma_start3A_273 = tpu.memref_slice %arg4[%add3A_270, %dma_start3A_271, %dma_start3A_272] : memref<4096x200x128xf32, #tpu.memory_space<hbm>> -> memref<1x200x64xf32, #tpu.memory_space<hbm>>
      %dma_start3A_274 = tpu.memref_squeeze %dma_start3A_273 : memref<1x200x64xf32, #tpu.memory_space<hbm>> -> memref<200x64xf32, #tpu.memory_space<hbm>>
      %dma_start3A_275 = arith.constant 0 : i32
      %dma_start3A_276 = arith.constant 0 : i32
      %dma_start3A_277 = tpu.memref_slice %arg4[%add3A_270, %dma_start3A_275, %dma_start3A_276] : memref<4096x200x128xf32, #tpu.memory_space<hbm>> -> memref<1x200x64xf32, #tpu.memory_space<hbm>>
      %dma_start3A_278 = tpu.memref_squeeze %dma_start3A_277 : memref<1x200x64xf32, #tpu.memory_space<hbm>> -> memref<200x64xf32, #tpu.memory_space<hbm>>
      tpu.enqueue_dma source(%arg11 : memref<200x64xf32, #tpu.memory_space<vmem>>) target(%dma_start3A_278 : memref<200x64xf32, #tpu.memory_space<hbm>>) target_semaphore(%arg27 : memref<!tpu.dma_semaphore, #tpu.memory_space<semaphore_mem>>)
      %mul3A_279 = arith.constant 8 : i32
      %mul3A_280 = arith.muli %scan3A_108, %mul3A_279 : i32
      %add3A_281 = arith.constant 6 : i32
      %add3A_282 = arith.addi %mul3A_280, %add3A_281 : i32
      %add3A_283 = arith.constant 4 : i32
      %add3A_284 = arith.addi %add3A_282, %add3A_283 : i32
      %lt3A_285 = arith.constant 128 : i32
      %lt3A_286 = arith.cmpi slt, %add3A_284, %lt3A_285 : i32
      %convert_element_type3A_287 = arith.extui %lt3A_286 : i1 to i32
      %cond3A_288 = arith.constant 0 : i32
      %cond3A_289 = arith.cmpi ne, %convert_element_type3A_287, %cond3A_288 : i32
      scf.if %cond3A_289 {
        %add3A_337 = arith.constant 4 : i32
        %add3A_338 = arith.addi %add3A_282, %add3A_337 : i32
        %ge3A = arith.constant 8 : i32
        %ge3A_339 = arith.cmpi sge, %add3A_338, %ge3A : i32
        %convert_element_type3A_340 = arith.extui %ge3A_339 : i1 to i32
        %cond3A_341 = arith.constant 0 : i32
        %cond3A_342 = arith.cmpi ne, %convert_element_type3A_340, %cond3A_341 : i32
        scf.if %cond3A_342 {
          %add3A_351 = arith.constant 4 : i32
          %add3A_352 = arith.addi %add3A_282, %add3A_351 : i32
          %sub3A = arith.constant 8 : i32
          %sub3A_353 = arith.subi %add3A_352, %sub3A : i32
          %add3A_354 = arith.addi %mul3A_4, %sub3A_353 : i32
          %dma_wait3A_355 = arith.constant 0 : i32
          %dma_wait3A_356 = arith.constant 0 : i32
          %dma_wait3A_357 = tpu.memref_slice %arg4[%add3A_354, %dma_wait3A_355, %dma_wait3A_356] : memref<4096x200x128xf32, #tpu.memory_space<hbm>> -> memref<1x200x64xf32, #tpu.memory_space<hbm>>
          %dma_wait3A_358 = tpu.memref_squeeze %dma_wait3A_357 : memref<1x200x64xf32, #tpu.memory_space<hbm>> -> memref<200x64xf32, #tpu.memory_space<hbm>>
          %dma_wait3A_359 = arith.constant 0 : i32
          %dma_wait3A_360 = arith.constant 0 : i32
          %dma_wait3A_361 = tpu.memref_slice %arg4[%add3A_354, %dma_wait3A_359, %dma_wait3A_360] : memref<4096x200x128xf32, #tpu.memory_space<hbm>> -> memref<1x200x64xf32, #tpu.memory_space<hbm>>
          %dma_wait3A_362 = tpu.memref_squeeze %dma_wait3A_361 : memref<1x200x64xf32, #tpu.memory_space<hbm>> -> memref<200x64xf32, #tpu.memory_space<hbm>>
          tpu.wait_dma2 semaphore(%arg24 : memref<!tpu.dma_semaphore, #tpu.memory_space<semaphore_mem>>) src(%arg8 : memref<200x64xf32, #tpu.memory_space<vmem>>) dst(%dma_wait3A_362 : memref<200x64xf32, #tpu.memory_space<hbm>>)
        } else {
        }
        %add3A_343 = arith.constant 4 : i32
        %add3A_344 = arith.addi %add3A_282, %add3A_343 : i32
        %mul3A_345 = arith.constant 200 : i32
        %mul3A_346 = arith.muli %add3A_344, %mul3A_345 : i32
        %dma_start3A_347 = tpu.memref_slice %arg5[%mul3A_346] : memref<25600xi32, #tpu.memory_space<vmem>> -> memref<200xi32, #tpu.memory_space<vmem>>
        %dma_start3A_348 = arith.constant 0 : i32
        %dma_start3A_349 = arith.constant 0 : i32
        %dma_start3A_350 = tpu.memref_slice %arg3[%dma_start3A_348, %dma_start3A_349] : memref<1000000x64xf32, #tpu.memory_space<hbm>> -> memref<1000000x64xf32, #tpu.memory_space<hbm>>
        tpu.enqueue_indirect_dma source(%dma_start3A_350 : memref<1000000x64xf32, #tpu.memory_space<hbm>>) target(%arg8 : memref<200x64xf32, #tpu.memory_space<vmem>>) offsets(%dma_start3A_347 : memref<200xi32, #tpu.memory_space<vmem>>) semaphore(%arg16 : memref<!tpu.dma_semaphore, #tpu.memory_space<semaphore_mem>>)
      } else {
      }
      %mul3A_290 = arith.constant 200 : i32
      %mul3A_291 = arith.muli %add3A_282, %mul3A_290 : i32
      %dma_wait3A_292 = tpu.memref_slice %arg5[%mul3A_291] : memref<25600xi32, #tpu.memory_space<vmem>> -> memref<200xi32, #tpu.memory_space<vmem>>
      %dma_wait3A_293 = arith.constant 0 : i32
      %dma_wait3A_294 = arith.constant 0 : i32
      %dma_wait3A_295 = tpu.memref_slice %arg3[%dma_wait3A_293, %dma_wait3A_294] : memref<1000000x64xf32, #tpu.memory_space<hbm>> -> memref<1000000x64xf32, #tpu.memory_space<hbm>>
      tpu.wait_indirect_dma semaphore(%arg20 : memref<!tpu.dma_semaphore, #tpu.memory_space<semaphore_mem>>) src(%dma_wait3A_295 : memref<1000000x64xf32, #tpu.memory_space<hbm>>) dst(%arg12 : memref<200x64xf32, #tpu.memory_space<vmem>>)
      %parallel_loop3A_296 = arith.constant 0 : i32
      %parallel_loop3A_297 = arith.constant 200 : i32
      %parallel_loop3A_298 = arith.constant 1 : i32
      scf.for %parallel_loop3A_337 = %parallel_loop3A_296 to %parallel_loop3A_297 step %parallel_loop3A_298  : i32 {
        %parallel_loop3A_338 = arith.index_cast %parallel_loop3A_337 : i32 to index
        %parallel_loop3A_339 = arith.constant 0 : index
        %parallel_loop3A_340 = tpu.vector_load %arg12[%parallel_loop3A_338, %parallel_loop3A_339] {strides = array<i32>} : memref<200x64xf32, #tpu.memory_space<vmem>>, vector<1x16xf32>,
        %parallel_loop3A_341 = vector.shape_cast %parallel_loop3A_340 : vector<1x16xf32> to vector<16xf32>
        %parallel_loop3A_342 = arith.constant 8.000000e+00 : f32
        %parallel_loop3A_343 = vector.broadcast %parallel_loop3A_342 : f32 to vector<16xf32>
        %parallel_loop3A_344 = arith.mulf %parallel_loop3A_341, %parallel_loop3A_343 : vector<16xf32>
        %parallel_loop3A_345 = arith.index_cast %parallel_loop3A_337 : i32 to index
        %parallel_loop3A_346 = arith.constant 0 : index
        %parallel_loop3A_347 = tpu.vector_load %arg12[%parallel_loop3A_345, %parallel_loop3A_346] {strides = array<i32>} : memref<200x64xf32, #tpu.memory_space<vmem>>, vector<1x16xf32>,
        %parallel_loop3A_348 = vector.shape_cast %parallel_loop3A_347 : vector<1x16xf32> to vector<16xf32>
        %parallel_loop3A_349 = vector.shape_cast %parallel_loop3A_344 : vector<16xf32> to vector<1x16xf32>
        tpu.vector_store %arg12[%parallel_loop3A_345, %parallel_loop3A_346], %parallel_loop3A_349 {strides = array<i32>} : memref<200x64xf32, #tpu.memory_space<vmem>>, vector<1x16xf32>,
        %parallel_loop3A_350 = arith.index_cast %parallel_loop3A_337 : i32 to index
        %parallel_loop3A_351 = arith.constant 16 : index
        %parallel_loop3A_352 = tpu.vector_load %arg12[%parallel_loop3A_350, %parallel_loop3A_351] {strides = array<i32>} : memref<200x64xf32, #tpu.memory_space<vmem>>, vector<1x16xf32>,
        %parallel_loop3A_353 = vector.shape_cast %parallel_loop3A_352 : vector<1x16xf32> to vector<16xf32>
        %parallel_loop3A_354 = arith.constant 8.000000e+00 : f32
        %parallel_loop3A_355 = vector.broadcast %parallel_loop3A_354 : f32 to vector<16xf32>
        %parallel_loop3A_356 = arith.mulf %parallel_loop3A_353, %parallel_loop3A_355 : vector<16xf32>
        %parallel_loop3A_357 = arith.index_cast %parallel_loop3A_337 : i32 to index
        %parallel_loop3A_358 = arith.constant 16 : index
        %parallel_loop3A_359 = tpu.vector_load %arg12[%parallel_loop3A_357, %parallel_loop3A_358] {strides = array<i32>} : memref<200x64xf32, #tpu.memory_space<vmem>>, vector<1x16xf32>,
        %parallel_loop3A_360 = vector.shape_cast %parallel_loop3A_359 : vector<1x16xf32> to vector<16xf32>
        %parallel_loop3A_361 = vector.shape_cast %parallel_loop3A_356 : vector<16xf32> to vector<1x16xf32>
        tpu.vector_store %arg12[%parallel_loop3A_357, %parallel_loop3A_358], %parallel_loop3A_361 {strides = array<i32>} : memref<200x64xf32, #tpu.memory_space<vmem>>, vector<1x16xf32>,
        %parallel_loop3A_362 = arith.index_cast %parallel_loop3A_337 : i32 to index
        %parallel_loop3A_363 = arith.constant 32 : index
        %parallel_loop3A_364 = tpu.vector_load %arg12[%parallel_loop3A_362, %parallel_loop3A_363] {strides = array<i32>} : memref<200x64xf32, #tpu.memory_space<vmem>>, vector<1x16xf32>,
        %parallel_loop3A_365 = vector.shape_cast %parallel_loop3A_364 : vector<1x16xf32> to vector<16xf32>
        %parallel_loop3A_366 = arith.constant 8.000000e+00 : f32
        %parallel_loop3A_367 = vector.broadcast %parallel_loop3A_366 : f32 to vector<16xf32>
        %parallel_loop3A_368 = arith.mulf %parallel_loop3A_365, %parallel_loop3A_367 : vector<16xf32>
        %parallel_loop3A_369 = arith.index_cast %parallel_loop3A_337 : i32 to index
        %parallel_loop3A_370 = arith.constant 32 : index
        %parallel_loop3A_371 = tpu.vector_load %arg12[%parallel_loop3A_369, %parallel_loop3A_370] {strides = array<i32>} : memref<200x64xf32, #tpu.memory_space<vmem>>, vector<1x16xf32>,
        %parallel_loop3A_372 = vector.shape_cast %parallel_loop3A_371 : vector<1x16xf32> to vector<16xf32>
        %parallel_loop3A_373 = vector.shape_cast %parallel_loop3A_368 : vector<16xf32> to vector<1x16xf32>
        tpu.vector_store %arg12[%parallel_loop3A_369, %parallel_loop3A_370], %parallel_loop3A_373 {strides = array<i32>} : memref<200x64xf32, #tpu.memory_space<vmem>>, vector<1x16xf32>,
        %parallel_loop3A_374 = arith.index_cast %parallel_loop3A_337 : i32 to index
        %parallel_loop3A_375 = arith.constant 48 : index
        %parallel_loop3A_376 = tpu.vector_load %arg12[%parallel_loop3A_374, %parallel_loop3A_375] {strides = array<i32>} : memref<200x64xf32, #tpu.memory_space<vmem>>, vector<1x16xf32>,
        %parallel_loop3A_377 = vector.shape_cast %parallel_loop3A_376 : vector<1x16xf32> to vector<16xf32>
        %parallel_loop3A_378 = arith.constant 8.000000e+00 : f32
        %parallel_loop3A_379 = vector.broadcast %parallel_loop3A_378 : f32 to vector<16xf32>
        %parallel_loop3A_380 = arith.mulf %parallel_loop3A_377, %parallel_loop3A_379 : vector<16xf32>
        %parallel_loop3A_381 = arith.index_cast %parallel_loop3A_337 : i32 to index
        %parallel_loop3A_382 = arith.constant 48 : index
        %parallel_loop3A_383 = tpu.vector_load %arg12[%parallel_loop3A_381, %parallel_loop3A_382] {strides = array<i32>} : memref<200x64xf32, #tpu.memory_space<vmem>>, vector<1x16xf32>,
        %parallel_loop3A_384 = vector.shape_cast %parallel_loop3A_383 : vector<1x16xf32> to vector<16xf32>
        %parallel_loop3A_385 = vector.shape_cast %parallel_loop3A_380 : vector<16xf32> to vector<1x16xf32>
        tpu.vector_store %arg12[%parallel_loop3A_381, %parallel_loop3A_382], %parallel_loop3A_385 {strides = array<i32>} : memref<200x64xf32, #tpu.memory_space<vmem>>, vector<1x16xf32>,
      } {sc.loop_unroll_factor = 8 : i64, sc.parallel_access}
      %add3A_299 = arith.addi %mul3A_4, %add3A_282 : i32
      %dma_start3A_300 = arith.constant 0 : i32
      %dma_start3A_301 = arith.constant 0 : i32
      %dma_start3A_302 = tpu.memref_slice %arg4[%add3A_299, %dma_start3A_300, %dma_start3A_301] : memref<4096x200x128xf32, #tpu.memory_space<hbm>> -> memref<1x200x64xf32, #tpu.memory_space<hbm>>
      %dma_start3A_303 = tpu.memref_squeeze %dma_start3A_302 : memref<1x200x64xf32, #tpu.memory_space<hbm>> -> memref<200x64xf32, #tpu.memory_space<hbm>>
      %dma_start3A_304 = arith.constant 0 : i32
      %dma_start3A_305 = arith.constant 0 : i32
      %dma_start3A_306 = tpu.memref_slice %arg4[%add3A_299, %dma_start3A_304, %dma_start3A_305] : memref<4096x200x128xf32, #tpu.memory_space<hbm>> -> memref<1x200x64xf32, #tpu.memory_space<hbm>>
      %dma_start3A_307 = tpu.memref_squeeze %dma_start3A_306 : memref<1x200x64xf32, #tpu.memory_space<hbm>> -> memref<200x64xf32, #tpu.memory_space<hbm>>
      tpu.enqueue_dma source(%arg12 : memref<200x64xf32, #tpu.memory_space<vmem>>) target(%dma_start3A_307 : memref<200x64xf32, #tpu.memory_space<hbm>>) target_semaphore(%arg28 : memref<!tpu.dma_semaphore, #tpu.memory_space<semaphore_mem>>)
      %mul3A_308 = arith.constant 8 : i32
      %mul3A_309 = arith.muli %scan3A_108, %mul3A_308 : i32
      %add3A_310 = arith.constant 7 : i32
      %add3A_311 = arith.addi %mul3A_309, %add3A_310 : i32
      %add3A_312 = arith.constant 4 : i32
      %add3A_313 = arith.addi %add3A_311, %add3A_312 : i32
      %lt3A_314 = arith.constant 128 : i32
      %lt3A_315 = arith.cmpi slt, %add3A_313, %lt3A_314 : i32
      %convert_element_type3A_316 = arith.extui %lt3A_315 : i1 to i32
      %cond3A_317 = arith.constant 0 : i32
      %cond3A_318 = arith.cmpi ne, %convert_element_type3A_316, %cond3A_317 : i32
      scf.if %cond3A_318 {
        %add3A_337 = arith.constant 4 : i32
        %add3A_338 = arith.addi %add3A_311, %add3A_337 : i32
        %ge3A = arith.constant 8 : i32
        %ge3A_339 = arith.cmpi sge, %add3A_338, %ge3A : i32
        %convert_element_type3A_340 = arith.extui %ge3A_339 : i1 to i32
        %cond3A_341 = arith.constant 0 : i32
        %cond3A_342 = arith.cmpi ne, %convert_element_type3A_340, %cond3A_341 : i32
        scf.if %cond3A_342 {
          %add3A_351 = arith.constant 4 : i32
          %add3A_352 = arith.addi %add3A_311, %add3A_351 : i32
          %sub3A = arith.constant 8 : i32
          %sub3A_353 = arith.subi %add3A_352, %sub3A : i32
          %add3A_354 = arith.addi %mul3A_4, %sub3A_353 : i32
          %dma_wait3A_355 = arith.constant 0 : i32
          %dma_wait3A_356 = arith.constant 0 : i32
          %dma_wait3A_357 = tpu.memref_slice %arg4[%add3A_354, %dma_wait3A_355, %dma_wait3A_356] : memref<4096x200x128xf32, #tpu.memory_space<hbm>> -> memref<1x200x64xf32, #tpu.memory_space<hbm>>
          %dma_wait3A_358 = tpu.memref_squeeze %dma_wait3A_357 : memref<1x200x64xf32, #tpu.memory_space<hbm>> -> memref<200x64xf32, #tpu.memory_space<hbm>>
          %dma_wait3A_359 = arith.constant 0 : i32
          %dma_wait3A_360 = arith.constant 0 : i32
          %dma_wait3A_361 = tpu.memref_slice %arg4[%add3A_354, %dma_wait3A_359, %dma_wait3A_360] : memref<4096x200x128xf32, #tpu.memory_space<hbm>> -> memref<1x200x64xf32, #tpu.memory_space<hbm>>
          %dma_wait3A_362 = tpu.memref_squeeze %dma_wait3A_361 : memref<1x200x64xf32, #tpu.memory_space<hbm>> -> memref<200x64xf32, #tpu.memory_space<hbm>>
          tpu.wait_dma2 semaphore(%arg25 : memref<!tpu.dma_semaphore, #tpu.memory_space<semaphore_mem>>) src(%arg9 : memref<200x64xf32, #tpu.memory_space<vmem>>) dst(%dma_wait3A_362 : memref<200x64xf32, #tpu.memory_space<hbm>>)
        } else {
        }
        %add3A_343 = arith.constant 4 : i32
        %add3A_344 = arith.addi %add3A_311, %add3A_343 : i32
        %mul3A_345 = arith.constant 200 : i32
        %mul3A_346 = arith.muli %add3A_344, %mul3A_345 : i32
        %dma_start3A_347 = tpu.memref_slice %arg5[%mul3A_346] : memref<25600xi32, #tpu.memory_space<vmem>> -> memref<200xi32, #tpu.memory_space<vmem>>
        %dma_start3A_348 = arith.constant 0 : i32
        %dma_start3A_349 = arith.constant 0 : i32
        %dma_start3A_350 = tpu.memref_slice %arg3[%dma_start3A_348, %dma_start3A_349] : memref<1000000x64xf32, #tpu.memory_space<hbm>> -> memref<1000000x64xf32, #tpu.memory_space<hbm>>
        tpu.enqueue_indirect_dma source(%dma_start3A_350 : memref<1000000x64xf32, #tpu.memory_space<hbm>>) target(%arg9 : memref<200x64xf32, #tpu.memory_space<vmem>>) offsets(%dma_start3A_347 : memref<200xi32, #tpu.memory_space<vmem>>) semaphore(%arg17 : memref<!tpu.dma_semaphore, #tpu.memory_space<semaphore_mem>>)
      } else {
      }
      %mul3A_319 = arith.constant 200 : i32
      %mul3A_320 = arith.muli %add3A_311, %mul3A_319 : i32
      %dma_wait3A_321 = tpu.memref_slice %arg5[%mul3A_320] : memref<25600xi32, #tpu.memory_space<vmem>> -> memref<200xi32, #tpu.memory_space<vmem>>
      %dma_wait3A_322 = arith.constant 0 : i32
      %dma_wait3A_323 = arith.constant 0 : i32
      %dma_wait3A_324 = tpu.memref_slice %arg3[%dma_wait3A_322, %dma_wait3A_323] : memref<1000000x64xf32, #tpu.memory_space<hbm>> -> memref<1000000x64xf32, #tpu.memory_space<hbm>>
      tpu.wait_indirect_dma semaphore(%arg21 : memref<!tpu.dma_semaphore, #tpu.memory_space<semaphore_mem>>) src(%dma_wait3A_324 : memref<1000000x64xf32, #tpu.memory_space<hbm>>) dst(%arg13 : memref<200x64xf32, #tpu.memory_space<vmem>>)
      %parallel_loop3A_325 = arith.constant 0 : i32
      %parallel_loop3A_326 = arith.constant 200 : i32
      %parallel_loop3A_327 = arith.constant 1 : i32
      scf.for %parallel_loop3A_337 = %parallel_loop3A_325 to %parallel_loop3A_326 step %parallel_loop3A_327  : i32 {
        %parallel_loop3A_338 = arith.index_cast %parallel_loop3A_337 : i32 to index
        %parallel_loop3A_339 = arith.constant 0 : index
        %parallel_loop3A_340 = tpu.vector_load %arg13[%parallel_loop3A_338, %parallel_loop3A_339] {strides = array<i32>} : memref<200x64xf32, #tpu.memory_space<vmem>>, vector<1x16xf32>,
        %parallel_loop3A_341 = vector.shape_cast %parallel_loop3A_340 : vector<1x16xf32> to vector<16xf32>
        %parallel_loop3A_342 = arith.constant 8.000000e+00 : f32
        %parallel_loop3A_343 = vector.broadcast %parallel_loop3A_342 : f32 to vector<16xf32>
        %parallel_loop3A_344 = arith.mulf %parallel_loop3A_341, %parallel_loop3A_343 : vector<16xf32>
        %parallel_loop3A_345 = arith.index_cast %parallel_loop3A_337 : i32 to index
        %parallel_loop3A_346 = arith.constant 0 : index
        %parallel_loop3A_347 = tpu.vector_load %arg13[%parallel_loop3A_345, %parallel_loop3A_346] {strides = array<i32>} : memref<200x64xf32, #tpu.memory_space<vmem>>, vector<1x16xf32>,
        %parallel_loop3A_348 = vector.shape_cast %parallel_loop3A_347 : vector<1x16xf32> to vector<16xf32>
        %parallel_loop3A_349 = vector.shape_cast %parallel_loop3A_344 : vector<16xf32> to vector<1x16xf32>
        tpu.vector_store %arg13[%parallel_loop3A_345, %parallel_loop3A_346], %parallel_loop3A_349 {strides = array<i32>} : memref<200x64xf32, #tpu.memory_space<vmem>>, vector<1x16xf32>,
        %parallel_loop3A_350 = arith.index_cast %parallel_loop3A_337 : i32 to index
        %parallel_loop3A_351 = arith.constant 16 : index
        %parallel_loop3A_352 = tpu.vector_load %arg13[%parallel_loop3A_350, %parallel_loop3A_351] {strides = array<i32>} : memref<200x64xf32, #tpu.memory_space<vmem>>, vector<1x16xf32>,
        %parallel_loop3A_353 = vector.shape_cast %parallel_loop3A_352 : vector<1x16xf32> to vector<16xf32>
        %parallel_loop3A_354 = arith.constant 8.000000e+00 : f32
        %parallel_loop3A_355 = vector.broadcast %parallel_loop3A_354 : f32 to vector<16xf32>
        %parallel_loop3A_356 = arith.mulf %parallel_loop3A_353, %parallel_loop3A_355 : vector<16xf32>
        %parallel_loop3A_357 = arith.index_cast %parallel_loop3A_337 : i32 to index
        %parallel_loop3A_358 = arith.constant 16 : index
        %parallel_loop3A_359 = tpu.vector_load %arg13[%parallel_loop3A_357, %parallel_loop3A_358] {strides = array<i32>} : memref<200x64xf32, #tpu.memory_space<vmem>>, vector<1x16xf32>,
        %parallel_loop3A_360 = vector.shape_cast %parallel_loop3A_359 : vector<1x16xf32> to vector<16xf32>
        %parallel_loop3A_361 = vector.shape_cast %parallel_loop3A_356 : vector<16xf32> to vector<1x16xf32>
        tpu.vector_store %arg13[%parallel_loop3A_357, %parallel_loop3A_358], %parallel_loop3A_361 {strides = array<i32>} : memref<200x64xf32, #tpu.memory_space<vmem>>, vector<1x16xf32>,
        %parallel_loop3A_362 = arith.index_cast %parallel_loop3A_337 : i32 to index
        %parallel_loop3A_363 = arith.constant 32 : index
        %parallel_loop3A_364 = tpu.vector_load %arg13[%parallel_loop3A_362, %parallel_loop3A_363] {strides = array<i32>} : memref<200x64xf32, #tpu.memory_space<vmem>>, vector<1x16xf32>,
        %parallel_loop3A_365 = vector.shape_cast %parallel_loop3A_364 : vector<1x16xf32> to vector<16xf32>
        %parallel_loop3A_366 = arith.constant 8.000000e+00 : f32
        %parallel_loop3A_367 = vector.broadcast %parallel_loop3A_366 : f32 to vector<16xf32>
        %parallel_loop3A_368 = arith.mulf %parallel_loop3A_365, %parallel_loop3A_367 : vector<16xf32>
        %parallel_loop3A_369 = arith.index_cast %parallel_loop3A_337 : i32 to index
        %parallel_loop3A_370 = arith.constant 32 : index
        %parallel_loop3A_371 = tpu.vector_load %arg13[%parallel_loop3A_369, %parallel_loop3A_370] {strides = array<i32>} : memref<200x64xf32, #tpu.memory_space<vmem>>, vector<1x16xf32>,
        %parallel_loop3A_372 = vector.shape_cast %parallel_loop3A_371 : vector<1x16xf32> to vector<16xf32>
        %parallel_loop3A_373 = vector.shape_cast %parallel_loop3A_368 : vector<16xf32> to vector<1x16xf32>
        tpu.vector_store %arg13[%parallel_loop3A_369, %parallel_loop3A_370], %parallel_loop3A_373 {strides = array<i32>} : memref<200x64xf32, #tpu.memory_space<vmem>>, vector<1x16xf32>,
        %parallel_loop3A_374 = arith.index_cast %parallel_loop3A_337 : i32 to index
        %parallel_loop3A_375 = arith.constant 48 : index
        %parallel_loop3A_376 = tpu.vector_load %arg13[%parallel_loop3A_374, %parallel_loop3A_375] {strides = array<i32>} : memref<200x64xf32, #tpu.memory_space<vmem>>, vector<1x16xf32>,
        %parallel_loop3A_377 = vector.shape_cast %parallel_loop3A_376 : vector<1x16xf32> to vector<16xf32>
        %parallel_loop3A_378 = arith.constant 8.000000e+00 : f32
        %parallel_loop3A_379 = vector.broadcast %parallel_loop3A_378 : f32 to vector<16xf32>
        %parallel_loop3A_380 = arith.mulf %parallel_loop3A_377, %parallel_loop3A_379 : vector<16xf32>
        %parallel_loop3A_381 = arith.index_cast %parallel_loop3A_337 : i32 to index
        %parallel_loop3A_382 = arith.constant 48 : index
        %parallel_loop3A_383 = tpu.vector_load %arg13[%parallel_loop3A_381, %parallel_loop3A_382] {strides = array<i32>} : memref<200x64xf32, #tpu.memory_space<vmem>>, vector<1x16xf32>,
        %parallel_loop3A_384 = vector.shape_cast %parallel_loop3A_383 : vector<1x16xf32> to vector<16xf32>
        %parallel_loop3A_385 = vector.shape_cast %parallel_loop3A_380 : vector<16xf32> to vector<1x16xf32>
        tpu.vector_store %arg13[%parallel_loop3A_381, %parallel_loop3A_382], %parallel_loop3A_385 {strides = array<i32>} : memref<200x64xf32, #tpu.memory_space<vmem>>, vector<1x16xf32>,
      } {sc.loop_unroll_factor = 8 : i64, sc.parallel_access}
      %add3A_328 = arith.addi %mul3A_4, %add3A_311 : i32
      %dma_start3A_329 = arith.constant 0 : i32
      %dma_start3A_330 = arith.constant 0 : i32
      %dma_start3A_331 = tpu.memref_slice %arg4[%add3A_328, %dma_start3A_329, %dma_start3A_330] : memref<4096x200x128xf32, #tpu.memory_space<hbm>> -> memref<1x200x64xf32, #tpu.memory_space<hbm>>
      %dma_start3A_332 = tpu.memref_squeeze %dma_start3A_331 : memref<1x200x64xf32, #tpu.memory_space<hbm>> -> memref<200x64xf32, #tpu.memory_space<hbm>>
      %dma_start3A_333 = arith.constant 0 : i32
      %dma_start3A_334 = arith.constant 0 : i32
      %dma_start3A_335 = tpu.memref_slice %arg4[%add3A_328, %dma_start3A_333, %dma_start3A_334] : memref<4096x200x128xf32, #tpu.memory_space<hbm>> -> memref<1x200x64xf32, #tpu.memory_space<hbm>>
      %dma_start3A_336 = tpu.memref_squeeze %dma_start3A_335 : memref<1x200x64xf32, #tpu.memory_space<hbm>> -> memref<200x64xf32, #tpu.memory_space<hbm>>
      tpu.enqueue_dma source(%arg13 : memref<200x64xf32, #tpu.memory_space<vmem>>) target(%dma_start3A_336 : memref<200x64xf32, #tpu.memory_space<hbm>>) target_semaphore(%arg29 : memref<!tpu.dma_semaphore, #tpu.memory_space<semaphore_mem>>)
    }
    %scan3A_28 = arith.constant 16 : i32
    %add3A_29 = arith.constant 120 : i32
    %add3A_30 = arith.addi %mul3A_4, %add3A_29 : i32
    %dma_wait3A = arith.constant 0 : i32
    %dma_wait3A_31 = arith.constant 0 : i32
    %dma_wait3A_32 = tpu.memref_slice %arg4[%add3A_30, %dma_wait3A, %dma_wait3A_31] : memref<4096x200x128xf32, #tpu.memory_space<hbm>> -> memref<1x200x64xf32, #tpu.memory_space<hbm>>
    %dma_wait3A_33 = tpu.memref_squeeze %dma_wait3A_32 : memref<1x200x64xf32, #tpu.memory_space<hbm>> -> memref<200x64xf32, #tpu.memory_space<hbm>>
    %dma_wait3A_34 = arith.constant 0 : i32
    %dma_wait3A_35 = arith.constant 0 : i32
    %dma_wait3A_36 = tpu.memref_slice %arg4[%add3A_30, %dma_wait3A_34, %dma_wait3A_35] : memref<4096x200x128xf32, #tpu.memory_space<hbm>> -> memref<1x200x64xf32, #tpu.memory_space<hbm>>
    %dma_wait3A_37 = tpu.memref_squeeze %dma_wait3A_36 : memref<1x200x64xf32, #tpu.memory_space<hbm>> -> memref<200x64xf32, #tpu.memory_space<hbm>>
    tpu.wait_dma2 semaphore(%arg22 : memref<!tpu.dma_semaphore, #tpu.memory_space<semaphore_mem>>) src(%arg6 : memref<200x64xf32, #tpu.memory_space<vmem>>) dst(%dma_wait3A_37 : memref<200x64xf32, #tpu.memory_space<hbm>>)
    %add3A_38 = arith.constant 121 : i32
    %add3A_39 = arith.addi %mul3A_4, %add3A_38 : i32
    %dma_wait3A_40 = arith.constant 0 : i32
    %dma_wait3A_41 = arith.constant 0 : i32
    %dma_wait3A_42 = tpu.memref_slice %arg4[%add3A_39, %dma_wait3A_40, %dma_wait3A_41] : memref<4096x200x128xf32, #tpu.memory_space<hbm>> -> memref<1x200x64xf32, #tpu.memory_space<hbm>>
    %dma_wait3A_43 = tpu.memref_squeeze %dma_wait3A_42 : memref<1x200x64xf32, #tpu.memory_space<hbm>> -> memref<200x64xf32, #tpu.memory_space<hbm>>
    %dma_wait3A_44 = arith.constant 0 : i32
    %dma_wait3A_45 = arith.constant 0 : i32
    %dma_wait3A_46 = tpu.memref_slice %arg4[%add3A_39, %dma_wait3A_44, %dma_wait3A_45] : memref<4096x200x128xf32, #tpu.memory_space<hbm>> -> memref<1x200x64xf32, #tpu.memory_space<hbm>>
    %dma_wait3A_47 = tpu.memref_squeeze %dma_wait3A_46 : memref<1x200x64xf32, #tpu.memory_space<hbm>> -> memref<200x64xf32, #tpu.memory_space<hbm>>
    tpu.wait_dma2 semaphore(%arg23 : memref<!tpu.dma_semaphore, #tpu.memory_space<semaphore_mem>>) src(%arg7 : memref<200x64xf32, #tpu.memory_space<vmem>>) dst(%dma_wait3A_47 : memref<200x64xf32, #tpu.memory_space<hbm>>)
    %add3A_48 = arith.constant 122 : i32
    %add3A_49 = arith.addi %mul3A_4, %add3A_48 : i32
    %dma_wait3A_50 = arith.constant 0 : i32
    %dma_wait3A_51 = arith.constant 0 : i32
    %dma_wait3A_52 = tpu.memref_slice %arg4[%add3A_49, %dma_wait3A_50, %dma_wait3A_51] : memref<4096x200x128xf32, #tpu.memory_space<hbm>> -> memref<1x200x64xf32, #tpu.memory_space<hbm>>
    %dma_wait3A_53 = tpu.memref_squeeze %dma_wait3A_52 : memref<1x200x64xf32, #tpu.memory_space<hbm>> -> memref<200x64xf32, #tpu.memory_space<hbm>>
    %dma_wait3A_54 = arith.constant 0 : i32
    %dma_wait3A_55 = arith.constant 0 : i32
    %dma_wait3A_56 = tpu.memref_slice %arg4[%add3A_49, %dma_wait3A_54, %dma_wait3A_55] : memref<4096x200x128xf32, #tpu.memory_space<hbm>> -> memref<1x200x64xf32, #tpu.memory_space<hbm>>
    %dma_wait3A_57 = tpu.memref_squeeze %dma_wait3A_56 : memref<1x200x64xf32, #tpu.memory_space<hbm>> -> memref<200x64xf32, #tpu.memory_space<hbm>>
    tpu.wait_dma2 semaphore(%arg24 : memref<!tpu.dma_semaphore, #tpu.memory_space<semaphore_mem>>) src(%arg8 : memref<200x64xf32, #tpu.memory_space<vmem>>) dst(%dma_wait3A_57 : memref<200x64xf32, #tpu.memory_space<hbm>>)
    %add3A_58 = arith.constant 123 : i32
    %add3A_59 = arith.addi %mul3A_4, %add3A_58 : i32
    %dma_wait3A_60 = arith.constant 0 : i32
    %dma_wait3A_61 = arith.constant 0 : i32
    %dma_wait3A_62 = tpu.memref_slice %arg4[%add3A_59, %dma_wait3A_60, %dma_wait3A_61] : memref<4096x200x128xf32, #tpu.memory_space<hbm>> -> memref<1x200x64xf32, #tpu.memory_space<hbm>>
    %dma_wait3A_63 = tpu.memref_squeeze %dma_wait3A_62 : memref<1x200x64xf32, #tpu.memory_space<hbm>> -> memref<200x64xf32, #tpu.memory_space<hbm>>
    %dma_wait3A_64 = arith.constant 0 : i32
    %dma_wait3A_65 = arith.constant 0 : i32
    %dma_wait3A_66 = tpu.memref_slice %arg4[%add3A_59, %dma_wait3A_64, %dma_wait3A_65] : memref<4096x200x128xf32, #tpu.memory_space<hbm>> -> memref<1x200x64xf32, #tpu.memory_space<hbm>>
    %dma_wait3A_67 = tpu.memref_squeeze %dma_wait3A_66 : memref<1x200x64xf32, #tpu.memory_space<hbm>> -> memref<200x64xf32, #tpu.memory_space<hbm>>
    tpu.wait_dma2 semaphore(%arg25 : memref<!tpu.dma_semaphore, #tpu.memory_space<semaphore_mem>>) src(%arg9 : memref<200x64xf32, #tpu.memory_space<vmem>>) dst(%dma_wait3A_67 : memref<200x64xf32, #tpu.memory_space<hbm>>)
    %add3A_68 = arith.constant 124 : i32
    %add3A_69 = arith.addi %mul3A_4, %add3A_68 : i32
    %dma_wait3A_70 = arith.constant 0 : i32
    %dma_wait3A_71 = arith.constant 0 : i32
    %dma_wait3A_72 = tpu.memref_slice %arg4[%add3A_69, %dma_wait3A_70, %dma_wait3A_71] : memref<4096x200x128xf32, #tpu.memory_space<hbm>> -> memref<1x200x64xf32, #tpu.memory_space<hbm>>
    %dma_wait3A_73 = tpu.memref_squeeze %dma_wait3A_72 : memref<1x200x64xf32, #tpu.memory_space<hbm>> -> memref<200x64xf32, #tpu.memory_space<hbm>>
    %dma_wait3A_74 = arith.constant 0 : i32
    %dma_wait3A_75 = arith.constant 0 : i32
    %dma_wait3A_76 = tpu.memref_slice %arg4[%add3A_69, %dma_wait3A_74, %dma_wait3A_75] : memref<4096x200x128xf32, #tpu.memory_space<hbm>> -> memref<1x200x64xf32, #tpu.memory_space<hbm>>
    %dma_wait3A_77 = tpu.memref_squeeze %dma_wait3A_76 : memref<1x200x64xf32, #tpu.memory_space<hbm>> -> memref<200x64xf32, #tpu.memory_space<hbm>>
    tpu.wait_dma2 semaphore(%arg26 : memref<!tpu.dma_semaphore, #tpu.memory_space<semaphore_mem>>) src(%arg10 : memref<200x64xf32, #tpu.memory_space<vmem>>) dst(%dma_wait3A_77 : memref<200x64xf32, #tpu.memory_space<hbm>>)
    %add3A_78 = arith.constant 125 : i32
    %add3A_79 = arith.addi %mul3A_4, %add3A_78 : i32
    %dma_wait3A_80 = arith.constant 0 : i32
    %dma_wait3A_81 = arith.constant 0 : i32
    %dma_wait3A_82 = tpu.memref_slice %arg4[%add3A_79, %dma_wait3A_80, %dma_wait3A_81] : memref<4096x200x128xf32, #tpu.memory_space<hbm>> -> memref<1x200x64xf32, #tpu.memory_space<hbm>>
    %dma_wait3A_83 = tpu.memref_squeeze %dma_wait3A_82 : memref<1x200x64xf32, #tpu.memory_space<hbm>> -> memref<200x64xf32, #tpu.memory_space<hbm>>
    %dma_wait3A_84 = arith.constant 0 : i32
    %dma_wait3A_85 = arith.constant 0 : i32
    %dma_wait3A_86 = tpu.memref_slice %arg4[%add3A_79, %dma_wait3A_84, %dma_wait3A_85] : memref<4096x200x128xf32, #tpu.memory_space<hbm>> -> memref<1x200x64xf32, #tpu.memory_space<hbm>>
    %dma_wait3A_87 = tpu.memref_squeeze %dma_wait3A_86 : memref<1x200x64xf32, #tpu.memory_space<hbm>> -> memref<200x64xf32, #tpu.memory_space<hbm>>
    tpu.wait_dma2 semaphore(%arg27 : memref<!tpu.dma_semaphore, #tpu.memory_space<semaphore_mem>>) src(%arg11 : memref<200x64xf32, #tpu.memory_space<vmem>>) dst(%dma_wait3A_87 : memref<200x64xf32, #tpu.memory_space<hbm>>)
    %add3A_88 = arith.constant 126 : i32
    %add3A_89 = arith.addi %mul3A_4, %add3A_88 : i32
    %dma_wait3A_90 = arith.constant 0 : i32
    %dma_wait3A_91 = arith.constant 0 : i32
    %dma_wait3A_92 = tpu.memref_slice %arg4[%add3A_89, %dma_wait3A_90, %dma_wait3A_91] : memref<4096x200x128xf32, #tpu.memory_space<hbm>> -> memref<1x200x64xf32, #tpu.memory_space<hbm>>
    %dma_wait3A_93 = tpu.memref_squeeze %dma_wait3A_92 : memref<1x200x64xf32, #tpu.memory_space<hbm>> -> memref<200x64xf32, #tpu.memory_space<hbm>>
    %dma_wait3A_94 = arith.constant 0 : i32
    %dma_wait3A_95 = arith.constant 0 : i32
    %dma_wait3A_96 = tpu.memref_slice %arg4[%add3A_89, %dma_wait3A_94, %dma_wait3A_95] : memref<4096x200x128xf32, #tpu.memory_space<hbm>> -> memref<1x200x64xf32, #tpu.memory_space<hbm>>
    %dma_wait3A_97 = tpu.memref_squeeze %dma_wait3A_96 : memref<1x200x64xf32, #tpu.memory_space<hbm>> -> memref<200x64xf32, #tpu.memory_space<hbm>>
    tpu.wait_dma2 semaphore(%arg28 : memref<!tpu.dma_semaphore, #tpu.memory_space<semaphore_mem>>) src(%arg12 : memref<200x64xf32, #tpu.memory_space<vmem>>) dst(%dma_wait3A_97 : memref<200x64xf32, #tpu.memory_space<hbm>>)
    %add3A_98 = arith.constant 127 : i32
    %add3A_99 = arith.addi %mul3A_4, %add3A_98 : i32
    %dma_wait3A_100 = arith.constant 0 : i32
    %dma_wait3A_101 = arith.constant 0 : i32
    %dma_wait3A_102 = tpu.memref_slice %arg4[%add3A_99, %dma_wait3A_100, %dma_wait3A_101] : memref<4096x200x128xf32, #tpu.memory_space<hbm>> -> memref<1x200x64xf32, #tpu.memory_space<hbm>>
    %dma_wait3A_103 = tpu.memref_squeeze %dma_wait3A_102 : memref<1x200x64xf32, #tpu.memory_space<hbm>> -> memref<200x64xf32, #tpu.memory_space<hbm>>
    %dma_wait3A_104 = arith.constant 0 : i32
    %dma_wait3A_105 = arith.constant 0 : i32
    %dma_wait3A_106 = tpu.memref_slice %arg4[%add3A_99, %dma_wait3A_104, %dma_wait3A_105] : memref<4096x200x128xf32, #tpu.memory_space<hbm>> -> memref<1x200x64xf32, #tpu.memory_space<hbm>>
    %dma_wait3A_107 = tpu.memref_squeeze %dma_wait3A_106 : memref<1x200x64xf32, #tpu.memory_space<hbm>> -> memref<200x64xf32, #tpu.memory_space<hbm>>
    tpu.wait_dma2 semaphore(%arg29 : memref<!tpu.dma_semaphore, #tpu.memory_space<semaphore_mem>>) src(%arg13 : memref<200x64xf32, #tpu.memory_space<vmem>>) dst(%dma_wait3A_107 : memref<200x64xf32, #tpu.memory_space<hbm>>)
    return
  }
}

</mosaic_0001>

<sc_bundles>
// kernel: kernel.3.cloned.1.call-start
scs
__scs_entry_jumppad:
0x0: {  	(pc) =	sbr.rel $0x88, $3  }
0x1: {  	(tag) =	ssettag $0x0;
	lr =	simm.s32 $0x1  }
0x2: {  	[smem:$0x3F9F] =	sst lr;
	_ =	strace $0xD0000000  }
0x3: {  	_ = 	snop  }
0x4: {  	_ = 	snop  }
0x5: {  	_ = 	snop  }
0x6: {  	_ = 	snop  }
0x7: {  	_ = 	snop  }
__scs_overlays_trampoline_lowered:
0x8: {  	[smem:$0x3FAE] =	sst s0  }
0x9: {  	[smem:$0x3FAF] =	sst s1  }
0xa: {  	[smem:$0x3FB0] =	sst s2  }
0xb: {  	[smem:$0x3FB1] =	sst s3  }
0xc: {  	[smem:$0x3FB2] =	sst s4  }
0xd: {  	[smem:$0x3FB3] =	sst s5  }
0xe: {  	[smem:$0x3FB4] =	sst s6  }
0xf: {  	[smem:$0x3FB5] =	sst s7  }
0x10: {  	[smem:$0x3FB6] =	sst s8  }
0x11: {  	[smem:$0x3FB7] =	sst s9;
	s0 =	simm.s32 @!p0 $0x0  }
0x12: {  	s1 =	sld [smem:$0x3F9D];
	s0 =	simm.s32 @p0 $0x1  }
0x13: {  	[smem:$0x3FB8] =	sst s0;
	s0 =	simm.s32 @!p1 $0x0  }
0x14: {  	s2 =	sld [smem:$0x3F9C];
	s0 =	simm.s32 @p1 $0x1  }
0x15: {  	[smem:$0x3FB9] =	sst s0;
	s0 =	simm.s32 @!p2 $0x0  }
0x16: {  	s3 =	sld [smem:$0x3FDB];
	s0 =	simm.s32 @p2 $0x1  }
0x17: {  	s4 =	simm.s32 $0x1BF5;
	[smem:$0x3FBB] =	sst s0  }
0x18: {  	s0 =	sld [smem:$0x3F9E];
	_ =	swait.ge [sflag:s4], $0x0  }
0x19: {  	s7 =	sld [smem:$0x3F9F]  }
0x1a: {  	s8 =	sadd.s32 $0xFFFFE003, lr  }
0x1b: {  	s9 =	sadd.s32 $0xFFFFFEF7, lr;
	s5 =	simm.s32 $0xFFFFFFFF;
	p2 =	slt.u32 s8, $0xFFFFF086  }
0x1c: {  	p1 =	slt.u32 s9, $0xF7A;
	s5 =	simm.s32 @!p2 $0x0  }
0x1d: {  	s5 =	simm.s32 @p1 $0x1;
	p0 =	seq.s32 s7, s2  }
0x1e: {  	s7 =	smul.u32 @!p0 $0xF7A, s2;
	p2 =	seq.s32 @!p0 s5, $0x0  }
0x1f: {  	s9 =	smul.u32 $0xF7A, s1;
	s8 =	simm.s32 @!p0 $0x1BF5;
	p2 =	por !p2, p0  }
0x20: {  	[sflag:s8] =	ssyncset.s32 @!p0 $0xFFFFF086;
	s6 =	sadd.s32 @!p0 s3, s7;
	s7 =	simm.s32 @!p0 $0x108  }
0x21: {  	s3 =	sadd.s32 s3, s9;
	s6 =	sadd.s32 @!p0 $0x88, s6;
	s7 =	simm.s32 @p2 $0x1082  }
0x22: {  	[simem:s7], [sflag:s8] =	dma.local @!p0 [hbm:s6], $0xF7A  }
0x23: {  	s9 =	sor.u32 $0xD0000000, s2;
	s6 =	simm.s32 $0x108;
	_ =	swait.ge @!p0 [sflag:s8], $0x0  }
0x24: {  	s3 =	sadd.s32 $0x88, s3;
	s6 =	simm.s32 @!p1 $0x1082;
	[sflag:s4] =	ssyncset.s32 $0xFFFFF086  }
0x25: {  	[simem:s6], [sflag:s4] =	dma.local [hbm:s3], $0xF7A  }
0x26: {  	[smem:$0x3F9F] =	sst s1;
	(tag) =	ssettag s2;
	_ =	strace s9  }
0x27: {  	s1 =	sld [smem:$0x3FAF]  }
0x28: {  	s2 =	sld [smem:$0x3FB0]  }
0x29: {  	s4 =	sld [smem:$0x3FB2]  }
0x2a: {  	p0 =	seq.s32 s5, $0x0;
	s5 =	sld [smem:$0x3FB3]  }
0x2b: {  	s6 =	sld [smem:$0x3FB4]  }
0x2c: {  	s7 =	sld [smem:$0x3FB5]  }
0x2d: {  	s3 =	simm.s32 $0x108;
	s8 =	sld [smem:$0x3FB6]  }
0x2e: {  	s3 =	simm.s32 @!p0 $0x1082;
	s9 =	sld [smem:$0x3FB7]  }
0x2f: {  	lr =	sadd.s32 s0, s3;
	s0 =	sld [smem:$0x3FAE]  }
0x30: {  	s3 =	sld [smem:$0x3FB1]  }
0x31: {  	[smem:$0x3FBA] =	sst s10  }
0x32: {  	s10 =	sld [smem:$0x3FB8];
	_ =	sdelay $0x3  }
0x33: {  	p0 =	seq.s32 s10, $0x1;
	s10 =	sld [smem:$0x3FBA];
	_ =	sdelay $0x3  }
0x34: {  	[smem:$0x3FBA] =	sst s10  }
0x35: {  	s10 =	sld [smem:$0x3FB9];
	_ =	sdelay $0x3  }
0x36: {  	p1 =	seq.s32 s10, $0x1;
	s10 =	sld [smem:$0x3FBA];
	_ =	sdelay $0x3  }
0x37: {  	[smem:$0x3FBA] =	sst s10  }
0x38: {  	s10 =	sld [smem:$0x3FBB]  }
0x39: {  	_ = 	snop;
	(pc) =	sbr.ind lr, $3  }
0x3a: {  	_ = 	snop  }
0x3b: {  	_ = 	snop  }
0x3c: {  	p2 =	seq.s32 s10, $0x1;
	s10 =	sld [smem:$0x3FBA]  }
0x3d: {  	_ =	shalt  }
0x3e: {  	_ =	shalt  }
0x3f: {  	_ =	shalt  }
0x40: {  	_ =	shalt  }
0x41: {  	_ =	shalt  }
0x42: {  	_ =	shalt  }
0x43: {  	_ =	shalt  }
0x44: {  	_ =	shalt  }
0x45: {  	_ =	shalt  }
0x46: {  	_ =	shalt  }
0x47: {  	_ =	shalt  }
0x48: {  	_ =	shalt  }
0x49: {  	_ =	shalt  }
0x4a: {  	_ =	shalt  }
0x4b: {  	_ =	shalt  }
0x4c: {  	_ =	shalt  }
0x4d: {  	_ =	shalt  }
0x4e: {  	_ =	shalt  }
0x4f: {  	_ =	shalt  }
0x50: {  	_ =	shalt  }
0x51: {  	_ =	shalt  }
0x52: {  	_ =	shalt  }
0x53: {  	_ =	shalt  }
0x54: {  	_ =	shalt  }
0x55: {  	_ =	shalt  }
0x56: {  	_ =	shalt  }
0x57: {  	_ =	shalt  }
0x58: {  	_ =	shalt  }
0x59: {  	_ =	shalt  }
0x5a: {  	_ =	shalt  }
0x5b: {  	_ =	shalt  }
0x5c: {  	_ =	shalt  }
0x5d: {  	_ =	shalt  }
0x5e: {  	_ =	shalt  }
0x5f: {  	_ =	shalt  }
0x60: {  	_ =	shalt  }
0x61: {  	_ =	shalt  }
0x62: {  	_ =	shalt  }
0x63: {  	_ =	shalt  }
0x64: {  	_ =	shalt  }
0x65: {  	_ =	shalt  }
0x66: {  	_ =	shalt  }
0x67: {  	_ =	shalt  }
0x68: {  	_ =	shalt  }
0x69: {  	_ =	shalt  }
0x6a: {  	_ =	shalt  }
0x6b: {  	_ =	shalt  }
0x6c: {  	_ =	shalt  }
0x6d: {  	_ =	shalt  }
0x6e: {  	_ =	shalt  }
0x6f: {  	_ =	shalt  }
0x70: {  	_ =	shalt  }
0x71: {  	_ =	shalt  }
0x72: {  	_ =	shalt  }
0x73: {  	_ =	shalt  }
0x74: {  	_ =	shalt  }
0x75: {  	_ =	shalt  }
0x76: {  	_ =	shalt  }
0x77: {  	_ =	shalt  }
0x78: {  	_ =	shalt  }
0x79: {  	_ =	shalt  }
0x7a: {  	_ =	shalt  }
0x7b: {  	_ =	shalt  }
0x7c: {  	_ =	shalt  }
0x7d: {  	_ =	shalt  }
0x7e: {  	_ =	shalt  }
0x7f: {  	_ =	shalt  }
0x80: {  	_ =	shalt  }
0x81: {  	_ =	shalt  }
0x82: {  	_ =	shalt  }
0x83: {  	_ =	shalt  }
0x84: {  	_ =	shalt  }
0x85: {  	_ =	shalt  }
0x86: {  	_ =	shalt  }
0x87: {  	_ =	shalt  }
.Lfunc_end0:
.L_simem_size_0:
called_computation.1_lowered:
.L_overlay_start_0:
0x88: {  	s2 =	sld [smem:$0x3FD9]  }
0x89: {  	s3 =	sld [smem:$0x3FFE];
	_ =	sdelay $0x1  }
0x8a: {  	s1 =	srdreg.scid  }
0x8b: {  	s0 =	sand.u32 $0x1, s1  }
0x8c: {  	s17 =	sshll.u32 s0, $0xA;
	s2 =	sadd.s32 s3, s2  }
0x8d: {  	s2 =	sadd.s32 s2, s17  }
0x8e: {  	[smem:$0x3FC6] =	sst s2  }
0x8f: {  	_ = 	snop  }
0x90: {  	s2 =	sld [smem:$0x3FD0];
	(tm) =	ssettm $0x1  }
0x91: {  	s18 =	sld [smem:$0x3FFB];
	_ =	sdelay $0x3  }
0x92: {  	_ =	strace s18  }
0x93: {  	s3 =	sld [smem:$0x3FFC];
	_ =	sdelay $0x3  }
0x94: {  	_ =	strace s3  }
0x95: {  	s3 =	sld [smem:$0x3FFD];
	_ =	sdelay $0x3  }
0x96: {  	_ =	strace s3  }
0x97: {  	_ =	strace $0x8FFFFFFF  }
0x98: {  	s19 =	sld [smem:$0x3FDB];
	_ =	sdelay $0x1  }
0x99: {  	s4 =	simm.s32 $_scs_section_size  }
0x9a: {  	s5 =	simm.s32 $_size__tile_overlayer_lowered;
	s6 =	simm.s32 $_tile_overlayer_lowered  }
0x9b: {  	s22 =	simm.s32 $0x1BFF;
	s21 =	sshll.u32 s6, $0x1;
	s3 =	sadd.s32 s4, s19  }
0x9c: {  	s7 =	simm.s32 $0x0;
	s20 =	sshll.u32 s5, $0x1;
	s5 =	sadd.s32 s21, s3  }
0x9d: {  	[timem:s7], [sflag:s22] =	dma.local [hbm:s5], s20  }
0x9e: {  	_ =	swait.ge [sflag:s22], s20  }
0x9f: {  	s4 =	ssub.s32 $0x0, s20;
	[sflag:s22] =	ssyncset.done $0x0  }
0xa0: {  	[sflag:s22] =	ssyncadd.s32 s4;
	_ =	sdelay $0x1  }
0xa1: {  	s23 =	simm.s32 $0x1B8B  }
0xa2: {  	_ =	swait.ge [sflag:s23], $0x1  }
0xa3: {  	[sflag:s23] =	ssyncset.done $0x0  }
0xa4: {  	s25 =	simm.s32 $0x1B8E;
	s24 =	sld [smem:$0x3FFE];
	[sflag:s23] =	ssyncadd.s32 $0xFFFFFFFF  }
0xa5: {  	s26 =	simm.s32 $execute0_lowered;
	[smem:$0x3FD2] =	sst s25  }
0xa6: {  	s5 =	sshll.u32 s26, $0x1;
	_ =	strace $0x80000046;
	[dreg:$0x1] =	wrdreg $0xFFFFFFFF  }
0xa7: {  	s28 =	simm.s32 $_size_execute0_lowered;
	s3 =	sadd.s32 s3, s5;
	[dreg:$0x0] =	wrdreg $0x0  }
0xa8: {  	s5 =	sshll.u32 s28, $0x1;
	[dreg:$0x2] =	wrdreg s3  }
0xa9: {  	[dreg:$0x3] =	wrdreg s5  }
0xaa: {  	[dreg:$0x4] =	wrdreg $0xC0  }
0xab: {  	_ =	task [dreg:s7], $0x5FFFF  }
0xac: {  	[dreg:$0x1] =	wrdreg $0xFFFFFFFF  }
0xad: {  	[dreg:$0x0] =	wrdreg $0x60  }
0xae: {  	[dreg:$0x2] =	wrdreg s2  }
0xaf: {  	[dreg:$0x3] =	wrdreg s24  }
0xb0: {  	[dreg:$0x4] =	wrdreg $0x9  }
0xb1: {  	_ =	task.clear_ibuf [dreg:s7], $0x5FFFF;
	_ =	strace $0x90000046  }
0xb2: {  	s29 =	simm.s32 $0x9;
	_ =	strace $0x80000048  }
0xb3: {  	_ =	swait.ge [sflag:s29], $0x1  }
0xb4: {  	[sflag:s29] =	ssyncadd.s32 $0xFFFFFFFF  }
0xb5: {  	_ =	strace $0x90000048  }
0xb6: {  	_ =	sfence  }
0xb7: {  	s30 =	sld [smem:$0x0];
	_ =	sdelay $0x2  }
0xb8: {  	s31 =	sshll.u32 s1, $0xD;
	s1 =	sshrl.u32 s1, $0x2  }
0xb9: {  	s3 =	sand.u32 $0x4000, s31;
	s1 =	sadd.s32 s1, s30  }
0xba: {  	s0 =	sor.u32 s3, s0;
	s1 =	sshll.u32 s1, $0x11  }
0xbb: {  	s0 =	sor.u32 s1, s0  }
0xbc: {  	s0 =	sadd.s32 $0x8F2B, s0  }
0xbd: {  	[sflag:s0] =	ssyncadd.remote.s32 $0x1  }
0xbe: {  	_ =	sfence.sel $0xFFFF  }
0xbf: {  	[dreg:$0x0] =	wrdreg $0xFFFFFFFF;
	(pc) =	sbr.abs _section_cstart, $3  }
0xc0: {  	[dreg:$0x1] =	wrdreg $0xFFFFFFFF  }
0xc1: {  	_ =	task.clear_ibuf [dreg:s7], $0x2FFFF;
	_ =	strace $0x9FFFFFFF  }
0xc2: {  	(tm) =	ssettm $0x7FFFFFFF  }
0xc3: {  	_ =	shalt  }
tec
execute0_lowered:
.L_overlay_start_1:
0x0: {  	(tag) =	ssettag $0x1  }
0x1: {  	s0 =	rddreg [dreg:$0x0]  }
0x2: {  	s1 =	rddreg [dreg:$0x1]  }
0x3: {  	s4 =	simm.s32 $0x0;
	s2 =	srdreg.scid;
	s3 =	stileid.u32  }
0x4: {  	s9 =	simm.s32 $0xC8;
	s10 =	simm.s32 $0x6400;
	s11 =	simm.s32 $0x9600  }
0x5: {  	s13 =	simm.s32 $0xC800;
	s15 =	simm.s32 $0xFA00;
	s16 =	simm.s32 $0x12C00  }
0x6: {  	s17 =	simm.s32 $0x1;
	s18 =	simm.s32 $0x40;
	s19 =	simm.s32 $0x80  }
0x7: {  	s20 =	simm.s32 $0x15E00;
	s21 =	simm.s32 $0x2;
	s22 =	simm.s32 $0x19000  }
0x8: {  	s23 =	simm.s32 $0x3;
	s24 =	simm.s32 $0x1C200;
	s25 =	simm.s32 $0x4  }
0x9: {  	s28 =	simm.s32 $0x6;
	s2 =	sand.u32 $0x1, s2;
	s3 =	sshll.u32 s3, $0x1  }
0xa: {  	s29 =	simm.s32 $0x7;
	s5 =	ssub.s32 $0x2, s2;
	s2 =	sor.u32 s2, s3  }
0xb: {  	s30 =	simm.s32 $0x8;
	[smem:$0x7FF] =	sst s4;
	s7 =	smul.u32 $0xC80, s2  }
0xc: {  	s4 =	sadd.s32 $0xA00, s1;
	_ =	strace $0x80000047;
	s6 =	sshrl.u32 s5, $0x1  }
0xd: {  	s3 =	sadd.s32 $0xF42E00, s1;
	s26 =	ssub.s32 s5, s6;
	s0 =	sadd.s32 s0, s7  }
0xe: {  	s5 =	sshll.u32 s2, $0x7;
	s31 =	smax.u32 s26, $0x1;
	[dreg:$0x3] =	wrdreg s0  }
0xf: {  	s2 =	simm.s32 $0x0;
	s26 =	simm.s32 $0x5;
	[dreg:$0x4] =	wrdreg s31  }
.LBB2_1:
0x10: {  	[dreg:$0x5] =	wrdreg s2  }
0x11: {  	s0 =	simm.s32 $0x0;
	s1 =	rddreg [dreg:$0x3];
	s8 =	simm.s32 $0x11  }
0x12: {  	[tilespmem:s0], [sflag:$0x11] =	stream.linear.gather [hbm4b:s1+s0], $0x6400, $0x38;
	[tilespmem:$0x1F400] =	vst v63  }
0x13: {  	_ =	swait.ge [sflag:s8], $0x6400  }
0x14: {  	[sflag:s8] =	ssyncset.done $0x0  }
0x15: {  	[sflag:s8] =	ssyncadd.s32 $0xFFFF9C00  }
0x16: {  	[tilespmem:s10], [sflag:$0x1] =	stream.indirect.gather [hbm4b:s3+s9], $0x40, s0, s9, $0xb8;
	[tilespmem:$0x1F400] =	vst v63  }
0x17: {  	_ = 	snop  }
0x18: {  	[tilespmem:s11], [sflag:$0x2] =	stream.indirect.gather [hbm4b:s3+s9], $0x40, s9, s9, $0xb8;
	[tilespmem:$0x1F400] =	vst v63  }
0x19: {  	s12 =	simm.s32 $0x190  }
0x1a: {  	[tilespmem:s13], [sflag:$0x3] =	stream.indirect.gather [hbm4b:s3+s9], $0x40, s12, s9, $0xb8;
	[tilespmem:$0x1F400] =	vst v63  }
0x1b: {  	s14 =	simm.s32 $0x258;
	s31 =	simm.s32 $0x0  }
0x1c: {  	[tilespmem:s15], [sflag:$0x4] =	stream.indirect.gather [hbm4b:s3+s9], $0x40, s14, s9, $0xb8;
	[tilespmem:$0x1F400] =	vst v63  }
.LBB2_2:
0x1d: {  	s2 =	sshll.u32 s31, $0x3;
	p0 =	seq.s32 s31, $0x0  }
0x1e: {  	s0 =	sor.u32 $0x4, s2;
	s1 =	simm.s32 @!p0 $0xD  }
0x1f: {  	_ =	swait.ge @!p0 [sflag:s1], $0x3200;
	s6 =	smul.u32 $0x320, s0  }
0x20: {  	[sflag:s1] =	ssyncset.done @!p0 $0x0  }
0x21: {  	[sflag:s1] =	ssyncadd.s32 @!p0 $0xFFFFCE00;
	s14 =	sshra.s32 s6, $0x2  }
0x22: {  	[tilespmem:s16], [sflag:$0x5] =	stream.indirect.gather [hbm4b:s3+s9], $0x40, s14, s9, $0xb8;
	[tilespmem:$0x1F400] =	vst v63  }
0x23: {  	_ =	swait.ge [sflag:s17], $0x3200  }
0x24: {  	[sflag:s17] =	ssyncset.done $0x0  }
0x25: {  	s1 =	simm.s32 $0x6500;
	[sflag:s17] =	ssyncadd.s32 $0xFFFFCE00  }
0x26: {  	v0 =	vld [tilespmem:s1+$0xF0]  }
0x27: {  	v1 =	vld [tilespmem:s1+$0xFFFFFF10]  }
0x28: {  	v2 =	vld [tilespmem:s1+$0xFFFFFF20]  }
0x29: {  	v3 =	vld [tilespmem:s1+$0xFFFFFF30]  }
0x2a: {  	v4 =	vld [tilespmem:s1+$0xFFFFFF40]  }
0x2b: {  	v5 =	vld [tilespmem:s1+$0xFFFFFF50];
	v0 =	vmul.f32 $8.000000000e+00, v0  }
0x2c: {  	v6 =	vld [tilespmem:s1+$0xFFFFFF60];
	v1 =	vmul.f32 $8.000000000e+00, v1  }
0x2d: {  	v7 =	vld [tilespmem:s1+$0xFFFFFF70];
	v2 =	vmul.f32 $8.000000000e+00, v2;
	[tilespmem:s1+$0xF0] =	vst v0  }
0x2e: {  	[tilespmem:s1+$0xFFFFFF10] =	vst v1;
	v0 =	vmul.f32 $8.000000000e+00, v3;
	v1 =	vld [tilespmem:s1+$0xFFFFFF80]  }
0x2f: {  	[tilespmem:s1+$0xFFFFFF20] =	vst v2;
	v2 =	vmul.f32 $8.000000000e+00, v4;
	v3 =	vld [tilespmem:s1+$0xFFFFFF90]  }
0x30: {  	v4 =	vld [tilespmem:s1+$0xFFFFFFA0];
	[tilespmem:s1+$0xFFFFFF30] =	vst v0;
	v0 =	vmul.f32 $8.000000000e+00, v5  }
0x31: {  	[tilespmem:s1+$0xFFFFFF40] =	vst v2;
	v2 =	vmul.f32 $8.000000000e+00, v6;
	v5 =	vld [tilespmem:s1+$0xFFFFFFB0]  }
0x32: {  	v6 =	vld [tilespmem:s1+$0xFFFFFFC0];
	[tilespmem:s1+$0xFFFFFF50] =	vst v0;
	v0 =	vmul.f32 $8.000000000e+00, v7  }
0x33: {  	[tilespmem:s1+$0xFFFFFF60] =	vst v2;
	v2 =	vld [tilespmem:s1+$0xFFFFFFD0];
	v1 =	vmul.f32 $8.000000000e+00, v1  }
0x34: {  	[tilespmem:s1+$0xFFFFFF70] =	vst v0;
	v0 =	vmul.f32 $8.000000000e+00, v3;
	v3 =	vld [tilespmem:s1+$0xFFFFFFE0]  }
0x35: {  	[tilespmem:s1+$0xFFFFFF80] =	vst v1;
	v1 =	vmul.f32 $8.000000000e+00, v4;
	v4 =	vld [tilespmem:s1+$0xFFFFFFF0]  }
0x36: {  	[tilespmem:s1+$0xFFFFFF90] =	vst v0;
	v0 =	vmul.f32 $8.000000000e+00, v5;
	v5 =	vld [tilespmem:s1+$0x0]  }
0x37: {  	[tilespmem:s1+$0xFFFFFFA0] =	vst v1;
	v1 =	vmul.f32 $8.000000000e+00, v6;
	v6 =	vld [tilespmem:s1+$0x10]  }
0x38: {  	[tilespmem:s1+$0xFFFFFFB0] =	vst v0;
	v0 =	vmul.f32 $8.000000000e+00, v2;
	v2 =	vld [tilespmem:s1+$0x20]  }
0x39: {  	[tilespmem:s1+$0xFFFFFFC0] =	vst v1;
	v1 =	vmul.f32 $8.000000000e+00, v3;
	v3 =	vld [tilespmem:s1+$0x30]  }
0x3a: {  	[tilespmem:s1+$0xFFFFFFD0] =	vst v0;
	v0 =	vmul.f32 $8.000000000e+00, v4;
	v4 =	vld [tilespmem:s1+$0x40]  }
0x3b: {  	[tilespmem:s1+$0xFFFFFFE0] =	vst v1;
	v1 =	vmul.f32 $8.000000000e+00, v5;
	v5 =	vld [tilespmem:s1+$0x50]  }
0x3c: {  	[tilespmem:s1+$0xFFFFFFF0] =	vst v0;
	v0 =	vmul.f32 $8.000000000e+00, v6;
	v6 =	vld [tilespmem:s1+$0x60]  }
0x3d: {  	[tilespmem:s1+$0x0] =	vst v1;
	v1 =	vmul.f32 $8.000000000e+00, v2;
	v2 =	vld [tilespmem:s1+$0x70]  }
0x3e: {  	[tilespmem:s1+$0x10] =	vst v0;
	v0 =	vmul.f32 $8.000000000e+00, v3;
	v3 =	vld [tilespmem:s1+$0x80]  }
0x3f: {  	[tilespmem:s1+$0x20] =	vst v1;
	v1 =	vmul.f32 $8.000000000e+00, v4;
	v4 =	vld [tilespmem:s1+$0x90]  }
0x40: {  	v7 =	vld [tilespmem:s1+$0xA0];
	[tilespmem:s1+$0x30] =	vst v0;
	v5 =	vmul.f32 $8.000000000e+00, v5  }
0x41: {  	v0 =	vld [tilespmem:s1+$0xB0];
	[tilespmem:s1+$0x40] =	vst v1;
	v6 =	vmul.f32 $8.000000000e+00, v6  }
0x42: {  	v1 =	vld [tilespmem:s1+$0xC0];
	[tilespmem:s1+$0x50] =	vst v5;
	v5 =	vmul.f32 $8.000000000e+00, v2  }
0x43: {  	v2 =	vld [tilespmem:s1+$0xD0];
	[tilespmem:s1+$0x60] =	vst v6;
	v6 =	vmul.f32 $8.000000000e+00, v3  }
0x44: {  	v3 =	vld [tilespmem:s1+$0xE0];
	[tilespmem:s1+$0x70] =	vst v5;
	v5 =	vmul.f32 $8.000000000e+00, v4  }
0x45: {  	s7 =	simm.s32 $0x6700;
	s6 =	simm.s32 $0x0;
	v4 =	vld [tilespmem:s1+$0xFFFFFF00];
	[tilespmem:s1+$0x80] =	vst v6;
	v6 =	vmul.f32 $8.000000000e+00, v7  }
.LBB2_3:
0x46: {  	v7 =	vld [tilespmem:s7+$0xF0];
	s6 =	sadd.s32 $0x8, s6;
	[tilespmem:s1+$0x90] =	vst v5;
	v0 =	vmul.f32 $8.000000000e+00, v0  }
0x47: {  	v5 =	vld [tilespmem:s7+$0xFFFFFF10];
	p1 =	slt.u32 s6, $0xC0;
	[tilespmem:s1+$0xA0] =	vst v6;
	v1 =	vmul.f32 $8.000000000e+00, v1  }
0x48: {  	v6 =	vld [tilespmem:s7+$0xFFFFFF20];
	[tilespmem:s1+$0xB0] =	vst v0;
	v0 =	vmul.f32 $8.000000000e+00, v2  }
0x49: {  	v2 =	vld [tilespmem:s7+$0xFFFFFF30];
	[tilespmem:s1+$0xC0] =	vst v1;
	v1 =	vmul.f32 $8.000000000e+00, v3  }
0x4a: {  	v3 =	vld [tilespmem:s7+$0xFFFFFF40];
	v4 =	vmul.f32 $8.000000000e+00, v4;
	[tilespmem:s1+$0xD0] =	vst v0  }
0x4b: {  	v0 =	vld [tilespmem:s7+$0xFFFFFF50];
	v7 =	vmul.f32 $8.000000000e+00, v7;
	[tilespmem:s1+$0xE0] =	vst v1  }
0x4c: {  	v1 =	vmul.f32 $8.000000000e+00, v5;
	v5 =	vld [tilespmem:s7+$0xFFFFFF60];
	[tilespmem:s1+$0xFFFFFF00] =	vst v4;
	s1 =	smov.u32 s7  }
0x4d: {  	v4 =	vmul.f32 $8.000000000e+00, v6;
	v6 =	vld [tilespmem:s7+$0xFFFFFF70];
	[tilespmem:s7+$0xF0] =	vst v7  }
0x4e: {  	[tilespmem:s7+$0xFFFFFF10] =	vst v1;
	v1 =	vmul.f32 $8.000000000e+00, v2;
	v2 =	vld [tilespmem:s7+$0xFFFFFF80]  }
0x4f: {  	[tilespmem:s7+$0xFFFFFF20] =	vst v4;
	v3 =	vmul.f32 $8.000000000e+00, v3;
	v4 =	vld [tilespmem:s7+$0xFFFFFF90]  }
0x50: {  	[tilespmem:s7+$0xFFFFFF30] =	vst v1;
	v0 =	vmul.f32 $8.000000000e+00, v0;
	v1 =	vld [tilespmem:s7+$0xFFFFFFA0]  }
0x51: {  	[tilespmem:s7+$0xFFFFFF40] =	vst v3;
	v3 =	vmul.f32 $8.000000000e+00, v5;
	v5 =	vld [tilespmem:s7+$0xFFFFFFB0]  }
0x52: {  	[tilespmem:s7+$0xFFFFFF50] =	vst v0;
	v0 =	vmul.f32 $8.000000000e+00, v6;
	v6 =	vld [tilespmem:s7+$0xFFFFFFC0]  }
0x53: {  	[tilespmem:s7+$0xFFFFFF60] =	vst v3;
	v2 =	vmul.f32 $8.000000000e+00, v2;
	v3 =	vld [tilespmem:s7+$0xFFFFFFD0]  }
0x54: {  	[tilespmem:s7+$0xFFFFFF70] =	vst v0;
	v0 =	vmul.f32 $8.000000000e+00, v4;
	v4 =	vld [tilespmem:s7+$0xFFFFFFE0]  }
0x55: {  	[tilespmem:s7+$0xFFFFFF80] =	vst v2;
	v1 =	vmul.f32 $8.000000000e+00, v1;
	v2 =	vld [tilespmem:s7+$0xFFFFFFF0]  }
0x56: {  	[tilespmem:s7+$0xFFFFFF90] =	vst v0;
	v0 =	vmul.f32 $8.000000000e+00, v5;
	v5 =	vld [tilespmem:s7+$0x0]  }
0x57: {  	[tilespmem:s7+$0xFFFFFFA0] =	vst v1;
	v1 =	vmul.f32 $8.000000000e+00, v6;
	v6 =	vld [tilespmem:s7+$0x10]  }
0x58: {  	[tilespmem:s7+$0xFFFFFFB0] =	vst v0;
	v0 =	vmul.f32 $8.000000000e+00, v3;
	v3 =	vld [tilespmem:s7+$0x20]  }
0x59: {  	[tilespmem:s7+$0xFFFFFFC0] =	vst v1;
	v1 =	vmul.f32 $8.000000000e+00, v4;
	v4 =	vld [tilespmem:s7+$0x30]  }
0x5a: {  	[tilespmem:s7+$0xFFFFFFD0] =	vst v0;
	v0 =	vmul.f32 $8.000000000e+00, v2;
	v2 =	vld [tilespmem:s7+$0x40]  }
0x5b: {  	[tilespmem:s7+$0xFFFFFFE0] =	vst v1;
	v1 =	vmul.f32 $8.000000000e+00, v5;
	v5 =	vld [tilespmem:s7+$0x50]  }
0x5c: {  	[tilespmem:s7+$0xFFFFFFF0] =	vst v0;
	v0 =	vmul.f32 $8.000000000e+00, v6;
	v6 =	vld [tilespmem:s7+$0x60]  }
0x5d: {  	[tilespmem:s7+$0x0] =	vst v1;
	v1 =	vmul.f32 $8.000000000e+00, v3;
	v3 =	vld [tilespmem:s7+$0x70]  }
0x5e: {  	[tilespmem:s7+$0x10] =	vst v0;
	v0 =	vmul.f32 $8.000000000e+00, v4;
	v4 =	vld [tilespmem:s7+$0x80]  }
0x5f: {  	[tilespmem:s7+$0x20] =	vst v1;
	v1 =	vmul.f32 $8.000000000e+00, v2;
	v7 =	vld [tilespmem:s7+$0x90]  }
0x60: {  	[tilespmem:s7+$0x30] =	vst v0;
	v2 =	vmul.f32 $8.000000000e+00, v5;
	v8 =	vld [tilespmem:s7+$0xA0]  }
.Ltmp0:
0x61: {  	[tilespmem:s7+$0x40] =	vst v1;
	v5 =	vmul.f32 $8.000000000e+00, v6;
	v0 =	vld [tilespmem:s7+$0xB0];
	(pc) =	sbr.rel @p1 .LBB2_3-.Ltmp0, $4  }
0x62: {  	[tilespmem:s7+$0x50] =	vst v2;
	v3 =	vmul.f32 $8.000000000e+00, v3;
	v1 =	vld [tilespmem:s7+$0xC0]  }
0x63: {  	[tilespmem:s7+$0x60] =	vst v5;
	v6 =	vmul.f32 $8.000000000e+00, v4;
	v2 =	vld [tilespmem:s7+$0xD0]  }
0x64: {  	[tilespmem:s7+$0x70] =	vst v3;
	v5 =	vmul.f32 $8.000000000e+00, v7;
	v3 =	vld [tilespmem:s7+$0xE0]  }
0x65: {  	s7 =	sadd.s32 $0x200, s7;
	v4 =	vld [tilespmem:s1+$0xFFFFFF00];
	[tilespmem:s1+$0x80] =	vst v6;
	v6 =	vmul.f32 $8.000000000e+00, v8  }
0x66: {  	[tilespmem:s1+$0x90] =	vst v5;
	v0 =	vmul.f32 $8.000000000e+00, v0  }
0x67: {  	[tilespmem:s1+$0xA0] =	vst v6;
	v1 =	vmul.f32 $8.000000000e+00, v1  }
0x68: {  	[tilespmem:s1+$0xB0] =	vst v0;
	v0 =	vmul.f32 $8.000000000e+00, v2  }
0x69: {  	s6 =	sadd.s32 s5, s2;
	[tilespmem:s1+$0xC0] =	vst v1;
	v1 =	vmul.f32 $8.000000000e+00, v3  }
0x6a: {  	s6 =	smul.u32 $0xC80, s6;
	v2 =	vmul.f32 $8.000000000e+00, v4;
	[tilespmem:s1+$0xD0] =	vst v0  }
0x6b: {  	[tilespmem:s1+$0xE0] =	vst v1  }
0x6c: {  	s12 =	sadd.s32 s4, s6;
	s6 =	simm.s32 @!p0 $0xE;
	[tilespmem:s1+$0xFFFFFF00] =	vst v2;
	s1 =	sor.u32 $0x5, s2  }
0x6d: {  	[hbm4b:s12+s18] =	stream.strided.scatter [tilespmem:s10], [sflag:$0x9], $0x3200, s19, s18, $0x38;
	[tilespmem:$0x1F400] =	vst v63  }
0x6e: {  	s7 =	smul.u32 $0x320, s1;
	_ =	swait.ge @!p0 [sflag:s6], $0x3200  }
0x6f: {  	[sflag:s6] =	ssyncset.done @!p0 $0x0  }
0x70: {  	s14 =	sshra.s32 s7, $0x2;
	[sflag:s6] =	ssyncadd.s32 @!p0 $0xFFFFCE00  }
0x71: {  	[tilespmem:s20], [sflag:$0x6] =	stream.indirect.gather [hbm4b:s3+s9], $0x40, s14, s9, $0xb8;
	[tilespmem:$0x1F400] =	vst v63  }
0x72: {  	_ =	swait.ge [sflag:s21], $0x3200  }
0x73: {  	[sflag:s21] =	ssyncset.done $0x0  }
0x74: {  	s12 =	simm.s32 $0x9700;
	[sflag:s21] =	ssyncadd.s32 $0xFFFFCE00  }
0x75: {  	v0 =	vld [tilespmem:s12+$0xF0]  }
0x76: {  	v1 =	vld [tilespmem:s12+$0xFFFFFF10]  }
0x77: {  	v2 =	vld [tilespmem:s12+$0xFFFFFF20]  }
0x78: {  	v3 =	vld [tilespmem:s12+$0xFFFFFF30]  }
0x79: {  	v4 =	vld [tilespmem:s12+$0xFFFFFF40]  }
0x7a: {  	v5 =	vld [tilespmem:s12+$0xFFFFFF50];
	v0 =	vmul.f32 $8.000000000e+00, v0  }
0x7b: {  	v6 =	vld [tilespmem:s12+$0xFFFFFF60];
	v1 =	vmul.f32 $8.000000000e+00, v1  }
0x7c: {  	v7 =	vld [tilespmem:s12+$0xFFFFFF70];
	v2 =	vmul.f32 $8.000000000e+00, v2;
	[tilespmem:s12+$0xF0] =	vst v0  }
0x7d: {  	[tilespmem:s12+$0xFFFFFF10] =	vst v1;
	v0 =	vmul.f32 $8.000000000e+00, v3;
	v1 =	vld [tilespmem:s12+$0xFFFFFF80]  }
0x7e: {  	[tilespmem:s12+$0xFFFFFF20] =	vst v2;
	v2 =	vmul.f32 $8.000000000e+00, v4;
	v3 =	vld [tilespmem:s12+$0xFFFFFF90]  }
0x7f: {  	v4 =	vld [tilespmem:s12+$0xFFFFFFA0];
	[tilespmem:s12+$0xFFFFFF30] =	vst v0;
	v0 =	vmul.f32 $8.000000000e+00, v5  }
0x80: {  	[tilespmem:s12+$0xFFFFFF40] =	vst v2;
	v2 =	vmul.f32 $8.000000000e+00, v6;
	v5 =	vld [tilespmem:s12+$0xFFFFFFB0]  }
0x81: {  	v6 =	vld [tilespmem:s12+$0xFFFFFFC0];
	[tilespmem:s12+$0xFFFFFF50] =	vst v0;
	v0 =	vmul.f32 $8.000000000e+00, v7  }
0x82: {  	[tilespmem:s12+$0xFFFFFF60] =	vst v2;
	v2 =	vld [tilespmem:s12+$0xFFFFFFD0];
	v1 =	vmul.f32 $8.000000000e+00, v1  }
0x83: {  	[tilespmem:s12+$0xFFFFFF70] =	vst v0;
	v0 =	vmul.f32 $8.000000000e+00, v3;
	v3 =	vld [tilespmem:s12+$0xFFFFFFE0]  }
0x84: {  	[tilespmem:s12+$0xFFFFFF80] =	vst v1;
	v1 =	vmul.f32 $8.000000000e+00, v4;
	v4 =	vld [tilespmem:s12+$0xFFFFFFF0]  }
0x85: {  	[tilespmem:s12+$0xFFFFFF90] =	vst v0;
	v0 =	vmul.f32 $8.000000000e+00, v5;
	v5 =	vld [tilespmem:s12+$0x0]  }
0x86: {  	[tilespmem:s12+$0xFFFFFFA0] =	vst v1;
	v1 =	vmul.f32 $8.000000000e+00, v6;
	v6 =	vld [tilespmem:s12+$0x10]  }
0x87: {  	[tilespmem:s12+$0xFFFFFFB0] =	vst v0;
	v0 =	vmul.f32 $8.000000000e+00, v2;
	v2 =	vld [tilespmem:s12+$0x20]  }
0x88: {  	[tilespmem:s12+$0xFFFFFFC0] =	vst v1;
	v1 =	vmul.f32 $8.000000000e+00, v3;
	v3 =	vld [tilespmem:s12+$0x30]  }
0x89: {  	[tilespmem:s12+$0xFFFFFFD0] =	vst v0;
	v0 =	vmul.f32 $8.000000000e+00, v4;
	v4 =	vld [tilespmem:s12+$0x40]  }
0x8a: {  	[tilespmem:s12+$0xFFFFFFE0] =	vst v1;
	v1 =	vmul.f32 $8.000000000e+00, v5;
	v5 =	vld [tilespmem:s12+$0x50]  }
0x8b: {  	[tilespmem:s12+$0xFFFFFFF0] =	vst v0;
	v0 =	vmul.f32 $8.000000000e+00, v6;
	v6 =	vld [tilespmem:s12+$0x60]  }
0x8c: {  	[tilespmem:s12+$0x0] =	vst v1;
	v1 =	vmul.f32 $8.000000000e+00, v2;
	v2 =	vld [tilespmem:s12+$0x70]  }
0x8d: {  	[tilespmem:s12+$0x10] =	vst v0;
	v0 =	vmul.f32 $8.000000000e+00, v3;
	v3 =	vld [tilespmem:s12+$0x80]  }
0x8e: {  	[tilespmem:s12+$0x20] =	vst v1;
	v1 =	vmul.f32 $8.000000000e+00, v4;
	v4 =	vld [tilespmem:s12+$0x90]  }
0x8f: {  	v7 =	vld [tilespmem:s12+$0xA0];
	[tilespmem:s12+$0x30] =	vst v0;
	v5 =	vmul.f32 $8.000000000e+00, v5  }
0x90: {  	v0 =	vld [tilespmem:s12+$0xB0];
	[tilespmem:s12+$0x40] =	vst v1;
	v6 =	vmul.f32 $8.000000000e+00, v6  }
0x91: {  	v1 =	vld [tilespmem:s12+$0xC0];
	[tilespmem:s12+$0x50] =	vst v5;
	v5 =	vmul.f32 $8.000000000e+00, v2  }
0x92: {  	v2 =	vld [tilespmem:s12+$0xD0];
	[tilespmem:s12+$0x60] =	vst v6;
	v6 =	vmul.f32 $8.000000000e+00, v3  }
0x93: {  	v3 =	vld [tilespmem:s12+$0xE0];
	[tilespmem:s12+$0x70] =	vst v5;
	v5 =	vmul.f32 $8.000000000e+00, v4  }
0x94: {  	s7 =	simm.s32 $0x9900;
	s6 =	sor.u32 $0x1, s2;
	s14 =	simm.s32 $0x0;
	v4 =	vld [tilespmem:s12+$0xFFFFFF00];
	[tilespmem:s12+$0x80] =	vst v6;
	v6 =	vmul.f32 $8.000000000e+00, v7  }
.LBB2_5:
0x95: {  	v7 =	vld [tilespmem:s7+$0xF0];
	s14 =	sadd.s32 $0x8, s14;
	[tilespmem:s12+$0x90] =	vst v5;
	v0 =	vmul.f32 $8.000000000e+00, v0  }
0x96: {  	v5 =	vld [tilespmem:s7+$0xFFFFFF10];
	p1 =	slt.u32 s14, $0xC0;
	[tilespmem:s12+$0xA0] =	vst v6;
	v1 =	vmul.f32 $8.000000000e+00, v1  }
0x97: {  	v6 =	vld [tilespmem:s7+$0xFFFFFF20];
	[tilespmem:s12+$0xB0] =	vst v0;
	v0 =	vmul.f32 $8.000000000e+00, v2  }
0x98: {  	v2 =	vld [tilespmem:s7+$0xFFFFFF30];
	[tilespmem:s12+$0xC0] =	vst v1;
	v1 =	vmul.f32 $8.000000000e+00, v3  }
0x99: {  	v3 =	vld [tilespmem:s7+$0xFFFFFF40];
	v4 =	vmul.f32 $8.000000000e+00, v4;
	[tilespmem:s12+$0xD0] =	vst v0  }
0x9a: {  	v0 =	vld [tilespmem:s7+$0xFFFFFF50];
	v7 =	vmul.f32 $8.000000000e+00, v7;
	[tilespmem:s12+$0xE0] =	vst v1  }
0x9b: {  	v1 =	vmul.f32 $8.000000000e+00, v5;
	v5 =	vld [tilespmem:s7+$0xFFFFFF60];
	[tilespmem:s12+$0xFFFFFF00] =	vst v4;
	s12 =	smov.u32 s7  }
0x9c: {  	v4 =	vmul.f32 $8.000000000e+00, v6;
	v6 =	vld [tilespmem:s7+$0xFFFFFF70];
	[tilespmem:s7+$0xF0] =	vst v7  }
0x9d: {  	[tilespmem:s7+$0xFFFFFF10] =	vst v1;
	v1 =	vmul.f32 $8.000000000e+00, v2;
	v2 =	vld [tilespmem:s7+$0xFFFFFF80]  }
0x9e: {  	[tilespmem:s7+$0xFFFFFF20] =	vst v4;
	v3 =	vmul.f32 $8.000000000e+00, v3;
	v4 =	vld [tilespmem:s7+$0xFFFFFF90]  }
0x9f: {  	[tilespmem:s7+$0xFFFFFF30] =	vst v1;
	v0 =	vmul.f32 $8.000000000e+00, v0;
	v1 =	vld [tilespmem:s7+$0xFFFFFFA0]  }
0xa0: {  	[tilespmem:s7+$0xFFFFFF40] =	vst v3;
	v3 =	vmul.f32 $8.000000000e+00, v5;
	v5 =	vld [tilespmem:s7+$0xFFFFFFB0]  }
0xa1: {  	[tilespmem:s7+$0xFFFFFF50] =	vst v0;
	v0 =	vmul.f32 $8.000000000e+00, v6;
	v6 =	vld [tilespmem:s7+$0xFFFFFFC0]  }
0xa2: {  	[tilespmem:s7+$0xFFFFFF60] =	vst v3;
	v2 =	vmul.f32 $8.000000000e+00, v2;
	v3 =	vld [tilespmem:s7+$0xFFFFFFD0]  }
0xa3: {  	[tilespmem:s7+$0xFFFFFF70] =	vst v0;
	v0 =	vmul.f32 $8.000000000e+00, v4;
	v4 =	vld [tilespmem:s7+$0xFFFFFFE0]  }
0xa4: {  	[tilespmem:s7+$0xFFFFFF80] =	vst v2;
	v1 =	vmul.f32 $8.000000000e+00, v1;
	v2 =	vld [tilespmem:s7+$0xFFFFFFF0]  }
0xa5: {  	[tilespmem:s7+$0xFFFFFF90] =	vst v0;
	v0 =	vmul.f32 $8.000000000e+00, v5;
	v5 =	vld [tilespmem:s7+$0x0]  }
0xa6: {  	[tilespmem:s7+$0xFFFFFFA0] =	vst v1;
	v1 =	vmul.f32 $8.000000000e+00, v6;
	v6 =	vld [tilespmem:s7+$0x10]  }
0xa7: {  	[tilespmem:s7+$0xFFFFFFB0] =	vst v0;
	v0 =	vmul.f32 $8.000000000e+00, v3;
	v3 =	vld [tilespmem:s7+$0x20]  }
0xa8: {  	[tilespmem:s7+$0xFFFFFFC0] =	vst v1;
	v1 =	vmul.f32 $8.000000000e+00, v4;
	v4 =	vld [tilespmem:s7+$0x30]  }
0xa9: {  	[tilespmem:s7+$0xFFFFFFD0] =	vst v0;
	v0 =	vmul.f32 $8.000000000e+00, v2;
	v2 =	vld [tilespmem:s7+$0x40]  }
0xaa: {  	[tilespmem:s7+$0xFFFFFFE0] =	vst v1;
	v1 =	vmul.f32 $8.000000000e+00, v5;
	v5 =	vld [tilespmem:s7+$0x50]  }
0xab: {  	[tilespmem:s7+$0xFFFFFFF0] =	vst v0;
	v0 =	vmul.f32 $8.000000000e+00, v6;
	v6 =	vld [tilespmem:s7+$0x60]  }
0xac: {  	[tilespmem:s7+$0x0] =	vst v1;
	v1 =	vmul.f32 $8.000000000e+00, v3;
	v3 =	vld [tilespmem:s7+$0x70]  }
0xad: {  	[tilespmem:s7+$0x10] =	vst v0;
	v0 =	vmul.f32 $8.000000000e+00, v4;
	v4 =	vld [tilespmem:s7+$0x80]  }
0xae: {  	[tilespmem:s7+$0x20] =	vst v1;
	v1 =	vmul.f32 $8.000000000e+00, v2;
	v7 =	vld [tilespmem:s7+$0x90]  }
0xaf: {  	[tilespmem:s7+$0x30] =	vst v0;
	v2 =	vmul.f32 $8.000000000e+00, v5;
	v8 =	vld [tilespmem:s7+$0xA0]  }
.Ltmp1:
0xb0: {  	[tilespmem:s7+$0x40] =	vst v1;
	v5 =	vmul.f32 $8.000000000e+00, v6;
	v0 =	vld [tilespmem:s7+$0xB0];
	(pc) =	sbr.rel @p1 .LBB2_5-.Ltmp1, $4  }
0xb1: {  	[tilespmem:s7+$0x50] =	vst v2;
	v3 =	vmul.f32 $8.000000000e+00, v3;
	v1 =	vld [tilespmem:s7+$0xC0]  }
0xb2: {  	[tilespmem:s7+$0x60] =	vst v5;
	v6 =	vmul.f32 $8.000000000e+00, v4;
	v2 =	vld [tilespmem:s7+$0xD0]  }
0xb3: {  	[tilespmem:s7+$0x70] =	vst v3;
	v5 =	vmul.f32 $8.000000000e+00, v7;
	v3 =	vld [tilespmem:s7+$0xE0]  }
0xb4: {  	s7 =	sadd.s32 $0x200, s7;
	v4 =	vld [tilespmem:s12+$0xFFFFFF00];
	[tilespmem:s12+$0x80] =	vst v6;
	v6 =	vmul.f32 $8.000000000e+00, v8  }
0xb5: {  	[tilespmem:s12+$0x90] =	vst v5;
	v0 =	vmul.f32 $8.000000000e+00, v0  }
0xb6: {  	[tilespmem:s12+$0xA0] =	vst v6;
	v1 =	vmul.f32 $8.000000000e+00, v1  }
0xb7: {  	[tilespmem:s12+$0xB0] =	vst v0;
	v0 =	vmul.f32 $8.000000000e+00, v2  }
0xb8: {  	s6 =	sadd.s32 s5, s6;
	[tilespmem:s12+$0xC0] =	vst v1;
	v1 =	vmul.f32 $8.000000000e+00, v3  }
0xb9: {  	s6 =	smul.u32 $0xC80, s6;
	v2 =	vmul.f32 $8.000000000e+00, v4;
	[tilespmem:s12+$0xD0] =	vst v0  }
0xba: {  	[tilespmem:s12+$0xE0] =	vst v1  }
0xbb: {  	s6 =	sadd.s32 s4, s6;
	[tilespmem:s12+$0xFFFFFF00] =	vst v2  }
0xbc: {  	[hbm4b:s6+s18] =	stream.strided.scatter [tilespmem:s11], [sflag:$0xA], $0x3200, s19, s18, $0x38;
	[tilespmem:$0x1F400] =	vst v63  }
0xbd: {  	s12 =	sor.u32 $0x6, s2;
	s6 =	simm.s32 @!p0 $0xF  }
0xbe: {  	s7 =	smul.u32 $0x320, s12;
	_ =	swait.ge @!p0 [sflag:s6], $0x3200  }
0xbf: {  	[sflag:s6] =	ssyncset.done @!p0 $0x0  }
0xc0: {  	s14 =	sshra.s32 s7, $0x2;
	[sflag:s6] =	ssyncadd.s32 @!p0 $0xFFFFCE00  }
0xc1: {  	[tilespmem:s22], [sflag:$0x7] =	stream.indirect.gather [hbm4b:s3+s9], $0x40, s14, s9, $0xb8;
	[tilespmem:$0x1F400] =	vst v63  }
0xc2: {  	_ =	swait.ge [sflag:s23], $0x3200  }
0xc3: {  	[sflag:s23] =	ssyncset.done $0x0  }
0xc4: {  	s14 =	simm.s32 $0xC900;
	[sflag:s23] =	ssyncadd.s32 $0xFFFFCE00  }
0xc5: {  	v0 =	vld [tilespmem:s14+$0xF0]  }
0xc6: {  	v1 =	vld [tilespmem:s14+$0xFFFFFF10]  }
0xc7: {  	v2 =	vld [tilespmem:s14+$0xFFFFFF20]  }
0xc8: {  	v3 =	vld [tilespmem:s14+$0xFFFFFF30]  }
0xc9: {  	v4 =	vld [tilespmem:s14+$0xFFFFFF40]  }
0xca: {  	v5 =	vld [tilespmem:s14+$0xFFFFFF50];
	v0 =	vmul.f32 $8.000000000e+00, v0  }
0xcb: {  	v6 =	vld [tilespmem:s14+$0xFFFFFF60];
	v1 =	vmul.f32 $8.000000000e+00, v1  }
0xcc: {  	v7 =	vld [tilespmem:s14+$0xFFFFFF70];
	v2 =	vmul.f32 $8.000000000e+00, v2;
	[tilespmem:s14+$0xF0] =	vst v0  }
0xcd: {  	[tilespmem:s14+$0xFFFFFF10] =	vst v1;
	v0 =	vmul.f32 $8.000000000e+00, v3;
	v1 =	vld [tilespmem:s14+$0xFFFFFF80]  }
0xce: {  	[tilespmem:s14+$0xFFFFFF20] =	vst v2;
	v2 =	vmul.f32 $8.000000000e+00, v4;
	v3 =	vld [tilespmem:s14+$0xFFFFFF90]  }
0xcf: {  	v4 =	vld [tilespmem:s14+$0xFFFFFFA0];
	[tilespmem:s14+$0xFFFFFF30] =	vst v0;
	v0 =	vmul.f32 $8.000000000e+00, v5  }
0xd0: {  	[tilespmem:s14+$0xFFFFFF40] =	vst v2;
	v2 =	vmul.f32 $8.000000000e+00, v6;
	v5 =	vld [tilespmem:s14+$0xFFFFFFB0]  }
0xd1: {  	v6 =	vld [tilespmem:s14+$0xFFFFFFC0];
	[tilespmem:s14+$0xFFFFFF50] =	vst v0;
	v0 =	vmul.f32 $8.000000000e+00, v7  }
0xd2: {  	[tilespmem:s14+$0xFFFFFF60] =	vst v2;
	v2 =	vld [tilespmem:s14+$0xFFFFFFD0];
	v1 =	vmul.f32 $8.000000000e+00, v1  }
0xd3: {  	[tilespmem:s14+$0xFFFFFF70] =	vst v0;
	v0 =	vmul.f32 $8.000000000e+00, v3;
	v3 =	vld [tilespmem:s14+$0xFFFFFFE0]  }
0xd4: {  	[tilespmem:s14+$0xFFFFFF80] =	vst v1;
	v1 =	vmul.f32 $8.000000000e+00, v4;
	v4 =	vld [tilespmem:s14+$0xFFFFFFF0]  }
0xd5: {  	[tilespmem:s14+$0xFFFFFF90] =	vst v0;
	v0 =	vmul.f32 $8.000000000e+00, v5;
	v5 =	vld [tilespmem:s14+$0x0]  }
0xd6: {  	[tilespmem:s14+$0xFFFFFFA0] =	vst v1;
	v1 =	vmul.f32 $8.000000000e+00, v6;
	v6 =	vld [tilespmem:s14+$0x10]  }
0xd7: {  	[tilespmem:s14+$0xFFFFFFB0] =	vst v0;
	v0 =	vmul.f32 $8.000000000e+00, v2;
	v2 =	vld [tilespmem:s14+$0x20]  }
0xd8: {  	[tilespmem:s14+$0xFFFFFFC0] =	vst v1;
	v1 =	vmul.f32 $8.000000000e+00, v3;
	v3 =	vld [tilespmem:s14+$0x30]  }
0xd9: {  	[tilespmem:s14+$0xFFFFFFD0] =	vst v0;
	v0 =	vmul.f32 $8.000000000e+00, v4;
	v4 =	vld [tilespmem:s14+$0x40]  }
0xda: {  	[tilespmem:s14+$0xFFFFFFE0] =	vst v1;
	v1 =	vmul.f32 $8.000000000e+00, v5;
	v5 =	vld [tilespmem:s14+$0x50]  }
0xdb: {  	[tilespmem:s14+$0xFFFFFFF0] =	vst v0;
	v0 =	vmul.f32 $8.000000000e+00, v6;
	v6 =	vld [tilespmem:s14+$0x60]  }
0xdc: {  	[tilespmem:s14+$0x0] =	vst v1;
	v1 =	vmul.f32 $8.000000000e+00, v2;
	v2 =	vld [tilespmem:s14+$0x70]  }
0xdd: {  	[tilespmem:s14+$0x10] =	vst v0;
	v0 =	vmul.f32 $8.000000000e+00, v3;
	v3 =	vld [tilespmem:s14+$0x80]  }
0xde: {  	[tilespmem:s14+$0x20] =	vst v1;
	v1 =	vmul.f32 $8.000000000e+00, v4;
	v4 =	vld [tilespmem:s14+$0x90]  }
0xdf: {  	v7 =	vld [tilespmem:s14+$0xA0];
	[tilespmem:s14+$0x30] =	vst v0;
	v5 =	vmul.f32 $8.000000000e+00, v5  }
0xe0: {  	v0 =	vld [tilespmem:s14+$0xB0];
	[tilespmem:s14+$0x40] =	vst v1;
	v6 =	vmul.f32 $8.000000000e+00, v6  }
0xe1: {  	v1 =	vld [tilespmem:s14+$0xC0];
	[tilespmem:s14+$0x50] =	vst v5;
	v5 =	vmul.f32 $8.000000000e+00, v2  }
0xe2: {  	v2 =	vld [tilespmem:s14+$0xD0];
	[tilespmem:s14+$0x60] =	vst v6;
	v6 =	vmul.f32 $8.000000000e+00, v3  }
0xe3: {  	v3 =	vld [tilespmem:s14+$0xE0];
	[tilespmem:s14+$0x70] =	vst v5;
	v5 =	vmul.f32 $8.000000000e+00, v4  }
0xe4: {  	s8 =	simm.s32 $0xCB00;
	s7 =	simm.s32 $0x0;
	s6 =	sor.u32 $0x2, s2;
	v4 =	vld [tilespmem:s14+$0xFFFFFF00];
	[tilespmem:s14+$0x80] =	vst v6;
	v6 =	vmul.f32 $8.000000000e+00, v7  }
.LBB2_7:
0xe5: {  	v7 =	vld [tilespmem:s8+$0xF0];
	s7 =	sadd.s32 $0x8, s7;
	[tilespmem:s14+$0x90] =	vst v5;
	v0 =	vmul.f32 $8.000000000e+00, v0  }
0xe6: {  	v5 =	vld [tilespmem:s8+$0xFFFFFF10];
	p1 =	slt.u32 s7, $0xC0;
	[tilespmem:s14+$0xA0] =	vst v6;
	v1 =	vmul.f32 $8.000000000e+00, v1  }
0xe7: {  	v6 =	vld [tilespmem:s8+$0xFFFFFF20];
	[tilespmem:s14+$0xB0] =	vst v0;
	v0 =	vmul.f32 $8.000000000e+00, v2  }
0xe8: {  	v2 =	vld [tilespmem:s8+$0xFFFFFF30];
	[tilespmem:s14+$0xC0] =	vst v1;
	v1 =	vmul.f32 $8.000000000e+00, v3  }
0xe9: {  	v3 =	vld [tilespmem:s8+$0xFFFFFF40];
	v4 =	vmul.f32 $8.000000000e+00, v4;
	[tilespmem:s14+$0xD0] =	vst v0  }
0xea: {  	v0 =	vld [tilespmem:s8+$0xFFFFFF50];
	v7 =	vmul.f32 $8.000000000e+00, v7;
	[tilespmem:s14+$0xE0] =	vst v1  }
0xeb: {  	v1 =	vmul.f32 $8.000000000e+00, v5;
	v5 =	vld [tilespmem:s8+$0xFFFFFF60];
	[tilespmem:s14+$0xFFFFFF00] =	vst v4;
	s14 =	smov.u32 s8  }
0xec: {  	v4 =	vmul.f32 $8.000000000e+00, v6;
	v6 =	vld [tilespmem:s8+$0xFFFFFF70];
	[tilespmem:s8+$0xF0] =	vst v7  }
0xed: {  	[tilespmem:s8+$0xFFFFFF10] =	vst v1;
	v1 =	vmul.f32 $8.000000000e+00, v2;
	v2 =	vld [tilespmem:s8+$0xFFFFFF80]  }
0xee: {  	[tilespmem:s8+$0xFFFFFF20] =	vst v4;
	v3 =	vmul.f32 $8.000000000e+00, v3;
	v4 =	vld [tilespmem:s8+$0xFFFFFF90]  }
0xef: {  	[tilespmem:s8+$0xFFFFFF30] =	vst v1;
	v0 =	vmul.f32 $8.000000000e+00, v0;
	v1 =	vld [tilespmem:s8+$0xFFFFFFA0]  }
0xf0: {  	[tilespmem:s8+$0xFFFFFF40] =	vst v3;
	v3 =	vmul.f32 $8.000000000e+00, v5;
	v5 =	vld [tilespmem:s8+$0xFFFFFFB0]  }
0xf1: {  	[tilespmem:s8+$0xFFFFFF50] =	vst v0;
	v0 =	vmul.f32 $8.000000000e+00, v6;
	v6 =	vld [tilespmem:s8+$0xFFFFFFC0]  }
0xf2: {  	[tilespmem:s8+$0xFFFFFF60] =	vst v3;
	v2 =	vmul.f32 $8.000000000e+00, v2;
	v3 =	vld [tilespmem:s8+$0xFFFFFFD0]  }
0xf3: {  	[tilespmem:s8+$0xFFFFFF70] =	vst v0;
	v0 =	vmul.f32 $8.000000000e+00, v4;
	v4 =	vld [tilespmem:s8+$0xFFFFFFE0]  }
0xf4: {  	[tilespmem:s8+$0xFFFFFF80] =	vst v2;
	v1 =	vmul.f32 $8.000000000e+00, v1;
	v2 =	vld [tilespmem:s8+$0xFFFFFFF0]  }
0xf5: {  	[tilespmem:s8+$0xFFFFFF90] =	vst v0;
	v0 =	vmul.f32 $8.000000000e+00, v5;
	v5 =	vld [tilespmem:s8+$0x0]  }
0xf6: {  	[tilespmem:s8+$0xFFFFFFA0] =	vst v1;
	v1 =	vmul.f32 $8.000000000e+00, v6;
	v6 =	vld [tilespmem:s8+$0x10]  }
0xf7: {  	[tilespmem:s8+$0xFFFFFFB0] =	vst v0;
	v0 =	vmul.f32 $8.000000000e+00, v3;
	v3 =	vld [tilespmem:s8+$0x20]  }
0xf8: {  	[tilespmem:s8+$0xFFFFFFC0] =	vst v1;
	v1 =	vmul.f32 $8.000000000e+00, v4;
	v4 =	vld [tilespmem:s8+$0x30]  }
0xf9: {  	[tilespmem:s8+$0xFFFFFFD0] =	vst v0;
	v0 =	vmul.f32 $8.000000000e+00, v2;
	v2 =	vld [tilespmem:s8+$0x40]  }
0xfa: {  	[tilespmem:s8+$0xFFFFFFE0] =	vst v1;
	v1 =	vmul.f32 $8.000000000e+00, v5;
	v5 =	vld [tilespmem:s8+$0x50]  }
0xfb: {  	[tilespmem:s8+$0xFFFFFFF0] =	vst v0;
	v0 =	vmul.f32 $8.000000000e+00, v6;
	v6 =	vld [tilespmem:s8+$0x60]  }
0xfc: {  	[tilespmem:s8+$0x0] =	vst v1;
	v1 =	vmul.f32 $8.000000000e+00, v3;
	v3 =	vld [tilespmem:s8+$0x70]  }
0xfd: {  	[tilespmem:s8+$0x10] =	vst v0;
	v0 =	vmul.f32 $8.000000000e+00, v4;
	v4 =	vld [tilespmem:s8+$0x80]  }
0xfe: {  	[tilespmem:s8+$0x20] =	vst v1;
	v1 =	vmul.f32 $8.000000000e+00, v2;
	v7 =	vld [tilespmem:s8+$0x90]  }
0xff: {  	[tilespmem:s8+$0x30] =	vst v0;
	v2 =	vmul.f32 $8.000000000e+00, v5;
	v8 =	vld [tilespmem:s8+$0xA0]  }
.Ltmp2:
0x100: {  	[tilespmem:s8+$0x40] =	vst v1;
	v5 =	vmul.f32 $8.000000000e+00, v6;
	v0 =	vld [tilespmem:s8+$0xB0];
	(pc) =	sbr.rel @p1 .LBB2_7-.Ltmp2, $4  }
0x101: {  	[tilespmem:s8+$0x50] =	vst v2;
	v3 =	vmul.f32 $8.000000000e+00, v3;
	v1 =	vld [tilespmem:s8+$0xC0]  }
0x102: {  	[tilespmem:s8+$0x60] =	vst v5;
	v6 =	vmul.f32 $8.000000000e+00, v4;
	v2 =	vld [tilespmem:s8+$0xD0]  }
0x103: {  	[tilespmem:s8+$0x70] =	vst v3;
	v5 =	vmul.f32 $8.000000000e+00, v7;
	v3 =	vld [tilespmem:s8+$0xE0]  }
0x104: {  	s8 =	sadd.s32 $0x200, s8;
	v4 =	vld [tilespmem:s14+$0xFFFFFF00];
	[tilespmem:s14+$0x80] =	vst v6;
	v6 =	vmul.f32 $8.000000000e+00, v8  }
0x105: {  	[tilespmem:s14+$0x90] =	vst v5;
	v0 =	vmul.f32 $8.000000000e+00, v0  }
0x106: {  	[tilespmem:s14+$0xA0] =	vst v6;
	v1 =	vmul.f32 $8.000000000e+00, v1  }
0x107: {  	[tilespmem:s14+$0xB0] =	vst v0;
	v0 =	vmul.f32 $8.000000000e+00, v2  }
0x108: {  	s6 =	sadd.s32 s5, s6;
	[tilespmem:s14+$0xC0] =	vst v1;
	v1 =	vmul.f32 $8.000000000e+00, v3  }
0x109: {  	s6 =	smul.u32 $0xC80, s6;
	v2 =	vmul.f32 $8.000000000e+00, v4;
	[tilespmem:s14+$0xD0] =	vst v0  }
0x10a: {  	[tilespmem:s14+$0xE0] =	vst v1  }
0x10b: {  	s6 =	sadd.s32 s4, s6;
	[tilespmem:s14+$0xFFFFFF00] =	vst v2  }
0x10c: {  	[hbm4b:s6+s18] =	stream.strided.scatter [tilespmem:s13], [sflag:$0xB], $0x3200, s19, s18, $0x38;
	[tilespmem:$0x1F400] =	vst v63  }
0x10d: {  	s14 =	sor.u32 $0x7, s2;
	s6 =	simm.s32 @!p0 $0x10  }
0x10e: {  	s7 =	smul.u32 $0x320, s14;
	_ =	swait.ge @!p0 [sflag:s6], $0x3200  }
0x10f: {  	[sflag:s6] =	ssyncset.done @!p0 $0x0  }
0x110: {  	s8 =	sshra.s32 s7, $0x2;
	[sflag:s6] =	ssyncadd.s32 @!p0 $0xFFFFCE00  }
0x111: {  	[tilespmem:s24], [sflag:$0x8] =	stream.indirect.gather [hbm4b:s3+s9], $0x40, s8, s9, $0xb8;
	[tilespmem:$0x1F400] =	vst v63  }
0x112: {  	_ =	swait.ge [sflag:s25], $0x3200  }
0x113: {  	[sflag:s25] =	ssyncset.done $0x0  }
0x114: {  	s6 =	simm.s32 $0xFB00;
	[sflag:s25] =	ssyncadd.s32 $0xFFFFCE00  }
0x115: {  	v0 =	vld [tilespmem:s6+$0xF0]  }
0x116: {  	v1 =	vld [tilespmem:s6+$0xFFFFFF10]  }
0x117: {  	v2 =	vld [tilespmem:s6+$0xFFFFFF20]  }
0x118: {  	v3 =	vld [tilespmem:s6+$0xFFFFFF30]  }
0x119: {  	v4 =	vld [tilespmem:s6+$0xFFFFFF40]  }
0x11a: {  	v5 =	vld [tilespmem:s6+$0xFFFFFF50];
	v0 =	vmul.f32 $8.000000000e+00, v0  }
0x11b: {  	v6 =	vld [tilespmem:s6+$0xFFFFFF60];
	v1 =	vmul.f32 $8.000000000e+00, v1  }
0x11c: {  	v7 =	vld [tilespmem:s6+$0xFFFFFF70];
	v2 =	vmul.f32 $8.000000000e+00, v2;
	[tilespmem:s6+$0xF0] =	vst v0  }
0x11d: {  	[tilespmem:s6+$0xFFFFFF10] =	vst v1;
	v0 =	vmul.f32 $8.000000000e+00, v3;
	v1 =	vld [tilespmem:s6+$0xFFFFFF80]  }
0x11e: {  	[tilespmem:s6+$0xFFFFFF20] =	vst v2;
	v2 =	vmul.f32 $8.000000000e+00, v4;
	v3 =	vld [tilespmem:s6+$0xFFFFFF90]  }
0x11f: {  	v4 =	vld [tilespmem:s6+$0xFFFFFFA0];
	[tilespmem:s6+$0xFFFFFF30] =	vst v0;
	v0 =	vmul.f32 $8.000000000e+00, v5  }
0x120: {  	[tilespmem:s6+$0xFFFFFF40] =	vst v2;
	v2 =	vmul.f32 $8.000000000e+00, v6;
	v5 =	vld [tilespmem:s6+$0xFFFFFFB0]  }
0x121: {  	v6 =	vld [tilespmem:s6+$0xFFFFFFC0];
	[tilespmem:s6+$0xFFFFFF50] =	vst v0;
	v0 =	vmul.f32 $8.000000000e+00, v7  }
0x122: {  	[tilespmem:s6+$0xFFFFFF60] =	vst v2;
	v2 =	vld [tilespmem:s6+$0xFFFFFFD0];
	v1 =	vmul.f32 $8.000000000e+00, v1  }
0x123: {  	[tilespmem:s6+$0xFFFFFF70] =	vst v0;
	v0 =	vmul.f32 $8.000000000e+00, v3;
	v3 =	vld [tilespmem:s6+$0xFFFFFFE0]  }
0x124: {  	[tilespmem:s6+$0xFFFFFF80] =	vst v1;
	v1 =	vmul.f32 $8.000000000e+00, v4;
	v4 =	vld [tilespmem:s6+$0xFFFFFFF0]  }
0x125: {  	[tilespmem:s6+$0xFFFFFF90] =	vst v0;
	v0 =	vmul.f32 $8.000000000e+00, v5;
	v5 =	vld [tilespmem:s6+$0x0]  }
0x126: {  	[tilespmem:s6+$0xFFFFFFA0] =	vst v1;
	v1 =	vmul.f32 $8.000000000e+00, v6;
	v6 =	vld [tilespmem:s6+$0x10]  }
0x127: {  	[tilespmem:s6+$0xFFFFFFB0] =	vst v0;
	v0 =	vmul.f32 $8.000000000e+00, v2;
	v2 =	vld [tilespmem:s6+$0x20]  }
0x128: {  	[tilespmem:s6+$0xFFFFFFC0] =	vst v1;
	v1 =	vmul.f32 $8.000000000e+00, v3;
	v3 =	vld [tilespmem:s6+$0x30]  }
0x129: {  	[tilespmem:s6+$0xFFFFFFD0] =	vst v0;
	v0 =	vmul.f32 $8.000000000e+00, v4;
	v4 =	vld [tilespmem:s6+$0x40]  }
0x12a: {  	[tilespmem:s6+$0xFFFFFFE0] =	vst v1;
	v1 =	vmul.f32 $8.000000000e+00, v5;
	v5 =	vld [tilespmem:s6+$0x50]  }
0x12b: {  	[tilespmem:s6+$0xFFFFFFF0] =	vst v0;
	v0 =	vmul.f32 $8.000000000e+00, v6;
	v6 =	vld [tilespmem:s6+$0x60]  }
0x12c: {  	[tilespmem:s6+$0x0] =	vst v1;
	v1 =	vmul.f32 $8.000000000e+00, v2;
	v2 =	vld [tilespmem:s6+$0x70]  }
0x12d: {  	[tilespmem:s6+$0x10] =	vst v0;
	v0 =	vmul.f32 $8.000000000e+00, v3;
	v3 =	vld [tilespmem:s6+$0x80]  }
0x12e: {  	[tilespmem:s6+$0x20] =	vst v1;
	v1 =	vmul.f32 $8.000000000e+00, v4;
	v4 =	vld [tilespmem:s6+$0x90]  }
0x12f: {  	v7 =	vld [tilespmem:s6+$0xA0];
	[tilespmem:s6+$0x30] =	vst v0;
	v5 =	vmul.f32 $8.000000000e+00, v5  }
0x130: {  	v0 =	vld [tilespmem:s6+$0xB0];
	[tilespmem:s6+$0x40] =	vst v1;
	v6 =	vmul.f32 $8.000000000e+00, v6  }
0x131: {  	v1 =	vld [tilespmem:s6+$0xC0];
	[tilespmem:s6+$0x50] =	vst v5;
	v5 =	vmul.f32 $8.000000000e+00, v2  }
0x132: {  	v2 =	vld [tilespmem:s6+$0xD0];
	[tilespmem:s6+$0x60] =	vst v6;
	v6 =	vmul.f32 $8.000000000e+00, v3  }
0x133: {  	v3 =	vld [tilespmem:s6+$0xE0];
	[tilespmem:s6+$0x70] =	vst v5;
	v5 =	vmul.f32 $8.000000000e+00, v4  }
0x134: {  	s2 =	sor.u32 $0x3, s2;
	s7 =	simm.s32 $0x0;
	s8 =	simm.s32 $0xFD00;
	v4 =	vld [tilespmem:s6+$0xFFFFFF00];
	[tilespmem:s6+$0x80] =	vst v6;
	v6 =	vmul.f32 $8.000000000e+00, v7  }
.LBB2_9:
0x135: {  	v7 =	vld [tilespmem:s8+$0xF0];
	s7 =	sadd.s32 $0x8, s7;
	[tilespmem:s6+$0x90] =	vst v5;
	v0 =	vmul.f32 $8.000000000e+00, v0  }
0x136: {  	v5 =	vld [tilespmem:s8+$0xFFFFFF10];
	p0 =	slt.u32 s7, $0xC0;
	[tilespmem:s6+$0xA0] =	vst v6;
	v1 =	vmul.f32 $8.000000000e+00, v1  }
0x137: {  	v6 =	vld [tilespmem:s8+$0xFFFFFF20];
	[tilespmem:s6+$0xB0] =	vst v0;
	v0 =	vmul.f32 $8.000000000e+00, v2  }
0x138: {  	v2 =	vld [tilespmem:s8+$0xFFFFFF30];
	[tilespmem:s6+$0xC0] =	vst v1;
	v1 =	vmul.f32 $8.000000000e+00, v3  }
0x139: {  	v3 =	vld [tilespmem:s8+$0xFFFFFF40];
	v4 =	vmul.f32 $8.000000000e+00, v4;
	[tilespmem:s6+$0xD0] =	vst v0  }
0x13a: {  	v0 =	vld [tilespmem:s8+$0xFFFFFF50];
	v7 =	vmul.f32 $8.000000000e+00, v7;
	[tilespmem:s6+$0xE0] =	vst v1  }
0x13b: {  	v1 =	vmul.f32 $8.000000000e+00, v5;
	v5 =	vld [tilespmem:s8+$0xFFFFFF60];
	[tilespmem:s6+$0xFFFFFF00] =	vst v4;
	s6 =	smov.u32 s8  }
0x13c: {  	v4 =	vmul.f32 $8.000000000e+00, v6;
	v6 =	vld [tilespmem:s8+$0xFFFFFF70];
	[tilespmem:s8+$0xF0] =	vst v7  }
0x13d: {  	[tilespmem:s8+$0xFFFFFF10] =	vst v1;
	v1 =	vmul.f32 $8.000000000e+00, v2;
	v2 =	vld [tilespmem:s8+$0xFFFFFF80]  }
0x13e: {  	[tilespmem:s8+$0xFFFFFF20] =	vst v4;
	v3 =	vmul.f32 $8.000000000e+00, v3;
	v4 =	vld [tilespmem:s8+$0xFFFFFF90]  }
0x13f: {  	[tilespmem:s8+$0xFFFFFF30] =	vst v1;
	v0 =	vmul.f32 $8.000000000e+00, v0;
	v1 =	vld [tilespmem:s8+$0xFFFFFFA0]  }
0x140: {  	[tilespmem:s8+$0xFFFFFF40] =	vst v3;
	v3 =	vmul.f32 $8.000000000e+00, v5;
	v5 =	vld [tilespmem:s8+$0xFFFFFFB0]  }
0x141: {  	[tilespmem:s8+$0xFFFFFF50] =	vst v0;
	v0 =	vmul.f32 $8.000000000e+00, v6;
	v6 =	vld [tilespmem:s8+$0xFFFFFFC0]  }
0x142: {  	[tilespmem:s8+$0xFFFFFF60] =	vst v3;
	v2 =	vmul.f32 $8.000000000e+00, v2;
	v3 =	vld [tilespmem:s8+$0xFFFFFFD0]  }
0x143: {  	[tilespmem:s8+$0xFFFFFF70] =	vst v0;
	v0 =	vmul.f32 $8.000000000e+00, v4;
	v4 =	vld [tilespmem:s8+$0xFFFFFFE0]  }
0x144: {  	[tilespmem:s8+$0xFFFFFF80] =	vst v2;
	v1 =	vmul.f32 $8.000000000e+00, v1;
	v2 =	vld [tilespmem:s8+$0xFFFFFFF0]  }
0x145: {  	[tilespmem:s8+$0xFFFFFF90] =	vst v0;
	v0 =	vmul.f32 $8.000000000e+00, v5;
	v5 =	vld [tilespmem:s8+$0x0]  }
0x146: {  	[tilespmem:s8+$0xFFFFFFA0] =	vst v1;
	v1 =	vmul.f32 $8.000000000e+00, v6;
	v6 =	vld [tilespmem:s8+$0x10]  }
0x147: {  	[tilespmem:s8+$0xFFFFFFB0] =	vst v0;
	v0 =	vmul.f32 $8.000000000e+00, v3;
	v3 =	vld [tilespmem:s8+$0x20]  }
0x148: {  	[tilespmem:s8+$0xFFFFFFC0] =	vst v1;
	v1 =	vmul.f32 $8.000000000e+00, v4;
	v4 =	vld [tilespmem:s8+$0x30]  }
0x149: {  	[tilespmem:s8+$0xFFFFFFD0] =	vst v0;
	v0 =	vmul.f32 $8.000000000e+00, v2;
	v2 =	vld [tilespmem:s8+$0x40]  }
0x14a: {  	[tilespmem:s8+$0xFFFFFFE0] =	vst v1;
	v1 =	vmul.f32 $8.000000000e+00, v5;
	v5 =	vld [tilespmem:s8+$0x50]  }
0x14b: {  	[tilespmem:s8+$0xFFFFFFF0] =	vst v0;
	v0 =	vmul.f32 $8.000000000e+00, v6;
	v6 =	vld [tilespmem:s8+$0x60]  }
0x14c: {  	[tilespmem:s8+$0x0] =	vst v1;
	v1 =	vmul.f32 $8.000000000e+00, v3;
	v3 =	vld [tilespmem:s8+$0x70]  }
0x14d: {  	[tilespmem:s8+$0x10] =	vst v0;
	v0 =	vmul.f32 $8.000000000e+00, v4;
	v4 =	vld [tilespmem:s8+$0x80]  }
0x14e: {  	[tilespmem:s8+$0x20] =	vst v1;
	v1 =	vmul.f32 $8.000000000e+00, v2;
	v7 =	vld [tilespmem:s8+$0x90]  }
0x14f: {  	[tilespmem:s8+$0x30] =	vst v0;
	v2 =	vmul.f32 $8.000000000e+00, v5;
	v8 =	vld [tilespmem:s8+$0xA0]  }
.Ltmp3:
0x150: {  	[tilespmem:s8+$0x40] =	vst v1;
	v5 =	vmul.f32 $8.000000000e+00, v6;
	v0 =	vld [tilespmem:s8+$0xB0];
	(pc) =	sbr.rel @p0 .LBB2_9-.Ltmp3, $4  }
0x151: {  	[tilespmem:s8+$0x50] =	vst v2;
	v3 =	vmul.f32 $8.000000000e+00, v3;
	v1 =	vld [tilespmem:s8+$0xC0]  }
0x152: {  	[tilespmem:s8+$0x60] =	vst v5;
	v6 =	vmul.f32 $8.000000000e+00, v4;
	v2 =	vld [tilespmem:s8+$0xD0]  }
0x153: {  	[tilespmem:s8+$0x70] =	vst v3;
	v5 =	vmul.f32 $8.000000000e+00, v7;
	v3 =	vld [tilespmem:s8+$0xE0]  }
0x154: {  	s8 =	sadd.s32 $0x200, s8;
	v4 =	vld [tilespmem:s6+$0xFFFFFF00];
	[tilespmem:s6+$0x80] =	vst v6;
	v6 =	vmul.f32 $8.000000000e+00, v8  }
0x155: {  	[tilespmem:s6+$0x90] =	vst v5;
	v0 =	vmul.f32 $8.000000000e+00, v0  }
0x156: {  	[tilespmem:s6+$0xA0] =	vst v6;
	v1 =	vmul.f32 $8.000000000e+00, v1  }
0x157: {  	[tilespmem:s6+$0xB0] =	vst v0;
	v0 =	vmul.f32 $8.000000000e+00, v2  }
0x158: {  	s2 =	sadd.s32 s5, s2;
	[tilespmem:s6+$0xC0] =	vst v1;
	v1 =	vmul.f32 $8.000000000e+00, v3  }
0x159: {  	s2 =	smul.u32 $0xC80, s2;
	v2 =	vmul.f32 $8.000000000e+00, v4;
	[tilespmem:s6+$0xD0] =	vst v0  }
0x15a: {  	[tilespmem:s6+$0xE0] =	vst v1  }
0x15b: {  	p0 =	seq.s32 s31, $0xF;
	s2 =	sadd.s32 s4, s2;
	[tilespmem:s6+$0xFFFFFF00] =	vst v2  }
0x15c: {  	[hbm4b:s2+s18] =	stream.strided.scatter [tilespmem:s15], [sflag:$0xC], $0x3200, s19, s18, $0x38;
	[tilespmem:$0x1F400] =	vst v63  }
0x15d: {  	s2 =	simm.s32 @!p0 $0x9  }
0x15e: {  	s6 =	smul.u32 @!p0 $0x1900, s31;
	_ =	swait.ge @!p0 [sflag:s2], $0x3200  }
0x15f: {  	[sflag:s2] =	ssyncset.done @!p0 $0x0  }
0x160: {  	[sflag:s2] =	ssyncadd.s32 @!p0 $0xFFFFCE00;
	s2 =	sshra.s32 @!p0 s6, $0x2  }
0x161: {  	s7 =	simm.s32 @!p0 $0xC8;
	s8 =	simm.s32 @!p0 $0x6400;
	s6 =	sadd.s32 @!p0 $0x640, s2  }
0x162: {  	[tilespmem:s8], [sflag:$0x1] =	stream.indirect.gather @!p0 [hbm4b:s3+s7], $0x40, s6, s7, $0xb8;
	[tilespmem:$0x1F400] =	vst v63  }
0x163: {  	_ =	swait.ge [sflag:s26], $0x3200  }
0x164: {  	[sflag:s26] =	ssyncset.done $0x0  }
0x165: {  	s6 =	simm.s32 $0x12D00;
	[sflag:s26] =	ssyncadd.s32 $0xFFFFCE00  }
0x166: {  	v0 =	vld [tilespmem:s6+$0xF0]  }
0x167: {  	v1 =	vld [tilespmem:s6+$0xFFFFFF10]  }
0x168: {  	v2 =	vld [tilespmem:s6+$0xFFFFFF20]  }
0x169: {  	v3 =	vld [tilespmem:s6+$0xFFFFFF30]  }
0x16a: {  	v4 =	vld [tilespmem:s6+$0xFFFFFF40]  }
0x16b: {  	v5 =	vld [tilespmem:s6+$0xFFFFFF50];
	v0 =	vmul.f32 $8.000000000e+00, v0  }
0x16c: {  	v6 =	vld [tilespmem:s6+$0xFFFFFF60];
	v1 =	vmul.f32 $8.000000000e+00, v1  }
0x16d: {  	v7 =	vld [tilespmem:s6+$0xFFFFFF70];
	v2 =	vmul.f32 $8.000000000e+00, v2;
	[tilespmem:s6+$0xF0] =	vst v0  }
0x16e: {  	[tilespmem:s6+$0xFFFFFF10] =	vst v1;
	v0 =	vmul.f32 $8.000000000e+00, v3;
	v1 =	vld [tilespmem:s6+$0xFFFFFF80]  }
0x16f: {  	[tilespmem:s6+$0xFFFFFF20] =	vst v2;
	v2 =	vmul.f32 $8.000000000e+00, v4;
	v3 =	vld [tilespmem:s6+$0xFFFFFF90]  }
0x170: {  	v4 =	vld [tilespmem:s6+$0xFFFFFFA0];
	[tilespmem:s6+$0xFFFFFF30] =	vst v0;
	v0 =	vmul.f32 $8.000000000e+00, v5  }
0x171: {  	[tilespmem:s6+$0xFFFFFF40] =	vst v2;
	v2 =	vmul.f32 $8.000000000e+00, v6;
	v5 =	vld [tilespmem:s6+$0xFFFFFFB0]  }
0x172: {  	v6 =	vld [tilespmem:s6+$0xFFFFFFC0];
	[tilespmem:s6+$0xFFFFFF50] =	vst v0;
	v0 =	vmul.f32 $8.000000000e+00, v7  }
0x173: {  	[tilespmem:s6+$0xFFFFFF60] =	vst v2;
	v2 =	vld [tilespmem:s6+$0xFFFFFFD0];
	v1 =	vmul.f32 $8.000000000e+00, v1  }
0x174: {  	[tilespmem:s6+$0xFFFFFF70] =	vst v0;
	v0 =	vmul.f32 $8.000000000e+00, v3;
	v3 =	vld [tilespmem:s6+$0xFFFFFFE0]  }
0x175: {  	[tilespmem:s6+$0xFFFFFF80] =	vst v1;
	v1 =	vmul.f32 $8.000000000e+00, v4;
	v4 =	vld [tilespmem:s6+$0xFFFFFFF0]  }
0x176: {  	[tilespmem:s6+$0xFFFFFF90] =	vst v0;
	v0 =	vmul.f32 $8.000000000e+00, v5;
	v5 =	vld [tilespmem:s6+$0x0]  }
0x177: {  	[tilespmem:s6+$0xFFFFFFA0] =	vst v1;
	v1 =	vmul.f32 $8.000000000e+00, v6;
	v6 =	vld [tilespmem:s6+$0x10]  }
0x178: {  	[tilespmem:s6+$0xFFFFFFB0] =	vst v0;
	v0 =	vmul.f32 $8.000000000e+00, v2;
	v2 =	vld [tilespmem:s6+$0x20]  }
0x179: {  	[tilespmem:s6+$0xFFFFFFC0] =	vst v1;
	v1 =	vmul.f32 $8.000000000e+00, v3;
	v3 =	vld [tilespmem:s6+$0x30]  }
0x17a: {  	[tilespmem:s6+$0xFFFFFFD0] =	vst v0;
	v0 =	vmul.f32 $8.000000000e+00, v4;
	v4 =	vld [tilespmem:s6+$0x40]  }
0x17b: {  	[tilespmem:s6+$0xFFFFFFE0] =	vst v1;
	v1 =	vmul.f32 $8.000000000e+00, v5;
	v5 =	vld [tilespmem:s6+$0x50]  }
0x17c: {  	[tilespmem:s6+$0xFFFFFFF0] =	vst v0;
	v0 =	vmul.f32 $8.000000000e+00, v6;
	v6 =	vld [tilespmem:s6+$0x60]  }
0x17d: {  	[tilespmem:s6+$0x0] =	vst v1;
	v1 =	vmul.f32 $8.000000000e+00, v2;
	v2 =	vld [tilespmem:s6+$0x70]  }
0x17e: {  	[tilespmem:s6+$0x10] =	vst v0;
	v0 =	vmul.f32 $8.000000000e+00, v3;
	v3 =	vld [tilespmem:s6+$0x80]  }
0x17f: {  	[tilespmem:s6+$0x20] =	vst v1;
	v1 =	vmul.f32 $8.000000000e+00, v4;
	v4 =	vld [tilespmem:s6+$0x90]  }
0x180: {  	v7 =	vld [tilespmem:s6+$0xA0];
	[tilespmem:s6+$0x30] =	vst v0;
	v5 =	vmul.f32 $8.000000000e+00, v5  }
0x181: {  	v0 =	vld [tilespmem:s6+$0xB0];
	[tilespmem:s6+$0x40] =	vst v1;
	v6 =	vmul.f32 $8.000000000e+00, v6  }
0x182: {  	v1 =	vld [tilespmem:s6+$0xC0];
	[tilespmem:s6+$0x50] =	vst v5;
	v5 =	vmul.f32 $8.000000000e+00, v2  }
0x183: {  	v2 =	vld [tilespmem:s6+$0xD0];
	[tilespmem:s6+$0x60] =	vst v6;
	v6 =	vmul.f32 $8.000000000e+00, v3  }
0x184: {  	v3 =	vld [tilespmem:s6+$0xE0];
	[tilespmem:s6+$0x70] =	vst v5;
	v5 =	vmul.f32 $8.000000000e+00, v4  }
0x185: {  	s7 =	simm.s32 $0x0;
	s8 =	simm.s32 $0x12F00;
	v4 =	vld [tilespmem:s6+$0xFFFFFF00];
	[tilespmem:s6+$0x80] =	vst v6;
	v6 =	vmul.f32 $8.000000000e+00, v7  }
.LBB2_11:
0x186: {  	v7 =	vld [tilespmem:s8+$0xF0];
	s7 =	sadd.s32 $0x8, s7;
	[tilespmem:s6+$0x90] =	vst v5;
	v0 =	vmul.f32 $8.000000000e+00, v0  }
0x187: {  	v5 =	vld [tilespmem:s8+$0xFFFFFF10];
	p1 =	slt.u32 s7, $0xC0;
	[tilespmem:s6+$0xA0] =	vst v6;
	v1 =	vmul.f32 $8.000000000e+00, v1  }
0x188: {  	v6 =	vld [tilespmem:s8+$0xFFFFFF20];
	[tilespmem:s6+$0xB0] =	vst v0;
	v0 =	vmul.f32 $8.000000000e+00, v2  }
0x189: {  	v2 =	vld [tilespmem:s8+$0xFFFFFF30];
	[tilespmem:s6+$0xC0] =	vst v1;
	v1 =	vmul.f32 $8.000000000e+00, v3  }
0x18a: {  	v3 =	vld [tilespmem:s8+$0xFFFFFF40];
	v4 =	vmul.f32 $8.000000000e+00, v4;
	[tilespmem:s6+$0xD0] =	vst v0  }
0x18b: {  	v0 =	vld [tilespmem:s8+$0xFFFFFF50];
	v7 =	vmul.f32 $8.000000000e+00, v7;
	[tilespmem:s6+$0xE0] =	vst v1  }
0x18c: {  	v1 =	vmul.f32 $8.000000000e+00, v5;
	v5 =	vld [tilespmem:s8+$0xFFFFFF60];
	[tilespmem:s6+$0xFFFFFF00] =	vst v4;
	s6 =	smov.u32 s8  }
0x18d: {  	v4 =	vmul.f32 $8.000000000e+00, v6;
	v6 =	vld [tilespmem:s8+$0xFFFFFF70];
	[tilespmem:s8+$0xF0] =	vst v7  }
0x18e: {  	[tilespmem:s8+$0xFFFFFF10] =	vst v1;
	v1 =	vmul.f32 $8.000000000e+00, v2;
	v2 =	vld [tilespmem:s8+$0xFFFFFF80]  }
0x18f: {  	[tilespmem:s8+$0xFFFFFF20] =	vst v4;
	v3 =	vmul.f32 $8.000000000e+00, v3;
	v4 =	vld [tilespmem:s8+$0xFFFFFF90]  }
0x190: {  	[tilespmem:s8+$0xFFFFFF30] =	vst v1;
	v0 =	vmul.f32 $8.000000000e+00, v0;
	v1 =	vld [tilespmem:s8+$0xFFFFFFA0]  }
0x191: {  	[tilespmem:s8+$0xFFFFFF40] =	vst v3;
	v3 =	vmul.f32 $8.000000000e+00, v5;
	v5 =	vld [tilespmem:s8+$0xFFFFFFB0]  }
0x192: {  	[tilespmem:s8+$0xFFFFFF50] =	vst v0;
	v0 =	vmul.f32 $8.000000000e+00, v6;
	v6 =	vld [tilespmem:s8+$0xFFFFFFC0]  }
0x193: {  	[tilespmem:s8+$0xFFFFFF60] =	vst v3;
	v2 =	vmul.f32 $8.000000000e+00, v2;
	v3 =	vld [tilespmem:s8+$0xFFFFFFD0]  }
0x194: {  	[tilespmem:s8+$0xFFFFFF70] =	vst v0;
	v0 =	vmul.f32 $8.000000000e+00, v4;
	v4 =	vld [tilespmem:s8+$0xFFFFFFE0]  }
0x195: {  	[tilespmem:s8+$0xFFFFFF80] =	vst v2;
	v1 =	vmul.f32 $8.000000000e+00, v1;
	v2 =	vld [tilespmem:s8+$0xFFFFFFF0]  }
0x196: {  	[tilespmem:s8+$0xFFFFFF90] =	vst v0;
	v0 =	vmul.f32 $8.000000000e+00, v5;
	v5 =	vld [tilespmem:s8+$0x0]  }
0x197: {  	[tilespmem:s8+$0xFFFFFFA0] =	vst v1;
	v1 =	vmul.f32 $8.000000000e+00, v6;
	v6 =	vld [tilespmem:s8+$0x10]  }
0x198: {  	[tilespmem:s8+$0xFFFFFFB0] =	vst v0;
	v0 =	vmul.f32 $8.000000000e+00, v3;
	v3 =	vld [tilespmem:s8+$0x20]  }
0x199: {  	[tilespmem:s8+$0xFFFFFFC0] =	vst v1;
	v1 =	vmul.f32 $8.000000000e+00, v4;
	v4 =	vld [tilespmem:s8+$0x30]  }
0x19a: {  	[tilespmem:s8+$0xFFFFFFD0] =	vst v0;
	v0 =	vmul.f32 $8.000000000e+00, v2;
	v2 =	vld [tilespmem:s8+$0x40]  }
0x19b: {  	[tilespmem:s8+$0xFFFFFFE0] =	vst v1;
	v1 =	vmul.f32 $8.000000000e+00, v5;
	v5 =	vld [tilespmem:s8+$0x50]  }
0x19c: {  	[tilespmem:s8+$0xFFFFFFF0] =	vst v0;
	v0 =	vmul.f32 $8.000000000e+00, v6;
	v6 =	vld [tilespmem:s8+$0x60]  }
0x19d: {  	[tilespmem:s8+$0x0] =	vst v1;
	v1 =	vmul.f32 $8.000000000e+00, v3;
	v3 =	vld [tilespmem:s8+$0x70]  }
0x19e: {  	[tilespmem:s8+$0x10] =	vst v0;
	v0 =	vmul.f32 $8.000000000e+00, v4;
	v4 =	vld [tilespmem:s8+$0x80]  }
0x19f: {  	[tilespmem:s8+$0x20] =	vst v1;
	v1 =	vmul.f32 $8.000000000e+00, v2;
	v7 =	vld [tilespmem:s8+$0x90]  }
0x1a0: {  	[tilespmem:s8+$0x30] =	vst v0;
	v2 =	vmul.f32 $8.000000000e+00, v5;
	v8 =	vld [tilespmem:s8+$0xA0]  }
.Ltmp4:
0x1a1: {  	[tilespmem:s8+$0x40] =	vst v1;
	v5 =	vmul.f32 $8.000000000e+00, v6;
	v0 =	vld [tilespmem:s8+$0xB0];
	(pc) =	sbr.rel @p1 .LBB2_11-.Ltmp4, $4  }
0x1a2: {  	[tilespmem:s8+$0x50] =	vst v2;
	v3 =	vmul.f32 $8.000000000e+00, v3;
	v1 =	vld [tilespmem:s8+$0xC0]  }
0x1a3: {  	[tilespmem:s8+$0x60] =	vst v5;
	v6 =	vmul.f32 $8.000000000e+00, v4;
	v2 =	vld [tilespmem:s8+$0xD0]  }
0x1a4: {  	[tilespmem:s8+$0x70] =	vst v3;
	v5 =	vmul.f32 $8.000000000e+00, v7;
	v3 =	vld [tilespmem:s8+$0xE0]  }
0x1a5: {  	s8 =	sadd.s32 $0x200, s8;
	v4 =	vld [tilespmem:s6+$0xFFFFFF00];
	[tilespmem:s6+$0x80] =	vst v6;
	v6 =	vmul.f32 $8.000000000e+00, v8  }
0x1a6: {  	[tilespmem:s6+$0x90] =	vst v5;
	v0 =	vmul.f32 $8.000000000e+00, v0  }
0x1a7: {  	[tilespmem:s6+$0xA0] =	vst v6;
	v1 =	vmul.f32 $8.000000000e+00, v1  }
0x1a8: {  	[tilespmem:s6+$0xB0] =	vst v0;
	v0 =	vmul.f32 $8.000000000e+00, v2  }
0x1a9: {  	s0 =	sadd.s32 s5, s0;
	[tilespmem:s6+$0xC0] =	vst v1;
	v1 =	vmul.f32 $8.000000000e+00, v3  }
0x1aa: {  	s0 =	smul.u32 $0xC80, s0;
	v2 =	vmul.f32 $8.000000000e+00, v4;
	[tilespmem:s6+$0xD0] =	vst v0  }
0x1ab: {  	[tilespmem:s6+$0xE0] =	vst v1  }
0x1ac: {  	s0 =	sadd.s32 s4, s0;
	[tilespmem:s6+$0xFFFFFF00] =	vst v2  }
0x1ad: {  	[hbm4b:s0+s18] =	stream.strided.scatter [tilespmem:s16], [sflag:$0xD], $0x3200, s19, s18, $0x38;
	[tilespmem:$0x1F400] =	vst v63  }
0x1ae: {  	s0 =	simm.s32 @!p0 $0xA  }
0x1af: {  	_ =	swait.ge @!p0 [sflag:s0], $0x3200  }
0x1b0: {  	s7 =	simm.s32 @!p0 $0x9600;
	[sflag:s0] =	ssyncset.done @!p0 $0x0  }
0x1b1: {  	s6 =	simm.s32 @!p0 $0xC8;
	[sflag:s0] =	ssyncadd.s32 @!p0 $0xFFFFCE00;
	s0 =	sadd.s32 @!p0 $0x708, s2  }
0x1b2: {  	[tilespmem:s7], [sflag:$0x2] =	stream.indirect.gather @!p0 [hbm4b:s3+s6], $0x40, s0, s6, $0xb8;
	[tilespmem:$0x1F400] =	vst v63  }
0x1b3: {  	_ =	swait.ge [sflag:s28], $0x3200  }
0x1b4: {  	[sflag:s28] =	ssyncset.done $0x0  }
0x1b5: {  	s0 =	simm.s32 $0x15F00;
	[sflag:s28] =	ssyncadd.s32 $0xFFFFCE00  }
0x1b6: {  	v0 =	vld [tilespmem:s0+$0xF0]  }
0x1b7: {  	v1 =	vld [tilespmem:s0+$0xFFFFFF10]  }
0x1b8: {  	v2 =	vld [tilespmem:s0+$0xFFFFFF20]  }
0x1b9: {  	v3 =	vld [tilespmem:s0+$0xFFFFFF30]  }
0x1ba: {  	v4 =	vld [tilespmem:s0+$0xFFFFFF40]  }
0x1bb: {  	v5 =	vld [tilespmem:s0+$0xFFFFFF50];
	v0 =	vmul.f32 $8.000000000e+00, v0  }
0x1bc: {  	v6 =	vld [tilespmem:s0+$0xFFFFFF60];
	v1 =	vmul.f32 $8.000000000e+00, v1  }
0x1bd: {  	v7 =	vld [tilespmem:s0+$0xFFFFFF70];
	v2 =	vmul.f32 $8.000000000e+00, v2;
	[tilespmem:s0+$0xF0] =	vst v0  }
0x1be: {  	[tilespmem:s0+$0xFFFFFF10] =	vst v1;
	v0 =	vmul.f32 $8.000000000e+00, v3;
	v1 =	vld [tilespmem:s0+$0xFFFFFF80]  }
0x1bf: {  	[tilespmem:s0+$0xFFFFFF20] =	vst v2;
	v2 =	vmul.f32 $8.000000000e+00, v4;
	v3 =	vld [tilespmem:s0+$0xFFFFFF90]  }
0x1c0: {  	v4 =	vld [tilespmem:s0+$0xFFFFFFA0];
	[tilespmem:s0+$0xFFFFFF30] =	vst v0;
	v0 =	vmul.f32 $8.000000000e+00, v5  }
0x1c1: {  	[tilespmem:s0+$0xFFFFFF40] =	vst v2;
	v2 =	vmul.f32 $8.000000000e+00, v6;
	v5 =	vld [tilespmem:s0+$0xFFFFFFB0]  }
0x1c2: {  	v6 =	vld [tilespmem:s0+$0xFFFFFFC0];
	[tilespmem:s0+$0xFFFFFF50] =	vst v0;
	v0 =	vmul.f32 $8.000000000e+00, v7  }
0x1c3: {  	[tilespmem:s0+$0xFFFFFF60] =	vst v2;
	v2 =	vld [tilespmem:s0+$0xFFFFFFD0];
	v1 =	vmul.f32 $8.000000000e+00, v1  }
0x1c4: {  	[tilespmem:s0+$0xFFFFFF70] =	vst v0;
	v0 =	vmul.f32 $8.000000000e+00, v3;
	v3 =	vld [tilespmem:s0+$0xFFFFFFE0]  }
0x1c5: {  	[tilespmem:s0+$0xFFFFFF80] =	vst v1;
	v1 =	vmul.f32 $8.000000000e+00, v4;
	v4 =	vld [tilespmem:s0+$0xFFFFFFF0]  }
0x1c6: {  	[tilespmem:s0+$0xFFFFFF90] =	vst v0;
	v0 =	vmul.f32 $8.000000000e+00, v5;
	v5 =	vld [tilespmem:s0+$0x0]  }
0x1c7: {  	[tilespmem:s0+$0xFFFFFFA0] =	vst v1;
	v1 =	vmul.f32 $8.000000000e+00, v6;
	v6 =	vld [tilespmem:s0+$0x10]  }
0x1c8: {  	[tilespmem:s0+$0xFFFFFFB0] =	vst v0;
	v0 =	vmul.f32 $8.000000000e+00, v2;
	v2 =	vld [tilespmem:s0+$0x20]  }
0x1c9: {  	[tilespmem:s0+$0xFFFFFFC0] =	vst v1;
	v1 =	vmul.f32 $8.000000000e+00, v3;
	v3 =	vld [tilespmem:s0+$0x30]  }
0x1ca: {  	[tilespmem:s0+$0xFFFFFFD0] =	vst v0;
	v0 =	vmul.f32 $8.000000000e+00, v4;
	v4 =	vld [tilespmem:s0+$0x40]  }
0x1cb: {  	[tilespmem:s0+$0xFFFFFFE0] =	vst v1;
	v1 =	vmul.f32 $8.000000000e+00, v5;
	v5 =	vld [tilespmem:s0+$0x50]  }
0x1cc: {  	[tilespmem:s0+$0xFFFFFFF0] =	vst v0;
	v0 =	vmul.f32 $8.000000000e+00, v6;
	v6 =	vld [tilespmem:s0+$0x60]  }
0x1cd: {  	[tilespmem:s0+$0x0] =	vst v1;
	v1 =	vmul.f32 $8.000000000e+00, v2;
	v2 =	vld [tilespmem:s0+$0x70]  }
0x1ce: {  	[tilespmem:s0+$0x10] =	vst v0;
	v0 =	vmul.f32 $8.000000000e+00, v3;
	v3 =	vld [tilespmem:s0+$0x80]  }
0x1cf: {  	[tilespmem:s0+$0x20] =	vst v1;
	v1 =	vmul.f32 $8.000000000e+00, v4;
	v4 =	vld [tilespmem:s0+$0x90]  }
0x1d0: {  	v7 =	vld [tilespmem:s0+$0xA0];
	[tilespmem:s0+$0x30] =	vst v0;
	v5 =	vmul.f32 $8.000000000e+00, v5  }
0x1d1: {  	v0 =	vld [tilespmem:s0+$0xB0];
	[tilespmem:s0+$0x40] =	vst v1;
	v6 =	vmul.f32 $8.000000000e+00, v6  }
0x1d2: {  	v1 =	vld [tilespmem:s0+$0xC0];
	[tilespmem:s0+$0x50] =	vst v5;
	v5 =	vmul.f32 $8.000000000e+00, v2  }
0x1d3: {  	v2 =	vld [tilespmem:s0+$0xD0];
	[tilespmem:s0+$0x60] =	vst v6;
	v6 =	vmul.f32 $8.000000000e+00, v3  }
0x1d4: {  	v3 =	vld [tilespmem:s0+$0xE0];
	[tilespmem:s0+$0x70] =	vst v5;
	v5 =	vmul.f32 $8.000000000e+00, v4  }
0x1d5: {  	s6 =	simm.s32 $0x0;
	s7 =	simm.s32 $0x16100;
	v4 =	vld [tilespmem:s0+$0xFFFFFF00];
	[tilespmem:s0+$0x80] =	vst v6;
	v6 =	vmul.f32 $8.000000000e+00, v7  }
.LBB2_13:
0x1d6: {  	v7 =	vld [tilespmem:s7+$0xF0];
	s6 =	sadd.s32 $0x8, s6;
	[tilespmem:s0+$0x90] =	vst v5;
	v0 =	vmul.f32 $8.000000000e+00, v0  }
0x1d7: {  	v5 =	vld [tilespmem:s7+$0xFFFFFF10];
	p1 =	slt.u32 s6, $0xC0;
	[tilespmem:s0+$0xA0] =	vst v6;
	v1 =	vmul.f32 $8.000000000e+00, v1  }
0x1d8: {  	v6 =	vld [tilespmem:s7+$0xFFFFFF20];
	[tilespmem:s0+$0xB0] =	vst v0;
	v0 =	vmul.f32 $8.000000000e+00, v2  }
0x1d9: {  	v2 =	vld [tilespmem:s7+$0xFFFFFF30];
	[tilespmem:s0+$0xC0] =	vst v1;
	v1 =	vmul.f32 $8.000000000e+00, v3  }
0x1da: {  	v3 =	vld [tilespmem:s7+$0xFFFFFF40];
	v4 =	vmul.f32 $8.000000000e+00, v4;
	[tilespmem:s0+$0xD0] =	vst v0  }
0x1db: {  	v0 =	vld [tilespmem:s7+$0xFFFFFF50];
	v7 =	vmul.f32 $8.000000000e+00, v7;
	[tilespmem:s0+$0xE0] =	vst v1  }
0x1dc: {  	v1 =	vmul.f32 $8.000000000e+00, v5;
	v5 =	vld [tilespmem:s7+$0xFFFFFF60];
	[tilespmem:s0+$0xFFFFFF00] =	vst v4;
	s0 =	smov.u32 s7  }
0x1dd: {  	v4 =	vmul.f32 $8.000000000e+00, v6;
	v6 =	vld [tilespmem:s7+$0xFFFFFF70];
	[tilespmem:s7+$0xF0] =	vst v7  }
0x1de: {  	[tilespmem:s7+$0xFFFFFF10] =	vst v1;
	v1 =	vmul.f32 $8.000000000e+00, v2;
	v2 =	vld [tilespmem:s7+$0xFFFFFF80]  }
0x1df: {  	[tilespmem:s7+$0xFFFFFF20] =	vst v4;
	v3 =	vmul.f32 $8.000000000e+00, v3;
	v4 =	vld [tilespmem:s7+$0xFFFFFF90]  }
0x1e0: {  	[tilespmem:s7+$0xFFFFFF30] =	vst v1;
	v0 =	vmul.f32 $8.000000000e+00, v0;
	v1 =	vld [tilespmem:s7+$0xFFFFFFA0]  }
0x1e1: {  	[tilespmem:s7+$0xFFFFFF40] =	vst v3;
	v3 =	vmul.f32 $8.000000000e+00, v5;
	v5 =	vld [tilespmem:s7+$0xFFFFFFB0]  }
0x1e2: {  	[tilespmem:s7+$0xFFFFFF50] =	vst v0;
	v0 =	vmul.f32 $8.000000000e+00, v6;
	v6 =	vld [tilespmem:s7+$0xFFFFFFC0]  }
0x1e3: {  	[tilespmem:s7+$0xFFFFFF60] =	vst v3;
	v2 =	vmul.f32 $8.000000000e+00, v2;
	v3 =	vld [tilespmem:s7+$0xFFFFFFD0]  }
0x1e4: {  	[tilespmem:s7+$0xFFFFFF70] =	vst v0;
	v0 =	vmul.f32 $8.000000000e+00, v4;
	v4 =	vld [tilespmem:s7+$0xFFFFFFE0]  }
0x1e5: {  	[tilespmem:s7+$0xFFFFFF80] =	vst v2;
	v1 =	vmul.f32 $8.000000000e+00, v1;
	v2 =	vld [tilespmem:s7+$0xFFFFFFF0]  }
0x1e6: {  	[tilespmem:s7+$0xFFFFFF90] =	vst v0;
	v0 =	vmul.f32 $8.000000000e+00, v5;
	v5 =	vld [tilespmem:s7+$0x0]  }
0x1e7: {  	[tilespmem:s7+$0xFFFFFFA0] =	vst v1;
	v1 =	vmul.f32 $8.000000000e+00, v6;
	v6 =	vld [tilespmem:s7+$0x10]  }
0x1e8: {  	[tilespmem:s7+$0xFFFFFFB0] =	vst v0;
	v0 =	vmul.f32 $8.000000000e+00, v3;
	v3 =	vld [tilespmem:s7+$0x20]  }
0x1e9: {  	[tilespmem:s7+$0xFFFFFFC0] =	vst v1;
	v1 =	vmul.f32 $8.000000000e+00, v4;
	v4 =	vld [tilespmem:s7+$0x30]  }
0x1ea: {  	[tilespmem:s7+$0xFFFFFFD0] =	vst v0;
	v0 =	vmul.f32 $8.000000000e+00, v2;
	v2 =	vld [tilespmem:s7+$0x40]  }
0x1eb: {  	[tilespmem:s7+$0xFFFFFFE0] =	vst v1;
	v1 =	vmul.f32 $8.000000000e+00, v5;
	v5 =	vld [tilespmem:s7+$0x50]  }
0x1ec: {  	[tilespmem:s7+$0xFFFFFFF0] =	vst v0;
	v0 =	vmul.f32 $8.000000000e+00, v6;
	v6 =	vld [tilespmem:s7+$0x60]  }
0x1ed: {  	[tilespmem:s7+$0x0] =	vst v1;
	v1 =	vmul.f32 $8.000000000e+00, v3;
	v3 =	vld [tilespmem:s7+$0x70]  }
0x1ee: {  	[tilespmem:s7+$0x10] =	vst v0;
	v0 =	vmul.f32 $8.000000000e+00, v4;
	v4 =	vld [tilespmem:s7+$0x80]  }
0x1ef: {  	[tilespmem:s7+$0x20] =	vst v1;
	v1 =	vmul.f32 $8.000000000e+00, v2;
	v7 =	vld [tilespmem:s7+$0x90]  }
0x1f0: {  	[tilespmem:s7+$0x30] =	vst v0;
	v2 =	vmul.f32 $8.000000000e+00, v5;
	v8 =	vld [tilespmem:s7+$0xA0]  }
.Ltmp5:
0x1f1: {  	[tilespmem:s7+$0x40] =	vst v1;
	v5 =	vmul.f32 $8.000000000e+00, v6;
	v0 =	vld [tilespmem:s7+$0xB0];
	(pc) =	sbr.rel @p1 .LBB2_13-.Ltmp5, $4  }
0x1f2: {  	[tilespmem:s7+$0x50] =	vst v2;
	v3 =	vmul.f32 $8.000000000e+00, v3;
	v1 =	vld [tilespmem:s7+$0xC0]  }
0x1f3: {  	[tilespmem:s7+$0x60] =	vst v5;
	v6 =	vmul.f32 $8.000000000e+00, v4;
	v2 =	vld [tilespmem:s7+$0xD0]  }
0x1f4: {  	[tilespmem:s7+$0x70] =	vst v3;
	v5 =	vmul.f32 $8.000000000e+00, v7;
	v3 =	vld [tilespmem:s7+$0xE0]  }
0x1f5: {  	s7 =	sadd.s32 $0x200, s7;
	v4 =	vld [tilespmem:s0+$0xFFFFFF00];
	[tilespmem:s0+$0x80] =	vst v6;
	v6 =	vmul.f32 $8.000000000e+00, v8  }
0x1f6: {  	[tilespmem:s0+$0x90] =	vst v5;
	v0 =	vmul.f32 $8.000000000e+00, v0  }
0x1f7: {  	[tilespmem:s0+$0xA0] =	vst v6;
	v1 =	vmul.f32 $8.000000000e+00, v1  }
0x1f8: {  	[tilespmem:s0+$0xB0] =	vst v0;
	v0 =	vmul.f32 $8.000000000e+00, v2  }
0x1f9: {  	s1 =	sadd.s32 s5, s1;
	[tilespmem:s0+$0xC0] =	vst v1;
	v1 =	vmul.f32 $8.000000000e+00, v3  }
0x1fa: {  	s1 =	smul.u32 $0xC80, s1;
	v2 =	vmul.f32 $8.000000000e+00, v4;
	[tilespmem:s0+$0xD0] =	vst v0  }
0x1fb: {  	[tilespmem:s0+$0xE0] =	vst v1  }
0x1fc: {  	s8 =	sadd.s32 s4, s1;
	[tilespmem:s0+$0xFFFFFF00] =	vst v2;
	s0 =	simm.s32 @!p0 $0xB  }
0x1fd: {  	[hbm4b:s8+s18] =	stream.strided.scatter [tilespmem:s20], [sflag:$0xE], $0x3200, s19, s18, $0x38;
	[tilespmem:$0x1F400] =	vst v63  }
0x1fe: {  	_ =	swait.ge @!p0 [sflag:s0], $0x3200  }
0x1ff: {  	s6 =	simm.s32 @!p0 $0xC800;
	[sflag:s0] =	ssyncset.done @!p0 $0x0  }
0x200: {  	s1 =	simm.s32 @!p0 $0xC8;
	[sflag:s0] =	ssyncadd.s32 @!p0 $0xFFFFCE00;
	s0 =	sadd.s32 @!p0 $0x7D0, s2  }
0x201: {  	[tilespmem:s6], [sflag:$0x3] =	stream.indirect.gather @!p0 [hbm4b:s3+s1], $0x40, s0, s1, $0xb8;
	[tilespmem:$0x1F400] =	vst v63  }
0x202: {  	_ =	swait.ge [sflag:s29], $0x3200  }
0x203: {  	[sflag:s29] =	ssyncset.done $0x0  }
0x204: {  	s0 =	simm.s32 $0x19100;
	[sflag:s29] =	ssyncadd.s32 $0xFFFFCE00  }
0x205: {  	v0 =	vld [tilespmem:s0+$0xF0]  }
0x206: {  	v1 =	vld [tilespmem:s0+$0xFFFFFF10]  }
0x207: {  	v2 =	vld [tilespmem:s0+$0xFFFFFF20]  }
0x208: {  	v3 =	vld [tilespmem:s0+$0xFFFFFF30]  }
0x209: {  	v4 =	vld [tilespmem:s0+$0xFFFFFF40]  }
0x20a: {  	v5 =	vld [tilespmem:s0+$0xFFFFFF50];
	v0 =	vmul.f32 $8.000000000e+00, v0  }
0x20b: {  	v6 =	vld [tilespmem:s0+$0xFFFFFF60];
	v1 =	vmul.f32 $8.000000000e+00, v1  }
0x20c: {  	v7 =	vld [tilespmem:s0+$0xFFFFFF70];
	v2 =	vmul.f32 $8.000000000e+00, v2;
	[tilespmem:s0+$0xF0] =	vst v0  }
0x20d: {  	[tilespmem:s0+$0xFFFFFF10] =	vst v1;
	v0 =	vmul.f32 $8.000000000e+00, v3;
	v1 =	vld [tilespmem:s0+$0xFFFFFF80]  }
0x20e: {  	[tilespmem:s0+$0xFFFFFF20] =	vst v2;
	v2 =	vmul.f32 $8.000000000e+00, v4;
	v3 =	vld [tilespmem:s0+$0xFFFFFF90]  }
0x20f: {  	v4 =	vld [tilespmem:s0+$0xFFFFFFA0];
	[tilespmem:s0+$0xFFFFFF30] =	vst v0;
	v0 =	vmul.f32 $8.000000000e+00, v5  }
0x210: {  	[tilespmem:s0+$0xFFFFFF40] =	vst v2;
	v2 =	vmul.f32 $8.000000000e+00, v6;
	v5 =	vld [tilespmem:s0+$0xFFFFFFB0]  }
0x211: {  	v6 =	vld [tilespmem:s0+$0xFFFFFFC0];
	[tilespmem:s0+$0xFFFFFF50] =	vst v0;
	v0 =	vmul.f32 $8.000000000e+00, v7  }
0x212: {  	[tilespmem:s0+$0xFFFFFF60] =	vst v2;
	v2 =	vld [tilespmem:s0+$0xFFFFFFD0];
	v1 =	vmul.f32 $8.000000000e+00, v1  }
0x213: {  	[tilespmem:s0+$0xFFFFFF70] =	vst v0;
	v0 =	vmul.f32 $8.000000000e+00, v3;
	v3 =	vld [tilespmem:s0+$0xFFFFFFE0]  }
0x214: {  	[tilespmem:s0+$0xFFFFFF80] =	vst v1;
	v1 =	vmul.f32 $8.000000000e+00, v4;
	v4 =	vld [tilespmem:s0+$0xFFFFFFF0]  }
0x215: {  	[tilespmem:s0+$0xFFFFFF90] =	vst v0;
	v0 =	vmul.f32 $8.000000000e+00, v5;
	v5 =	vld [tilespmem:s0+$0x0]  }
0x216: {  	[tilespmem:s0+$0xFFFFFFA0] =	vst v1;
	v1 =	vmul.f32 $8.000000000e+00, v6;
	v6 =	vld [tilespmem:s0+$0x10]  }
0x217: {  	[tilespmem:s0+$0xFFFFFFB0] =	vst v0;
	v0 =	vmul.f32 $8.000000000e+00, v2;
	v2 =	vld [tilespmem:s0+$0x20]  }
0x218: {  	[tilespmem:s0+$0xFFFFFFC0] =	vst v1;
	v1 =	vmul.f32 $8.000000000e+00, v3;
	v3 =	vld [tilespmem:s0+$0x30]  }
0x219: {  	[tilespmem:s0+$0xFFFFFFD0] =	vst v0;
	v0 =	vmul.f32 $8.000000000e+00, v4;
	v4 =	vld [tilespmem:s0+$0x40]  }
0x21a: {  	[tilespmem:s0+$0xFFFFFFE0] =	vst v1;
	v1 =	vmul.f32 $8.000000000e+00, v5;
	v5 =	vld [tilespmem:s0+$0x50]  }
0x21b: {  	[tilespmem:s0+$0xFFFFFFF0] =	vst v0;
	v0 =	vmul.f32 $8.000000000e+00, v6;
	v6 =	vld [tilespmem:s0+$0x60]  }
0x21c: {  	[tilespmem:s0+$0x0] =	vst v1;
	v1 =	vmul.f32 $8.000000000e+00, v2;
	v2 =	vld [tilespmem:s0+$0x70]  }
0x21d: {  	[tilespmem:s0+$0x10] =	vst v0;
	v0 =	vmul.f32 $8.000000000e+00, v3;
	v3 =	vld [tilespmem:s0+$0x80]  }
0x21e: {  	[tilespmem:s0+$0x20] =	vst v1;
	v1 =	vmul.f32 $8.000000000e+00, v4;
	v4 =	vld [tilespmem:s0+$0x90]  }
0x21f: {  	v7 =	vld [tilespmem:s0+$0xA0];
	[tilespmem:s0+$0x30] =	vst v0;
	v5 =	vmul.f32 $8.000000000e+00, v5  }
0x220: {  	v0 =	vld [tilespmem:s0+$0xB0];
	[tilespmem:s0+$0x40] =	vst v1;
	v6 =	vmul.f32 $8.000000000e+00, v6  }
0x221: {  	v1 =	vld [tilespmem:s0+$0xC0];
	[tilespmem:s0+$0x50] =	vst v5;
	v5 =	vmul.f32 $8.000000000e+00, v2  }
0x222: {  	v2 =	vld [tilespmem:s0+$0xD0];
	[tilespmem:s0+$0x60] =	vst v6;
	v6 =	vmul.f32 $8.000000000e+00, v3  }
0x223: {  	v3 =	vld [tilespmem:s0+$0xE0];
	[tilespmem:s0+$0x70] =	vst v5;
	v5 =	vmul.f32 $8.000000000e+00, v4  }
0x224: {  	s1 =	simm.s32 $0x0;
	s6 =	simm.s32 $0x19300;
	v4 =	vld [tilespmem:s0+$0xFFFFFF00];
	[tilespmem:s0+$0x80] =	vst v6;
	v6 =	vmul.f32 $8.000000000e+00, v7  }
.LBB2_15:
0x225: {  	v7 =	vld [tilespmem:s6+$0xF0];
	s1 =	sadd.s32 $0x8, s1;
	[tilespmem:s0+$0x90] =	vst v5;
	v0 =	vmul.f32 $8.000000000e+00, v0  }
0x226: {  	v5 =	vld [tilespmem:s6+$0xFFFFFF10];
	p1 =	slt.u32 s1, $0xC0;
	[tilespmem:s0+$0xA0] =	vst v6;
	v1 =	vmul.f32 $8.000000000e+00, v1  }
0x227: {  	v6 =	vld [tilespmem:s6+$0xFFFFFF20];
	[tilespmem:s0+$0xB0] =	vst v0;
	v0 =	vmul.f32 $8.000000000e+00, v2  }
0x228: {  	v2 =	vld [tilespmem:s6+$0xFFFFFF30];
	[tilespmem:s0+$0xC0] =	vst v1;
	v1 =	vmul.f32 $8.000000000e+00, v3  }
0x229: {  	v3 =	vld [tilespmem:s6+$0xFFFFFF40];
	v4 =	vmul.f32 $8.000000000e+00, v4;
	[tilespmem:s0+$0xD0] =	vst v0  }
0x22a: {  	v0 =	vld [tilespmem:s6+$0xFFFFFF50];
	v7 =	vmul.f32 $8.000000000e+00, v7;
	[tilespmem:s0+$0xE0] =	vst v1  }
0x22b: {  	v1 =	vmul.f32 $8.000000000e+00, v5;
	v5 =	vld [tilespmem:s6+$0xFFFFFF60];
	[tilespmem:s0+$0xFFFFFF00] =	vst v4;
	s0 =	smov.u32 s6  }
0x22c: {  	v4 =	vmul.f32 $8.000000000e+00, v6;
	v6 =	vld [tilespmem:s6+$0xFFFFFF70];
	[tilespmem:s6+$0xF0] =	vst v7  }
0x22d: {  	[tilespmem:s6+$0xFFFFFF10] =	vst v1;
	v1 =	vmul.f32 $8.000000000e+00, v2;
	v2 =	vld [tilespmem:s6+$0xFFFFFF80]  }
0x22e: {  	[tilespmem:s6+$0xFFFFFF20] =	vst v4;
	v3 =	vmul.f32 $8.000000000e+00, v3;
	v4 =	vld [tilespmem:s6+$0xFFFFFF90]  }
0x22f: {  	[tilespmem:s6+$0xFFFFFF30] =	vst v1;
	v0 =	vmul.f32 $8.000000000e+00, v0;
	v1 =	vld [tilespmem:s6+$0xFFFFFFA0]  }
0x230: {  	[tilespmem:s6+$0xFFFFFF40] =	vst v3;
	v3 =	vmul.f32 $8.000000000e+00, v5;
	v5 =	vld [tilespmem:s6+$0xFFFFFFB0]  }
0x231: {  	[tilespmem:s6+$0xFFFFFF50] =	vst v0;
	v0 =	vmul.f32 $8.000000000e+00, v6;
	v6 =	vld [tilespmem:s6+$0xFFFFFFC0]  }
0x232: {  	[tilespmem:s6+$0xFFFFFF60] =	vst v3;
	v2 =	vmul.f32 $8.000000000e+00, v2;
	v3 =	vld [tilespmem:s6+$0xFFFFFFD0]  }
0x233: {  	[tilespmem:s6+$0xFFFFFF70] =	vst v0;
	v0 =	vmul.f32 $8.000000000e+00, v4;
	v4 =	vld [tilespmem:s6+$0xFFFFFFE0]  }
0x234: {  	[tilespmem:s6+$0xFFFFFF80] =	vst v2;
	v1 =	vmul.f32 $8.000000000e+00, v1;
	v2 =	vld [tilespmem:s6+$0xFFFFFFF0]  }
0x235: {  	[tilespmem:s6+$0xFFFFFF90] =	vst v0;
	v0 =	vmul.f32 $8.000000000e+00, v5;
	v5 =	vld [tilespmem:s6+$0x0]  }
0x236: {  	[tilespmem:s6+$0xFFFFFFA0] =	vst v1;
	v1 =	vmul.f32 $8.000000000e+00, v6;
	v6 =	vld [tilespmem:s6+$0x10]  }
0x237: {  	[tilespmem:s6+$0xFFFFFFB0] =	vst v0;
	v0 =	vmul.f32 $8.000000000e+00, v3;
	v3 =	vld [tilespmem:s6+$0x20]  }
0x238: {  	[tilespmem:s6+$0xFFFFFFC0] =	vst v1;
	v1 =	vmul.f32 $8.000000000e+00, v4;
	v4 =	vld [tilespmem:s6+$0x30]  }
0x239: {  	[tilespmem:s6+$0xFFFFFFD0] =	vst v0;
	v0 =	vmul.f32 $8.000000000e+00, v2;
	v2 =	vld [tilespmem:s6+$0x40]  }
0x23a: {  	[tilespmem:s6+$0xFFFFFFE0] =	vst v1;
	v1 =	vmul.f32 $8.000000000e+00, v5;
	v5 =	vld [tilespmem:s6+$0x50]  }
0x23b: {  	[tilespmem:s6+$0xFFFFFFF0] =	vst v0;
	v0 =	vmul.f32 $8.000000000e+00, v6;
	v6 =	vld [tilespmem:s6+$0x60]  }
0x23c: {  	[tilespmem:s6+$0x0] =	vst v1;
	v1 =	vmul.f32 $8.000000000e+00, v3;
	v3 =	vld [tilespmem:s6+$0x70]  }
0x23d: {  	[tilespmem:s6+$0x10] =	vst v0;
	v0 =	vmul.f32 $8.000000000e+00, v4;
	v4 =	vld [tilespmem:s6+$0x80]  }
0x23e: {  	[tilespmem:s6+$0x20] =	vst v1;
	v1 =	vmul.f32 $8.000000000e+00, v2;
	v7 =	vld [tilespmem:s6+$0x90]  }
0x23f: {  	[tilespmem:s6+$0x30] =	vst v0;
	v2 =	vmul.f32 $8.000000000e+00, v5;
	v8 =	vld [tilespmem:s6+$0xA0]  }
.Ltmp6:
0x240: {  	[tilespmem:s6+$0x40] =	vst v1;
	v5 =	vmul.f32 $8.000000000e+00, v6;
	v0 =	vld [tilespmem:s6+$0xB0];
	(pc) =	sbr.rel @p1 .LBB2_15-.Ltmp6, $4  }
0x241: {  	[tilespmem:s6+$0x50] =	vst v2;
	v3 =	vmul.f32 $8.000000000e+00, v3;
	v1 =	vld [tilespmem:s6+$0xC0]  }
0x242: {  	[tilespmem:s6+$0x60] =	vst v5;
	v6 =	vmul.f32 $8.000000000e+00, v4;
	v2 =	vld [tilespmem:s6+$0xD0]  }
0x243: {  	[tilespmem:s6+$0x70] =	vst v3;
	v5 =	vmul.f32 $8.000000000e+00, v7;
	v3 =	vld [tilespmem:s6+$0xE0]  }
0x244: {  	s6 =	sadd.s32 $0x200, s6;
	v4 =	vld [tilespmem:s0+$0xFFFFFF00];
	[tilespmem:s0+$0x80] =	vst v6;
	v6 =	vmul.f32 $8.000000000e+00, v8  }
0x245: {  	[tilespmem:s0+$0x90] =	vst v5;
	v0 =	vmul.f32 $8.000000000e+00, v0  }
0x246: {  	[tilespmem:s0+$0xA0] =	vst v6;
	v1 =	vmul.f32 $8.000000000e+00, v1  }
0x247: {  	[tilespmem:s0+$0xB0] =	vst v0;
	v0 =	vmul.f32 $8.000000000e+00, v2  }
0x248: {  	s1 =	sadd.s32 s5, s12;
	[tilespmem:s0+$0xC0] =	vst v1;
	v1 =	vmul.f32 $8.000000000e+00, v3  }
0x249: {  	s1 =	smul.u32 $0xC80, s1;
	v2 =	vmul.f32 $8.000000000e+00, v4;
	[tilespmem:s0+$0xD0] =	vst v0  }
0x24a: {  	[tilespmem:s0+$0xE0] =	vst v1  }
0x24b: {  	s12 =	sadd.s32 s4, s1;
	[tilespmem:s0+$0xFFFFFF00] =	vst v2;
	s0 =	simm.s32 @!p0 $0xC  }
0x24c: {  	[hbm4b:s12+s18] =	stream.strided.scatter [tilespmem:s22], [sflag:$0xF], $0x3200, s19, s18, $0x38;
	[tilespmem:$0x1F400] =	vst v63  }
0x24d: {  	_ =	swait.ge @!p0 [sflag:s0], $0x3200  }
0x24e: {  	s1 =	simm.s32 @!p0 $0xC8;
	[sflag:s0] =	ssyncset.done @!p0 $0x0  }
0x24f: {  	[sflag:s0] =	ssyncadd.s32 @!p0 $0xFFFFCE00;
	s0 =	sadd.s32 @!p0 $0x898, s2;
	s2 =	simm.s32 @!p0 $0xFA00  }
0x250: {  	[tilespmem:s2], [sflag:$0x4] =	stream.indirect.gather @!p0 [hbm4b:s3+s1], $0x40, s0, s1, $0xb8;
	[tilespmem:$0x1F400] =	vst v63  }
0x251: {  	_ =	swait.ge [sflag:s30], $0x3200  }
0x252: {  	[sflag:s30] =	ssyncset.done $0x0  }
0x253: {  	s0 =	simm.s32 $0x1C300;
	[sflag:s30] =	ssyncadd.s32 $0xFFFFCE00  }
0x254: {  	v0 =	vld [tilespmem:s0+$0xF0]  }
0x255: {  	v1 =	vld [tilespmem:s0+$0xFFFFFF10]  }
0x256: {  	v2 =	vld [tilespmem:s0+$0xFFFFFF20]  }
0x257: {  	v3 =	vld [tilespmem:s0+$0xFFFFFF30]  }
0x258: {  	v4 =	vld [tilespmem:s0+$0xFFFFFF40]  }
0x259: {  	v5 =	vld [tilespmem:s0+$0xFFFFFF50];
	v0 =	vmul.f32 $8.000000000e+00, v0  }
0x25a: {  	v6 =	vld [tilespmem:s0+$0xFFFFFF60];
	v1 =	vmul.f32 $8.000000000e+00, v1  }
0x25b: {  	v7 =	vld [tilespmem:s0+$0xFFFFFF70];
	v2 =	vmul.f32 $8.000000000e+00, v2;
	[tilespmem:s0+$0xF0] =	vst v0  }
0x25c: {  	[tilespmem:s0+$0xFFFFFF10] =	vst v1;
	v0 =	vmul.f32 $8.000000000e+00, v3;
	v1 =	vld [tilespmem:s0+$0xFFFFFF80]  }
0x25d: {  	[tilespmem:s0+$0xFFFFFF20] =	vst v2;
	v2 =	vmul.f32 $8.000000000e+00, v4;
	v3 =	vld [tilespmem:s0+$0xFFFFFF90]  }
0x25e: {  	v4 =	vld [tilespmem:s0+$0xFFFFFFA0];
	[tilespmem:s0+$0xFFFFFF30] =	vst v0;
	v0 =	vmul.f32 $8.000000000e+00, v5  }
0x25f: {  	[tilespmem:s0+$0xFFFFFF40] =	vst v2;
	v2 =	vmul.f32 $8.000000000e+00, v6;
	v5 =	vld [tilespmem:s0+$0xFFFFFFB0]  }
0x260: {  	v6 =	vld [tilespmem:s0+$0xFFFFFFC0];
	[tilespmem:s0+$0xFFFFFF50] =	vst v0;
	v0 =	vmul.f32 $8.000000000e+00, v7  }
0x261: {  	[tilespmem:s0+$0xFFFFFF60] =	vst v2;
	v2 =	vld [tilespmem:s0+$0xFFFFFFD0];
	v1 =	vmul.f32 $8.000000000e+00, v1  }
0x262: {  	[tilespmem:s0+$0xFFFFFF70] =	vst v0;
	v0 =	vmul.f32 $8.000000000e+00, v3;
	v3 =	vld [tilespmem:s0+$0xFFFFFFE0]  }
0x263: {  	[tilespmem:s0+$0xFFFFFF80] =	vst v1;
	v1 =	vmul.f32 $8.000000000e+00, v4;
	v4 =	vld [tilespmem:s0+$0xFFFFFFF0]  }
0x264: {  	[tilespmem:s0+$0xFFFFFF90] =	vst v0;
	v0 =	vmul.f32 $8.000000000e+00, v5;
	v5 =	vld [tilespmem:s0+$0x0]  }
0x265: {  	[tilespmem:s0+$0xFFFFFFA0] =	vst v1;
	v1 =	vmul.f32 $8.000000000e+00, v6;
	v6 =	vld [tilespmem:s0+$0x10]  }
0x266: {  	[tilespmem:s0+$0xFFFFFFB0] =	vst v0;
	v0 =	vmul.f32 $8.000000000e+00, v2;
	v2 =	vld [tilespmem:s0+$0x20]  }
0x267: {  	[tilespmem:s0+$0xFFFFFFC0] =	vst v1;
	v1 =	vmul.f32 $8.000000000e+00, v3;
	v3 =	vld [tilespmem:s0+$0x30]  }
0x268: {  	[tilespmem:s0+$0xFFFFFFD0] =	vst v0;
	v0 =	vmul.f32 $8.000000000e+00, v4;
	v4 =	vld [tilespmem:s0+$0x40]  }
0x269: {  	[tilespmem:s0+$0xFFFFFFE0] =	vst v1;
	v1 =	vmul.f32 $8.000000000e+00, v5;
	v5 =	vld [tilespmem:s0+$0x50]  }
0x26a: {  	[tilespmem:s0+$0xFFFFFFF0] =	vst v0;
	v0 =	vmul.f32 $8.000000000e+00, v6;
	v6 =	vld [tilespmem:s0+$0x60]  }
0x26b: {  	[tilespmem:s0+$0x0] =	vst v1;
	v1 =	vmul.f32 $8.000000000e+00, v2;
	v2 =	vld [tilespmem:s0+$0x70]  }
0x26c: {  	[tilespmem:s0+$0x10] =	vst v0;
	v0 =	vmul.f32 $8.000000000e+00, v3;
	v3 =	vld [tilespmem:s0+$0x80]  }
0x26d: {  	[tilespmem:s0+$0x20] =	vst v1;
	v1 =	vmul.f32 $8.000000000e+00, v4;
	v4 =	vld [tilespmem:s0+$0x90]  }
0x26e: {  	v7 =	vld [tilespmem:s0+$0xA0];
	[tilespmem:s0+$0x30] =	vst v0;
	v5 =	vmul.f32 $8.000000000e+00, v5  }
0x26f: {  	v0 =	vld [tilespmem:s0+$0xB0];
	[tilespmem:s0+$0x40] =	vst v1;
	v6 =	vmul.f32 $8.000000000e+00, v6  }
0x270: {  	v1 =	vld [tilespmem:s0+$0xC0];
	[tilespmem:s0+$0x50] =	vst v5;
	v5 =	vmul.f32 $8.000000000e+00, v2  }
0x271: {  	v2 =	vld [tilespmem:s0+$0xD0];
	[tilespmem:s0+$0x60] =	vst v6;
	v6 =	vmul.f32 $8.000000000e+00, v3  }
0x272: {  	v3 =	vld [tilespmem:s0+$0xE0];
	[tilespmem:s0+$0x70] =	vst v5;
	v5 =	vmul.f32 $8.000000000e+00, v4  }
0x273: {  	s1 =	simm.s32 $0x0;
	s2 =	simm.s32 $0x1C500;
	v4 =	vld [tilespmem:s0+$0xFFFFFF00];
	[tilespmem:s0+$0x80] =	vst v6;
	v6 =	vmul.f32 $8.000000000e+00, v7  }
.LBB2_17:
0x274: {  	v7 =	vld [tilespmem:s2+$0xF0];
	s1 =	sadd.s32 $0x8, s1;
	[tilespmem:s0+$0x90] =	vst v5;
	v0 =	vmul.f32 $8.000000000e+00, v0  }
0x275: {  	v5 =	vld [tilespmem:s2+$0xFFFFFF10];
	p0 =	slt.u32 s1, $0xC0;
	[tilespmem:s0+$0xA0] =	vst v6;
	v1 =	vmul.f32 $8.000000000e+00, v1  }
0x276: {  	v6 =	vld [tilespmem:s2+$0xFFFFFF20];
	[tilespmem:s0+$0xB0] =	vst v0;
	v0 =	vmul.f32 $8.000000000e+00, v2  }
0x277: {  	v2 =	vld [tilespmem:s2+$0xFFFFFF30];
	[tilespmem:s0+$0xC0] =	vst v1;
	v1 =	vmul.f32 $8.000000000e+00, v3  }
0x278: {  	v3 =	vld [tilespmem:s2+$0xFFFFFF40];
	v4 =	vmul.f32 $8.000000000e+00, v4;
	[tilespmem:s0+$0xD0] =	vst v0  }
0x279: {  	v0 =	vld [tilespmem:s2+$0xFFFFFF50];
	v7 =	vmul.f32 $8.000000000e+00, v7;
	[tilespmem:s0+$0xE0] =	vst v1  }
0x27a: {  	v1 =	vmul.f32 $8.000000000e+00, v5;
	v5 =	vld [tilespmem:s2+$0xFFFFFF60];
	[tilespmem:s0+$0xFFFFFF00] =	vst v4;
	s0 =	smov.u32 s2  }
0x27b: {  	v4 =	vmul.f32 $8.000000000e+00, v6;
	v6 =	vld [tilespmem:s2+$0xFFFFFF70];
	[tilespmem:s2+$0xF0] =	vst v7  }
0x27c: {  	[tilespmem:s2+$0xFFFFFF10] =	vst v1;
	v1 =	vmul.f32 $8.000000000e+00, v2;
	v2 =	vld [tilespmem:s2+$0xFFFFFF80]  }
0x27d: {  	[tilespmem:s2+$0xFFFFFF20] =	vst v4;
	v3 =	vmul.f32 $8.000000000e+00, v3;
	v4 =	vld [tilespmem:s2+$0xFFFFFF90]  }
0x27e: {  	[tilespmem:s2+$0xFFFFFF30] =	vst v1;
	v0 =	vmul.f32 $8.000000000e+00, v0;
	v1 =	vld [tilespmem:s2+$0xFFFFFFA0]  }
0x27f: {  	[tilespmem:s2+$0xFFFFFF40] =	vst v3;
	v3 =	vmul.f32 $8.000000000e+00, v5;
	v5 =	vld [tilespmem:s2+$0xFFFFFFB0]  }
0x280: {  	[tilespmem:s2+$0xFFFFFF50] =	vst v0;
	v0 =	vmul.f32 $8.000000000e+00, v6;
	v6 =	vld [tilespmem:s2+$0xFFFFFFC0]  }
0x281: {  	[tilespmem:s2+$0xFFFFFF60] =	vst v3;
	v2 =	vmul.f32 $8.000000000e+00, v2;
	v3 =	vld [tilespmem:s2+$0xFFFFFFD0]  }
0x282: {  	[tilespmem:s2+$0xFFFFFF70] =	vst v0;
	v0 =	vmul.f32 $8.000000000e+00, v4;
	v4 =	vld [tilespmem:s2+$0xFFFFFFE0]  }
0x283: {  	[tilespmem:s2+$0xFFFFFF80] =	vst v2;
	v1 =	vmul.f32 $8.000000000e+00, v1;
	v2 =	vld [tilespmem:s2+$0xFFFFFFF0]  }
0x284: {  	[tilespmem:s2+$0xFFFFFF90] =	vst v0;
	v0 =	vmul.f32 $8.000000000e+00, v5;
	v5 =	vld [tilespmem:s2+$0x0]  }
0x285: {  	[tilespmem:s2+$0xFFFFFFA0] =	vst v1;
	v1 =	vmul.f32 $8.000000000e+00, v6;
	v6 =	vld [tilespmem:s2+$0x10]  }
0x286: {  	[tilespmem:s2+$0xFFFFFFB0] =	vst v0;
	v0 =	vmul.f32 $8.000000000e+00, v3;
	v3 =	vld [tilespmem:s2+$0x20]  }
0x287: {  	[tilespmem:s2+$0xFFFFFFC0] =	vst v1;
	v1 =	vmul.f32 $8.000000000e+00, v4;
	v4 =	vld [tilespmem:s2+$0x30]  }
0x288: {  	[tilespmem:s2+$0xFFFFFFD0] =	vst v0;
	v0 =	vmul.f32 $8.000000000e+00, v2;
	v2 =	vld [tilespmem:s2+$0x40]  }
0x289: {  	[tilespmem:s2+$0xFFFFFFE0] =	vst v1;
	v1 =	vmul.f32 $8.000000000e+00, v5;
	v5 =	vld [tilespmem:s2+$0x50]  }
0x28a: {  	[tilespmem:s2+$0xFFFFFFF0] =	vst v0;
	v0 =	vmul.f32 $8.000000000e+00, v6;
	v6 =	vld [tilespmem:s2+$0x60]  }
0x28b: {  	[tilespmem:s2+$0x0] =	vst v1;
	v1 =	vmul.f32 $8.000000000e+00, v3;
	v3 =	vld [tilespmem:s2+$0x70]  }
0x28c: {  	[tilespmem:s2+$0x10] =	vst v0;
	v0 =	vmul.f32 $8.000000000e+00, v4;
	v4 =	vld [tilespmem:s2+$0x80]  }
0x28d: {  	[tilespmem:s2+$0x20] =	vst v1;
	v1 =	vmul.f32 $8.000000000e+00, v2;
	v7 =	vld [tilespmem:s2+$0x90]  }
0x28e: {  	[tilespmem:s2+$0x30] =	vst v0;
	v2 =	vmul.f32 $8.000000000e+00, v5;
	v8 =	vld [tilespmem:s2+$0xA0]  }
.Ltmp7:
0x28f: {  	[tilespmem:s2+$0x40] =	vst v1;
	v5 =	vmul.f32 $8.000000000e+00, v6;
	v0 =	vld [tilespmem:s2+$0xB0];
	(pc) =	sbr.rel @p0 .LBB2_17-.Ltmp7, $4  }
0x290: {  	[tilespmem:s2+$0x50] =	vst v2;
	v3 =	vmul.f32 $8.000000000e+00, v3;
	v1 =	vld [tilespmem:s2+$0xC0]  }
0x291: {  	[tilespmem:s2+$0x60] =	vst v5;
	v6 =	vmul.f32 $8.000000000e+00, v4;
	v2 =	vld [tilespmem:s2+$0xD0]  }
0x292: {  	[tilespmem:s2+$0x70] =	vst v3;
	v5 =	vmul.f32 $8.000000000e+00, v7;
	v3 =	vld [tilespmem:s2+$0xE0]  }
0x293: {  	s2 =	sadd.s32 $0x200, s2;
	v4 =	vld [tilespmem:s0+$0xFFFFFF00];
	[tilespmem:s0+$0x80] =	vst v6;
	v6 =	vmul.f32 $8.000000000e+00, v8  }
0x294: {  	[tilespmem:s0+$0x90] =	vst v5;
	v0 =	vmul.f32 $8.000000000e+00, v0  }
0x295: {  	s31 =	sadd.s32 $0x1, s31;
	[tilespmem:s0+$0xA0] =	vst v6;
	v1 =	vmul.f32 $8.000000000e+00, v1  }
0x296: {  	p0 =	sne.s32 s31, $0x10;
	[tilespmem:s0+$0xB0] =	vst v0;
	v61 =	vmul.f32 $8.000000000e+00, v2  }
.Ltmp8:
0x297: {  	s1 =	sadd.s32 s5, s14;
	[tilespmem:s0+$0xC0] =	vst v1;
	v62 =	vmul.f32 $8.000000000e+00, v3;
	(pc) =	sbr.rel @p0 .LBB2_2-.Ltmp8, $4  }
0x298: {  	s1 =	smul.u32 $0xC80, s1;
	v63 =	vmul.f32 $8.000000000e+00, v4;
	[tilespmem:s0+$0xD0] =	vst v61  }
0x299: {  	[tilespmem:s0+$0xE0] =	vst v62  }
0x29a: {  	s14 =	sadd.s32 s4, s1;
	[tilespmem:s0+$0xFFFFFF00] =	vst v63  }
0x29b: {  	[hbm4b:s14+s18] =	stream.strided.scatter [tilespmem:s24], [sflag:$0x10], $0x3200, s19, s18, $0x38;
	[tilespmem:$0x1F400] =	vst v63  }
0x29c: {  	s0 =	simm.s32 $0x9  }
0x29d: {  	_ =	swait.ge [sflag:s0], $0x3200  }
0x29e: {  	[sflag:s0] =	ssyncset.done $0x0  }
0x29f: {  	s2 =	simm.s32 $0xA;
	[sflag:s0] =	ssyncadd.s32 $0xFFFFCE00  }
0x2a0: {  	_ =	swait.ge [sflag:s2], $0x3200  }
0x2a1: {  	[sflag:s2] =	ssyncset.done $0x0  }
0x2a2: {  	s6 =	simm.s32 $0xB;
	[sflag:s2] =	ssyncadd.s32 $0xFFFFCE00  }
0x2a3: {  	_ =	swait.ge [sflag:s6], $0x3200  }
0x2a4: {  	[sflag:s6] =	ssyncset.done $0x0  }
0x2a5: {  	s7 =	simm.s32 $0xC;
	[sflag:s6] =	ssyncadd.s32 $0xFFFFCE00  }
0x2a6: {  	_ =	swait.ge [sflag:s7], $0x3200  }
0x2a7: {  	[sflag:s7] =	ssyncset.done $0x0  }
0x2a8: {  	s8 =	simm.s32 $0xD;
	[sflag:s7] =	ssyncadd.s32 $0xFFFFCE00  }
0x2a9: {  	_ =	swait.ge [sflag:s8], $0x3200  }
0x2aa: {  	[sflag:s8] =	ssyncset.done $0x0  }
0x2ab: {  	s12 =	simm.s32 $0xE;
	[sflag:s8] =	ssyncadd.s32 $0xFFFFCE00  }
0x2ac: {  	_ =	swait.ge [sflag:s12], $0x3200  }
0x2ad: {  	[sflag:s12] =	ssyncset.done $0x0  }
0x2ae: {  	s14 =	simm.s32 $0xF;
	[sflag:s12] =	ssyncadd.s32 $0xFFFFCE00  }
0x2af: {  	_ =	swait.ge [sflag:s14], $0x3200  }
0x2b0: {  	[sflag:s14] =	ssyncset.done $0x0  }
0x2b1: {  	s1 =	simm.s32 $0x10;
	[sflag:s14] =	ssyncadd.s32 $0xFFFFCE00  }
0x2b2: {  	_ =	swait.ge [sflag:s1], $0x3200  }
0x2b3: {  	s2 =	rddreg [dreg:$0x5]  }
0x2b4: {  	s31 =	rddreg [dreg:$0x4];
	s2 =	sadd.s32 $0x1, s2  }
0x2b5: {  	p0 =	sne.s32 s2, s31  }
.Ltmp9:
0x2b6: {  	_ = 	snop;
	(pc) =	sbr.rel @p0 .LBB2_1-.Ltmp9, $3  }
0x2b7: {  	_ =	sdelay $0x1  }
0x2b8: {  	[sflag:s1] =	ssyncset.done $0x0  }
0x2b9: {  	[sflag:s1] =	ssyncadd.s32 $0xFFFFCE00  }
0x2ba: {  	_ =	sfence.sel $0x180000  }
0x2bb: {  	[bflag:$0x0] =	sbarrier.arrive $0xFFFF  }
0x2bc: {  	_ =	strace $0x90000047  }
0x2bd: {  	s0 =	stileid.u32;
	[bflag:$0x2] =	sbarrier.arrive $0xFFFF  }
0x2be: {  	p0 =	sne.s32 s0, $0x0;
	s0 =	rddreg [dreg:$0x2]  }
0x2bf: {  	s0 =	sadd.s32 @!p0 $0x100000, s0  }
0x2c0: {  	[sflag:s0] =	ssyncadd.tile.s32 @!p0 $0x1;
	_ =	shalt  }
.Lfunc_end2:
_tile_overlayer_lowered:
.L_overlay_start_2:
0x2c1: {  	(tag) =	ssettag $0x2  }
0x2c2: {  	s0 =	rddreg [dreg:$0x0];
	s2 =	stileid.u32  }
0x2c3: {  	s1 =	rddreg [dreg:$0x1];
	p0 =	sne.s32 s2, $0x0  }
0x2c4: {  	s3 =	rddreg [dreg:$0x2];
	[bflag:$0x3] =	sbarrier.arrive $0xFFFF;
	s2 =	simm.s32 @!p0 $0x1C11  }
0x2c5: {  	[timem:s3], [sflag:s2] =	dma.local @!p0 [hbm:s0], s1  }
0x2c6: {  	s0 =	simm.s32 @!p0 $0x11  }
0x2c7: {  	_ =	swait.ge @!p0 [sflag:s0], s1  }
0x2c8: {  	s1 =	ssub.s32 @!p0 $0x0, s1;
	[sflag:s0] =	ssyncset.done @!p0 $0x0  }
0x2c9: {  	[sflag:s0] =	ssyncadd.s32 @!p0 s1  }
0x2ca: {  	[bflag:$0x3] =	sbarrier.arrive $0xFFFF  }
0x2cb: {  	_ =	shalt  }

// kernel: sparse-core-data-format-call.cloned.1.call-start
scs
called_computation_lowered:
.L_overlay_start_0:
0x0: {  	s2 =	sld [smem:$0x3FD9]  }
0x1: {  	s3 =	sld [smem:$0x3FFE];
	_ =	sdelay $0x1  }
0x2: {  	s1 =	srdreg.scid  }
0x3: {  	s0 =	sand.u32 $0x1, s1  }
0x4: {  	s18 =	sshll.u32 s0, $0xA;
	s2 =	sadd.s32 s3, s2  }
0x5: {  	s2 =	sadd.s32 s2, s18  }
0x6: {  	[smem:$0x3FC6] =	sst s2  }
0x7: {  	_ = 	snop  }
0x8: {  	s2 =	sld [smem:$0x3FD0];
	(tm) =	ssettm $0x1  }
0x9: {  	s19 =	sld [smem:$0x3FFB];
	_ =	sdelay $0x3  }
0xa: {  	_ =	strace s19  }
0xb: {  	s3 =	sld [smem:$0x3FFC];
	_ =	sdelay $0x3  }
0xc: {  	_ =	strace s3  }
0xd: {  	s3 =	sld [smem:$0x3FFD];
	_ =	sdelay $0x3  }
0xe: {  	_ =	strace s3  }
0xf: {  	_ =	strace $0x8FFFFFFF  }
0x10: {  	s20 =	sld [smem:$0x3FDB];
	_ =	sdelay $0x1  }
0x11: {  	s4 =	simm.s32 $_scs_section_size  }
0x12: {  	s5 =	simm.s32 $_size__tile_overlayer_lowered;
	s6 =	simm.s32 $_tile_overlayer_lowered  }
0x13: {  	s23 =	simm.s32 $0x1BFF;
	s22 =	sshll.u32 s6, $0x1;
	s3 =	sadd.s32 s4, s20  }
0x14: {  	s7 =	simm.s32 $0x0;
	s21 =	sshll.u32 s5, $0x1;
	s5 =	sadd.s32 s22, s3  }
0x15: {  	[timem:s7], [sflag:s23] =	dma.local [hbm:s5], s21  }
0x16: {  	_ =	swait.ge [sflag:s23], s21  }
0x17: {  	s4 =	ssub.s32 $0x0, s21;
	[sflag:s23] =	ssyncset.done $0x0  }
0x18: {  	[sflag:s23] =	ssyncadd.s32 s4;
	_ =	sdelay $0x1  }
0x19: {  	s24 =	simm.s32 $0x1B8B  }
0x1a: {  	_ =	swait.ge [sflag:s24], $0x1  }
0x1b: {  	[sflag:s24] =	ssyncset.done $0x0  }
0x1c: {  	s26 =	simm.s32 $0x1B8E;
	s25 =	sld [smem:$0x3FFE];
	[sflag:s24] =	ssyncadd.s32 $0xFFFFFFFF  }
0x1d: {  	s27 =	simm.s32 $execute0_lowered;
	[smem:$0x3FD2] =	sst s26  }
0x1e: {  	s5 =	sshll.u32 s27, $0x1;
	_ =	strace $0x80000049;
	[dreg:$0x1] =	wrdreg $0xFFFFFFFF  }
0x1f: {  	s28 =	simm.s32 $_size_execute0_lowered;
	s3 =	sadd.s32 s3, s5;
	[dreg:$0x0] =	wrdreg $0x0  }
0x20: {  	s5 =	sshll.u32 s28, $0x1;
	[dreg:$0x2] =	wrdreg s3  }
0x21: {  	[dreg:$0x3] =	wrdreg s5  }
0x22: {  	[dreg:$0x4] =	wrdreg $0xC0  }
0x23: {  	_ =	task [dreg:s7], $0x5FFFF  }
0x24: {  	[dreg:$0x1] =	wrdreg $0xFFFFFFFF  }
0x25: {  	[dreg:$0x0] =	wrdreg $0x60  }
0x26: {  	[dreg:$0x2] =	wrdreg s25  }
0x27: {  	[dreg:$0x3] =	wrdreg s2  }
0x28: {  	[dreg:$0x4] =	wrdreg $0x9  }
0x29: {  	_ =	task.clear_ibuf [dreg:s7], $0x5FFFF;
	_ =	strace $0x90000049  }
0x2a: {  	s29 =	simm.s32 $0x9;
	_ =	strace $0x8000004B  }
0x2b: {  	_ =	swait.ge [sflag:s29], $0x1  }
0x2c: {  	[sflag:s29] =	ssyncadd.s32 $0xFFFFFFFF  }
0x2d: {  	_ =	strace $0x9000004B  }
0x2e: {  	_ =	sfence  }
0x2f: {  	s30 =	sld [smem:$0x0];
	_ =	sdelay $0x2  }
0x30: {  	s31 =	sshll.u32 s1, $0xD;
	s1 =	sshrl.u32 s1, $0x2  }
0x31: {  	s3 =	sand.u32 $0x4000, s31;
	s1 =	sadd.s32 s1, s30  }
0x32: {  	s0 =	sor.u32 s3, s0;
	s1 =	sshll.u32 s1, $0x11  }
0x33: {  	s0 =	sor.u32 s1, s0  }
0x34: {  	s0 =	sadd.s32 $0x8F2B, s0  }
0x35: {  	[sflag:s0] =	ssyncadd.remote.s32 $0x1  }
0x36: {  	_ =	sfence.sel $0xFFFF  }
0x37: {  	[dreg:$0x0] =	wrdreg $0xFFFFFFFF;
	(pc) =	sbr.abs _section_cstart, $3  }
0x38: {  	[dreg:$0x1] =	wrdreg $0xFFFFFFFF  }
0x39: {  	_ =	task.clear_ibuf [dreg:s7], $0x2FFFF;
	_ =	strace $0x9FFFFFFF  }
0x3a: {  	(tm) =	ssettm $0x7FFFFFFF  }
0x3b: {  	_ =	shalt  }
tec
execute0_lowered:
.L_overlay_start_1:
0x0: {  	(tag) =	ssettag $0x1  }
0x1: {  	s0 =	srdreg.scid  }
0x2: {  	s1 =	sshll.u32 s0, $0x4  }
0x3: {  	s0 =	stileid.u32;
	s1 =	sand.u32 $0x10, s1  }
0x4: {  	s1 =	sor.u32 s0, s1  }
0x5: {  	s6 =	rddreg [dreg:$0x0];
	s4 =	simm.s32 $0x1;
	s2 =	sshll.u32 s1, $0x7  }
0x6: {  	s7 =	simm.s32 $0x2;
	s12 =	simm.s32 $0x0;
	s1 =	ssub.s32 $0x1000, s2  }
0x7: {  	s8 =	simm.s32 $0x8000;
	s13 =	simm.s32 $0x0;
	s3 =	sand.u32 $0xF80, s1  }
0x8: {  	s9 =	simm.s32 $0x0;
	s5 =	sshrl.u32 s1, $0xC;
	p0 =	sne.s32 s3, $0x0  }
.Ltmp0:
0x9: {  	s1 =	rddreg [dreg:$0x2];
	s4 =	simm.s32 @!p0 $0x0;
	(pc) =	sbr.rel .LBB1_1-.Ltmp0, $4  }
0xa: {  	s11 =	simm.s32 $0x0;
	s3 =	rddreg [dreg:$0x1];
	s5 =	sadd.s32 s4, s5  }
0xb: {  	_ =	strace $0x8000004A;
	s4 =	simm.s32 $0x1;
	s5 =	smul.u32 $0xC8, s5  }
0xc: {  	s6 =	sadd.s32 $0xA00, s6;
	s10 =	smov.u32 s2;
	[sflag:s4] =	ssyncpa.u1 $0x0  }
0xd: {  	p0 =	por $0x0, $0x0;
	[sflag:s7] =	ssyncpa.u1 $0x0;
	s7 =	sor.u32 $0x1, s5  }
.LBB1_4:
0xe: {  	s16 =	sshll.u32 s13, $0x3;
	s17 =	sand.u32 $0x78, s13  }
0xf: {  	s30 =	sand.u32 $0x7E00, s13;
	s12 =	sshll.u32 s12, $0xF;
	s16 =	sand.u32 $0xC00, s16  }
0x10: {  	[tilespmem:s15+$0x810 ss:$0x81] =	vst.msk $0xffff, v2;
	s31 =	sand.u32 $0x7, s13;
	s16 =	sor.u32 s17, s16;
	s17 =	sadd.s32 s3, s30  }
0x11: {  	[tilespmem:s15+$0x1020 ss:$0x81] =	vst.msk $0xffff, v0;
	s13 =	sshll.u32 s31, $0x12;
	s12 =	sadd.s32 s12, s17;
	s16 =	sshrl.u32 s16, $0x3  }
0x12: {  	[tilespmem:s15+$0x0 ss:$0x81] =	vst.msk $0xffff, v1;
	s13 =	sor.u32 $0x400, s13;
	s12 =	sadd.s32 s16, s12  }
0x13: {  	[hbm4b:s12+s13] =	stream.strided.scatter [tilespmem:s14], [sflag:$0x2], $0x2000, s8, s13, $0x20;
	[tilespmem:$0x8080] =	vst v63  }
.LBB1_5:
0x14: {  	s14 =	sadd.s32 $0x1, s9  }
0x15: {  	s12 =	sadd.s32 $0x1000, s10;
	s16 =	smov.u32 s10;
	p2 =	sgt.s32 s14, $0xC7  }
0x16: {  	s16 =	smov.u32 @p2 s12  }
0x17: {  	s14 =	simm.s32 @p2 $0x0;
	p2 =	sgt.s32 s16, $0xFFF  }
0x18: {  	s16 =	smov.u32 @p2 s2;
	p2 =	sne.s32 s11, s7  }
.Ltmp1:
0x19: {  	p1 =	slt.u32 s11, $0x2;
	(pc) =	sbr.rel @!p2 .LBB1_6-.Ltmp1, $4  }
0x1a: {  	s15 =	simm.s32 @!p1 $0x2  }
0x1b: {  	s13 =	smov.u32 s10;
	p0 =	por !p0, !p0;
	_ =	swait.ge @!p1 [sflag:s15], $0x2000  }
0x1c: {  	s12 =	smov.u32 s9;
	[sflag:s15] =	ssyncset.done @!p1 $0x0;
	s9 =	smov.u32 s14  }
0x1d: {  	s11 =	sadd.s32 $0x1, s11;
	[sflag:s15] =	ssyncadd.s32 @!p1 $0xFFFFE000;
	s10 =	smov.u32 s16  }
.LBB1_1:
0x1e: {  	p1 =	sge.u32 s11, s5  }
0x1f: {  	s14 =	sand.u32 @!p1 $0x1FFFFFF, s9  }
0x20: {  	s15 =	smulhi.u32 @!p1 $0x147AE15, s14;
	_ =	sdelay $0x1  }
0x21: {  	s15 =	smul.u32 @!p1 $0xC8, s15  }
0x22: {  	s16 =	sxor.u32 @!p1 $0xFFFFFFFF, s11;
	s17 =	smul.u32 @!p1 $0xC80, s10  }
0x23: {  	s31 =	sadd.s32 $0xFFFFFFFF, s11;
	s16 =	sshll.u32 @!p1 s16, $0xD;
	s14 =	ssub.s32 @!p1 s14, s15  }
0x24: {  	s15 =	sand.u32 @!p1 $0x2000, s16;
	s16 =	sadd.s32 @!p1 s6, s17;
	s14 =	sshll.u32 @!p1 s14, $0x4  }
0x25: {  	s17 =	simm.s32 @!p1 $0x6400;
	s14 =	sadd.s32 @!p1 s14, s16;
	s16 =	simm.s32 @!p1 $0x40  }
0x26: {  	[tilespmem:s15], [sflag:$0x1] =	stream.strided.gather @!p1 [hbm4b:s14+s16], $0x2000, s17, s16, $0x38;
	[tilespmem:$0x8080] =	vst v63  }
0x27: {  	p1 =	sge.u32 s31, s5  }
.Ltmp2:
0x28: {  	_ = 	snop;
	(pc) =	sbr.rel @p1 .LBB1_5-.Ltmp2, $1  }
0x29: {  	_ =	sdelay $0x3  }
0x2a: {  	s14 =	simm.s32 $0x1  }
0x2b: {  	_ =	swait.ge [sflag:s4], $0x2000;
	s14 =	simm.s32 @!p0 $0x0  }
0x2c: {  	[sflag:s4] =	ssyncset.done $0x0;
	s15 =	sshll.u32 s14, $0xD  }
0x2d: {  	[sflag:s4] =	ssyncadd.s32 $0xFFFFE000;
	s18 =	sor.u32 $0x20, s15  }
0x2e: {  	s14 =	smul.u32 $0x8100, s14;
	v3 =	vld [tilespmem:s18+$0x10]  }
0x2f: {  	s30 =	sand.u32 $0x1, s11;
	v2 =	vld [tilespmem:s18+$0xFFFFFFF0]  }
0x30: {  	s15 =	smul.u32 $0x8100, s30;
	s14 =	sshrl.u32 s14, $0x2;
	v0 =	vld [tilespmem:s18+$0x0]  }
0x31: {  	v1 =	vld [tilespmem:s18+$0xFFFFFFE0];
	s16 =	sor.u32 $0x4000, s14  }
0x32: {  	s31 =	sshrl.u32 s15, $0x2;
	s15 =	sadd.s32 $0x0, s16  }
0x33: {  	s17 =	simm.s32 $0x4;
	s18 =	sadd.s32 $0x40, s18;
	s14 =	sor.u32 $0x4000, s31;
	[tilespmem:s15+$0x1830 ss:$0x81] =	vst.msk $0xffff, v3  }
.LBB1_3:
0x34: {  	v3 =	vld [tilespmem:s18+$0x10];
	p1 =	sne.s32 s17, $0x1FC;
	[tilespmem:s15+$0x810 ss:$0x81] =	vst.msk $0xffff, v2;
	s19 =	smov.u32 s17;
	s17 =	sadd.s32 $0x4, s17  }
.Ltmp3:
0x35: {  	v2 =	vld [tilespmem:s18+$0xFFFFFFF0];
	[tilespmem:s15+$0x1020 ss:$0x81] =	vst.msk $0xffff, v0;
	(pc) =	sbr.rel @p1 .LBB1_3-.Ltmp3, $4  }
0x36: {  	v0 =	vld [tilespmem:s18+$0x0];
	[tilespmem:s15+$0x0 ss:$0x81] =	vst.msk $0xffff, v1  }
0x37: {  	s15 =	sshra.s32 s19, $0x2;
	v1 =	vld [tilespmem:s18+$0xFFFFFFE0]  }
0x38: {  	s15 =	sadd.s32 s15, s16  }
0x39: {  	s18 =	sadd.s32 $0x40, s18;
	[tilespmem:s15+$0x1830 ss:$0x81] =	vst.msk $0xffff, v3  }
.Ltmp4:
0x3a: {  	_ = 	snop;
	(pc) =	sbr.rel .LBB1_4-.Ltmp4, $1  }
0x3b: {  	_ =	sdelay $0x3  }
.LBB1_6:
0x3c: {  	_ =	sfence.sel $0x180000  }
0x3d: {  	s2 =	simm.s32 $0x1;
	[bflag:$0x0] =	sbarrier.arrive $0xFFFF  }
0x3e: {  	s31 =	simm.s32 $0x2;
	[sflag:s2] =	ssyncpa.u1 $0x1  }
0x3f: {  	[sflag:s31] =	ssyncpa.u1 $0x1  }
0x40: {  	p0 =	sne.s32 s0, $0x0;
	_ =	strace $0x9000004A  }
0x41: {  	s0 =	sadd.s32 @!p0 $0x100000, s1;
	[bflag:$0x2] =	sbarrier.arrive $0xFFFF  }
0x42: {  	[sflag:s0] =	ssyncadd.tile.s32 @!p0 $0x1;
	_ =	shalt  }
.Lfunc_end1:
_tile_overlayer_lowered:
.L_overlay_start_2:
0x43: {  	(tag) =	ssettag $0x2  }
0x44: {  	s0 =	rddreg [dreg:$0x0];
	s2 =	stileid.u32  }
0x45: {  	s1 =	rddreg [dreg:$0x1];
	p0 =	sne.s32 s2, $0x0  }
0x46: {  	s3 =	rddreg [dreg:$0x2];
	[bflag:$0x3] =	sbarrier.arrive $0xFFFF;
	s2 =	simm.s32 @!p0 $0x1C01  }
0x47: {  	[timem:s3], [sflag:s2] =	dma.local @!p0 [hbm:s0], s1  }
0x48: {  	s0 =	simm.s32 @!p0 $0x1  }
0x49: {  	_ =	swait.ge @!p0 [sflag:s0], s1  }
0x4a: {  	s1 =	ssub.s32 @!p0 $0x0, s1;
	[sflag:s0] =	ssyncset.done @!p0 $0x0  }
0x4b: {  	[sflag:s0] =	ssyncadd.s32 @!p0 s1  }
0x4c: {  	[bflag:$0x3] =	sbarrier.arrive $0xFFFF  }
0x4d: {  	_ =	shalt  }

</sc_bundles>
